<compile_context>
chip_gen: v7x
topology: tpu7x:2x2x1
jax: 0.10.2.dev20260603
libtpu: 0.0.44.dev20260713+nightly
codegen_flags: <defaults>
</compile_context>

<pallas_src>
import functools

import jax
import jax.numpy as jnp
from jax import lax
from jax.experimental import pallas as pl
from jax.experimental.pallas import tpu as pltpu
from jax.experimental.pallas import tpu_sc as plsc

BATCH = 16384
MF_DIM = 64
MLP_DIM = 128

_NC = 2
_NS = 16
_NW = _NC * _NS
_BPW = BATCH // _NW
_CHUNK = 128
_NCHUNK = _BPW // _CHUNK


_MESH = plsc.VectorSubcoreMesh(
    core_axis_name="c", subcore_axis_name="s",
    num_cores=_NC, num_subcores=_NS)


_GCH = 64
_NGCH = _BPW // _GCH


def _sc_gather_all(user, item, mlp_u, mlp_i, mfcat):

  @functools.partial(
      pl.kernel,
      out_type=[
          jax.ShapeDtypeStruct((BATCH, MLP_DIM), jnp.float32),
          jax.ShapeDtypeStruct((BATCH, MLP_DIM), jnp.float32),
          jax.ShapeDtypeStruct((BATCH, 2 * MF_DIM), jnp.float32),
          jax.ShapeDtypeStruct((BATCH, 2 * MF_DIM), jnp.float32),
      ],
      mesh=_MESH,
      compiler_params=pltpu.CompilerParams(skip_device_barrier=True),
      scratch_types=[
          pltpu.VMEM((_BPW,), jnp.int32),
          pltpu.VMEM((_BPW,), jnp.int32),
          pltpu.VMEM((2, _GCH, MLP_DIM), jnp.float32),
          pltpu.VMEM((2, _GCH, MLP_DIM), jnp.float32),
          pltpu.VMEM((2, _GCH, 2 * MF_DIM), jnp.float32),
          pltpu.VMEM((2, _GCH, 2 * MF_DIM), jnp.float32),
          pltpu.SemaphoreType.DMA,
          pltpu.SemaphoreType.DMA,
      ],
  )
  def k(user_h, item_h, mlpu_h, mlpi_h, mfcat_h,
        omlpu_h, omlpi_h, omfu_h, omfi_h,
        uidx, iidx, bufc, bufd, bufa, bufb, gsem, wsem):
    wid = lax.axis_index("s") * _NC + lax.axis_index("c")
    pltpu.sync_copy(user_h.at[pl.ds(wid * _BPW, _BPW)], uidx)
    pltpu.sync_copy(item_h.at[pl.ds(wid * _BPW, _BPW)], iidx)
    writes = [None, None]
    for c in range(_NGCH):
      b = c % 2
      base = wid * _BPW + c * _GCH
      if writes[b] is not None:
        for w in writes[b]:
          w.wait()
      uc = uidx.at[pl.ds(c * _GCH, _GCH)]
      ic = iidx.at[pl.ds(c * _GCH, _GCH)]
      cc = pltpu.async_copy(mlpu_h.at[uc], bufc.at[b], gsem)
      cd = pltpu.async_copy(mlpi_h.at[ic], bufd.at[b], gsem)
      ca = pltpu.async_copy(mfcat_h.at[uc], bufa.at[b], gsem)
      cb = pltpu.async_copy(mfcat_h.at[ic], bufb.at[b], gsem)
      cc.wait()
      wc = pltpu.async_copy(bufc.at[b], omlpu_h.at[pl.ds(base, _GCH)], wsem)
      cd.wait()
      wd = pltpu.async_copy(bufd.at[b], omlpi_h.at[pl.ds(base, _GCH)], wsem)
      ca.wait()
      wa = pltpu.async_copy(bufa.at[b], omfu_h.at[pl.ds(base, _GCH)], wsem)
      cb.wait()
      wb = pltpu.async_copy(bufb.at[b], omfi_h.at[pl.ds(base, _GCH)], wsem)
      writes[b] = (wc, wd, wa, wb)
    for ws in writes:
      for w in ws:
        w.wait()

  return k(user, item, mlp_u, mlp_i, mfcat)


_BT = 4096


_TBC = 8192


def _tc_transpose_body(ut_ref, it_ref, eye_ref, out_ref):
  x2 = jnp.concatenate([ut_ref[...], it_ref[...]], axis=0)
  out_ref[...] = jax.lax.dot_general(
      x2, eye_ref[...], (((0,), (0,)), ((), ())),
      preferred_element_type=jnp.float32)


def _tc_build_mfcat(mf_uT, mf_iT, n_rows):
  grid = (-(-n_rows // _TBC),)
  eye = jnp.eye(2 * MF_DIM, dtype=jnp.float32)
  return pl.pallas_call(
      _tc_transpose_body,
      grid=grid,
      in_specs=[
          pl.BlockSpec((MF_DIM, _TBC), lambda i: (0, i)),
          pl.BlockSpec((MF_DIM, _TBC), lambda i: (0, i)),
          pl.BlockSpec((2 * MF_DIM, 2 * MF_DIM), lambda i: (0, 0)),
      ],
      out_specs=pl.BlockSpec((_TBC, 2 * MF_DIM), lambda i: (i, 0)),
      out_shape=jax.ShapeDtypeStruct((n_rows, 2 * MF_DIM), jnp.float32),
      compiler_params=pltpu.CompilerParams(
          dimension_semantics=("arbitrary",),
          fuse_transposed_lhs_in_matmul=True,
          skip_device_barrier=True),
  )(mf_uT, mf_iT, eye)


def _tc_body(mfu, mfi, mlpu, mlpi, w1u, w1i, b1, w2, b2, wo, bo, out):
  x = jnp.dot(mlpu[...], w1u[...], preferred_element_type=jnp.float32)
  x = x + jnp.dot(mlpi[...], w1i[...], preferred_element_type=jnp.float32)
  h1 = jnp.maximum(x + b1[...], 0.0)
  h2 = jnp.maximum(
      jnp.dot(h1, w2[...], preferred_element_type=jnp.float32) + b2[...], 0.0)
  g = mfu[...][:, :MF_DIM] * mfi[...][:, MF_DIM:]
  p = jnp.concatenate([g, h2], axis=1)
  z = jax.lax.dot_general(wo[...], p, (((1,), (1,)), ((), ())),
                          preferred_element_type=jnp.float32)
  out[...] = jax.nn.sigmoid(z + bo[...])


def _tc_mlp(mfu, mfi, mlpu, mlpi, W1, b1, W2, b2, W_out, b_out):
  w1t = W1.T
  w1u = w1t[:MLP_DIM]
  w1i = w1t[MLP_DIM:]
  w2t = W2.T
  b1r = b1.reshape(1, -1)
  b2r = b2.reshape(1, -1)
  wo = W_out.reshape(1, -1)
  bo = b_out.reshape(1, 1)

  grid = (BATCH // _BT,)
  bspec_row = lambda d: pl.BlockSpec((_BT, d), lambda i: (i, 0))
  bspec_full = lambda s: pl.BlockSpec(s, lambda i: (0, 0))
  return pl.pallas_call(
      _tc_body,
      grid=grid,
      in_specs=[
          bspec_row(2 * MF_DIM), bspec_row(2 * MF_DIM),
          bspec_row(MLP_DIM), bspec_row(MLP_DIM),
          bspec_full((MLP_DIM, 128)), bspec_full((MLP_DIM, 128)),
          bspec_full((1, 128)),
          bspec_full((128, 64)), bspec_full((1, 64)),
          bspec_full((1, 128)), bspec_full((1, 1)),
      ],
      out_specs=pl.BlockSpec((1, _BT), lambda i: (0, i)),
      out_shape=jax.ShapeDtypeStruct((1, BATCH), jnp.float32),
      compiler_params=pltpu.CompilerParams(
          dimension_semantics=("arbitrary",),
          skip_device_barrier=True),
  )(mfu, mfi, mlpu, mlpi, w1u, w1i, b1r, w2t, b2r, wo, bo)


def kernel(user, item, mf_emb_user, mf_emb_item, mlp_emb_user, mlp_emb_item,
           W1, b1, W2, b2, W_out, b_out):
  user = user.astype(jnp.int32)
  item = item.astype(jnp.int32)
  mfcat = _tc_build_mfcat(mf_emb_user.T, mf_emb_item.T,
                          mf_emb_user.shape[0])
  mlpu, mlpi, mfu, mfi = _sc_gather_all(
      user, item, mlp_emb_user, mlp_emb_item, mfcat)
  return _tc_mlp(mfu, mfi, mlpu, mlpi, W1, b1, W2, b2, W_out, b_out).T

# --- scband reference (transcript-rebuilt; emitter-appended) ---
"""Pipeline reference for scband-neu-mf-45079976739425 (READ-ONLY COPY).

The authoritative reference and input builder live on the scoring server;
editing this copy changes nothing except your own understanding.
"""

import jax, jax.numpy as jnp
import numpy as np

NUM_USERS = 100000
NUM_ITEMS = 100000
MF_DIM = 64
LAYERS = [256, 128, 64]
BATCH = 16384


def setup_inputs(seed: int = 0) -> dict:
    key = jax.random.key(seed)
    ks = jax.random.split(key, 12)
    user = jax.random.randint(ks[0], (BATCH,), 0, NUM_USERS)
    item = jax.random.randint(ks[1], (BATCH,), 0, NUM_ITEMS)
    mf_emb_user = jax.random.normal(ks[2], (NUM_USERS, MF_DIM), dtype=jnp.float32) * 0.01
    mf_emb_item = jax.random.normal(ks[3], (NUM_ITEMS, MF_DIM), dtype=jnp.float32) * 0.01
    mlp_emb_user = jax.random.normal(ks[4], (NUM_USERS, LAYERS[0] // 2), dtype=jnp.float32) * 0.01
    mlp_emb_item = jax.random.normal(ks[5], (NUM_ITEMS, LAYERS[0] // 2), dtype=jnp.float32) * 0.01
    W1 = jax.random.normal(ks[6], (LAYERS[1], LAYERS[0]), dtype=jnp.float32) * (1.0 / np.sqrt(LAYERS[0]))
    b1 = jnp.zeros((LAYERS[1],), dtype=jnp.float32)
    W2 = jax.random.normal(ks[7], (LAYERS[2], LAYERS[1]), dtype=jnp.float32) * (1.0 / np.sqrt(LAYERS[1]))
    b2 = jnp.zeros((LAYERS[2],), dtype=jnp.float32)
    W_out = jax.random.normal(ks[8], (1, LAYERS[-1] + MF_DIM), dtype=jnp.float32) * (1.0 / np.sqrt(LAYERS[-1] + MF_DIM))
    b_out = jnp.zeros((1,), dtype=jnp.float32)
    return {
        "user": user,
        "item": item,
        "mf_emb_user": mf_emb_user,
        "mf_emb_item": mf_emb_item,
        "mlp_emb_user": mlp_emb_user,
        "mlp_emb_item": mlp_emb_item,
        "W1": W1,
        "b1": b1,
        "W2": W2,
        "b2": b2,
        "W_out": W_out,
        "b_out": b_out,
    }


def reference(user, item, mf_emb_user, mf_emb_item, mlp_emb_user, mlp_emb_item, W1, b1, W2, b2, W_out, b_out):
    mf_user_embeddings = jnp.take(mf_emb_user, user, axis=0)
    mf_item_embeddings = jnp.take(mf_emb_item, item, axis=0)
    mlp_user_embeddings = jnp.take(mlp_emb_user, user, axis=0)
    mlp_item_embeddings = jnp.take(mlp_emb_item, item, axis=0)
    gmf = mf_user_embeddings * mf_item_embeddings
    mlp = jnp.concatenate((mlp_user_embeddings, mlp_item_embeddings), axis=-1)
    mlp = jax.nn.relu(mlp @ W1.T + b1)
    mlp = jax.nn.relu(mlp @ W2.T + b2)
    predict = jnp.concatenate((gmf, mlp), axis=-1)
    predict = jax.nn.sigmoid(predict @ W_out.T + b_out)
    return predict

if __name__ == "__main__":
    import jax
    _d = setup_inputs()
    print(jax.jit(kernel)(*tuple(_d.values())))

</pallas_src>

<mosaic_0001>
#map = affine_map<(d0, d1) -> (0)>
#map1 = affine_map<(d0, d1) -> (0, 0)>
module attributes {stable_mosaic.version = 14 : i64} {
  func.func @k(%arg0: i32, %arg1: i32, %arg2: memref<16384xi32, #tpu.memory_space<hbm>>, %arg3: memref<16384xi32, #tpu.memory_space<hbm>>, %arg4: memref<100000x128xf32, #tpu.memory_space<hbm>>, %arg5: memref<100000x128xf32, #tpu.memory_space<hbm>>, %arg6: memref<100000x128xf32, #tpu.memory_space<hbm>>, %arg7: memref<16384x128xf32, #tpu.memory_space<hbm>>, %arg8: memref<16384x128xf32, #tpu.memory_space<hbm>>, %arg9: memref<16384x128xf32, #tpu.memory_space<hbm>>, %arg10: memref<16384x128xf32, #tpu.memory_space<hbm>>, %arg11: memref<512xi32, #tpu.memory_space<vmem>>, %arg12: memref<512xi32, #tpu.memory_space<vmem>>, %arg13: memref<2x64x128xf32, #tpu.memory_space<vmem>>, %arg14: memref<2x64x128xf32, #tpu.memory_space<vmem>>, %arg15: memref<2x64x128xf32, #tpu.memory_space<vmem>>, %arg16: memref<2x64x128xf32, #tpu.memory_space<vmem>>, %arg17: memref<!tpu.dma_semaphore, #tpu.memory_space<semaphore_mem>>, %arg18: memref<!tpu.dma_semaphore, #tpu.memory_space<semaphore_mem>>) attributes {dimension_semantics = [#tpu.dimension_semantics<core_parallel>, #tpu.dimension_semantics<subcore_parallel>], iteration_bounds = array<i64: 2, 16>, scalar_prefetch = 0 : i64, scratch_operands = 8 : i64, tpu.core_type = #tpu.core_type<sc_vector_subcore>, window_params = [{transform_indices = #map}, {transform_indices = #map}, {transform_indices = #map1}, {transform_indices = #map1}, {transform_indices = #map1}, {transform_indices = #map1}, {transform_indices = #map1}, {transform_indices = #map1}, {transform_indices = #map1}]} {
    %mul3A = arith.constant 2 : i32
    %mul3A_0 = arith.muli %arg1, %mul3A : i32
    %add3A = arith.addi %mul3A_0, %arg0 : i32
    %mul3A_1 = arith.constant 512 : i32
    %mul3A_2 = arith.muli %add3A, %mul3A_1 : i32
    "tpu.region"() ({
      %run_scoped3A = tpu.sem_alloc : memref<!tpu.dma_semaphore, #tpu.memory_space<semaphore_mem>>
      %dma_start3A_1507 = tpu.memref_slice %arg2[%mul3A_2] : memref<16384xi32, #tpu.memory_space<hbm>> -> memref<512xi32, #tpu.memory_space<hbm>>
      %dma_start3A_1508 = tpu.memref_slice %arg2[%mul3A_2] : memref<16384xi32, #tpu.memory_space<hbm>> -> memref<512xi32, #tpu.memory_space<hbm>>
      tpu.enqueue_dma source(%dma_start3A_1508 : memref<512xi32, #tpu.memory_space<hbm>>) target(%arg11 : memref<512xi32, #tpu.memory_space<vmem>>) target_semaphore(%run_scoped3A : memref<!tpu.dma_semaphore, #tpu.memory_space<semaphore_mem>>)
      %dma_wait3A_1509 = tpu.memref_slice %arg2[%mul3A_2] : memref<16384xi32, #tpu.memory_space<hbm>> -> memref<512xi32, #tpu.memory_space<hbm>>
      %dma_wait3A_1510 = tpu.memref_slice %arg2[%mul3A_2] : memref<16384xi32, #tpu.memory_space<hbm>> -> memref<512xi32, #tpu.memory_space<hbm>>
      tpu.wait_dma2 semaphore(%run_scoped3A : memref<!tpu.dma_semaphore, #tpu.memory_space<semaphore_mem>>) src(%dma_wait3A_1510 : memref<512xi32, #tpu.memory_space<hbm>>) dst(%arg11 : memref<512xi32, #tpu.memory_space<vmem>>)
      tpu.yield
    }) : () -> ()
    %mul3A_3 = arith.constant 512 : i32
    %mul3A_4 = arith.muli %add3A, %mul3A_3 : i32
    "tpu.region"() ({
      %run_scoped3A = tpu.sem_alloc : memref<!tpu.dma_semaphore, #tpu.memory_space<semaphore_mem>>
      %dma_start3A_1507 = tpu.memref_slice %arg3[%mul3A_4] : memref<16384xi32, #tpu.memory_space<hbm>> -> memref<512xi32, #tpu.memory_space<hbm>>
      %dma_start3A_1508 = tpu.memref_slice %arg3[%mul3A_4] : memref<16384xi32, #tpu.memory_space<hbm>> -> memref<512xi32, #tpu.memory_space<hbm>>
      tpu.enqueue_dma source(%dma_start3A_1508 : memref<512xi32, #tpu.memory_space<hbm>>) target(%arg12 : memref<512xi32, #tpu.memory_space<vmem>>) target_semaphore(%run_scoped3A : memref<!tpu.dma_semaphore, #tpu.memory_space<semaphore_mem>>)
      %dma_wait3A_1509 = tpu.memref_slice %arg3[%mul3A_4] : memref<16384xi32, #tpu.memory_space<hbm>> -> memref<512xi32, #tpu.memory_space<hbm>>
      %dma_wait3A_1510 = tpu.memref_slice %arg3[%mul3A_4] : memref<16384xi32, #tpu.memory_space<hbm>> -> memref<512xi32, #tpu.memory_space<hbm>>
      tpu.wait_dma2 semaphore(%run_scoped3A : memref<!tpu.dma_semaphore, #tpu.memory_space<semaphore_mem>>) src(%dma_wait3A_1510 : memref<512xi32, #tpu.memory_space<hbm>>) dst(%arg12 : memref<512xi32, #tpu.memory_space<vmem>>)
      tpu.yield
    }) : () -> ()
    %mul3A_5 = arith.constant 512 : i32
    %mul3A_6 = arith.muli %add3A, %mul3A_5 : i32
    %add3A_7 = arith.constant 0 : i32
    %add3A_8 = arith.addi %mul3A_6, %add3A_7 : i32
    %dma_start3A = arith.constant 0 : i32
    %dma_start3A_9 = arith.constant 0 : i32
    %dma_start3A_10 = arith.constant 0 : i32
    %dma_start3A_11 = tpu.memref_slice %arg13[%dma_start3A, %dma_start3A_9, %dma_start3A_10] : memref<2x64x128xf32, #tpu.memory_space<vmem>> -> memref<1x64x128xf32, #tpu.memory_space<vmem>>
    %dma_start3A_12 = tpu.memref_squeeze %dma_start3A_11 : memref<1x64x128xf32, #tpu.memory_space<vmem>> -> memref<64x128xf32, #tpu.memory_space<vmem>>
    %dma_start3A_13 = arith.constant 0 : i32
    %dma_start3A_14 = tpu.memref_slice %arg11[%dma_start3A_13] : memref<512xi32, #tpu.memory_space<vmem>> -> memref<64xi32, #tpu.memory_space<vmem>>
    %dma_start3A_15 = arith.constant 0 : i32
    %dma_start3A_16 = arith.constant 0 : i32
    %dma_start3A_17 = tpu.memref_slice %arg4[%dma_start3A_15, %dma_start3A_16] : memref<100000x128xf32, #tpu.memory_space<hbm>> -> memref<100000x128xf32, #tpu.memory_space<hbm>>
    tpu.enqueue_indirect_dma source(%dma_start3A_17 : memref<100000x128xf32, #tpu.memory_space<hbm>>) target(%dma_start3A_12 : memref<64x128xf32, #tpu.memory_space<vmem>>) offsets(%dma_start3A_14 : memref<64xi32, #tpu.memory_space<vmem>>) semaphore(%arg17 : memref<!tpu.dma_semaphore, #tpu.memory_space<semaphore_mem>>)
    %dma_start3A_18 = arith.constant 0 : i32
    %dma_start3A_19 = arith.constant 0 : i32
    %dma_start3A_20 = arith.constant 0 : i32
    %dma_start3A_21 = tpu.memref_slice %arg14[%dma_start3A_18, %dma_start3A_19, %dma_start3A_20] : memref<2x64x128xf32, #tpu.memory_space<vmem>> -> memref<1x64x128xf32, #tpu.memory_space<vmem>>
    %dma_start3A_22 = tpu.memref_squeeze %dma_start3A_21 : memref<1x64x128xf32, #tpu.memory_space<vmem>> -> memref<64x128xf32, #tpu.memory_space<vmem>>
    %dma_start3A_23 = arith.constant 0 : i32
    %dma_start3A_24 = tpu.memref_slice %arg12[%dma_start3A_23] : memref<512xi32, #tpu.memory_space<vmem>> -> memref<64xi32, #tpu.memory_space<vmem>>
    %dma_start3A_25 = arith.constant 0 : i32
    %dma_start3A_26 = arith.constant 0 : i32
    %dma_start3A_27 = tpu.memref_slice %arg5[%dma_start3A_25, %dma_start3A_26] : memref<100000x128xf32, #tpu.memory_space<hbm>> -> memref<100000x128xf32, #tpu.memory_space<hbm>>
    tpu.enqueue_indirect_dma source(%dma_start3A_27 : memref<100000x128xf32, #tpu.memory_space<hbm>>) target(%dma_start3A_22 : memref<64x128xf32, #tpu.memory_space<vmem>>) offsets(%dma_start3A_24 : memref<64xi32, #tpu.memory_space<vmem>>) semaphore(%arg17 : memref<!tpu.dma_semaphore, #tpu.memory_space<semaphore_mem>>)
    %dma_start3A_28 = arith.constant 0 : i32
    %dma_start3A_29 = arith.constant 0 : i32
    %dma_start3A_30 = arith.constant 0 : i32
    %dma_start3A_31 = tpu.memref_slice %arg15[%dma_start3A_28, %dma_start3A_29, %dma_start3A_30] : memref<2x64x128xf32, #tpu.memory_space<vmem>> -> memref<1x64x128xf32, #tpu.memory_space<vmem>>
    %dma_start3A_32 = tpu.memref_squeeze %dma_start3A_31 : memref<1x64x128xf32, #tpu.memory_space<vmem>> -> memref<64x128xf32, #tpu.memory_space<vmem>>
    %dma_start3A_33 = arith.constant 0 : i32
    %dma_start3A_34 = tpu.memref_slice %arg11[%dma_start3A_33] : memref<512xi32, #tpu.memory_space<vmem>> -> memref<64xi32, #tpu.memory_space<vmem>>
    %dma_start3A_35 = arith.constant 0 : i32
    %dma_start3A_36 = arith.constant 0 : i32
    %dma_start3A_37 = tpu.memref_slice %arg6[%dma_start3A_35, %dma_start3A_36] : memref<100000x128xf32, #tpu.memory_space<hbm>> -> memref<100000x128xf32, #tpu.memory_space<hbm>>
    tpu.enqueue_indirect_dma source(%dma_start3A_37 : memref<100000x128xf32, #tpu.memory_space<hbm>>) target(%dma_start3A_32 : memref<64x128xf32, #tpu.memory_space<vmem>>) offsets(%dma_start3A_34 : memref<64xi32, #tpu.memory_space<vmem>>) semaphore(%arg17 : memref<!tpu.dma_semaphore, #tpu.memory_space<semaphore_mem>>)
    %dma_start3A_38 = arith.constant 0 : i32
    %dma_start3A_39 = arith.constant 0 : i32
    %dma_start3A_40 = arith.constant 0 : i32
    %dma_start3A_41 = tpu.memref_slice %arg16[%dma_start3A_38, %dma_start3A_39, %dma_start3A_40] : memref<2x64x128xf32, #tpu.memory_space<vmem>> -> memref<1x64x128xf32, #tpu.memory_space<vmem>>
    %dma_start3A_42 = tpu.memref_squeeze %dma_start3A_41 : memref<1x64x128xf32, #tpu.memory_space<vmem>> -> memref<64x128xf32, #tpu.memory_space<vmem>>
    %dma_start3A_43 = arith.constant 0 : i32
    %dma_start3A_44 = tpu.memref_slice %arg12[%dma_start3A_43] : memref<512xi32, #tpu.memory_space<vmem>> -> memref<64xi32, #tpu.memory_space<vmem>>
    %dma_start3A_45 = arith.constant 0 : i32
    %dma_start3A_46 = arith.constant 0 : i32
    %dma_start3A_47 = tpu.memref_slice %arg6[%dma_start3A_45, %dma_start3A_46] : memref<100000x128xf32, #tpu.memory_space<hbm>> -> memref<100000x128xf32, #tpu.memory_space<hbm>>
    tpu.enqueue_indirect_dma source(%dma_start3A_47 : memref<100000x128xf32, #tpu.memory_space<hbm>>) target(%dma_start3A_42 : memref<64x128xf32, #tpu.memory_space<vmem>>) offsets(%dma_start3A_44 : memref<64xi32, #tpu.memory_space<vmem>>) semaphore(%arg17 : memref<!tpu.dma_semaphore, #tpu.memory_space<semaphore_mem>>)
    %dma_wait3A = arith.constant 0 : i32
    %dma_wait3A_48 = arith.constant 0 : i32
    %dma_wait3A_49 = arith.constant 0 : i32
    %dma_wait3A_50 = tpu.memref_slice %arg13[%dma_wait3A, %dma_wait3A_48, %dma_wait3A_49] : memref<2x64x128xf32, #tpu.memory_space<vmem>> -> memref<1x64x128xf32, #tpu.memory_space<vmem>>
    %dma_wait3A_51 = tpu.memref_squeeze %dma_wait3A_50 : memref<1x64x128xf32, #tpu.memory_space<vmem>> -> memref<64x128xf32, #tpu.memory_space<vmem>>
    %dma_wait3A_52 = arith.constant 0 : i32
    %dma_wait3A_53 = tpu.memref_slice %arg11[%dma_wait3A_52] : memref<512xi32, #tpu.memory_space<vmem>> -> memref<64xi32, #tpu.memory_space<vmem>>
    %dma_wait3A_54 = arith.constant 0 : i32
    %dma_wait3A_55 = arith.constant 0 : i32
    %dma_wait3A_56 = tpu.memref_slice %arg4[%dma_wait3A_54, %dma_wait3A_55] : memref<100000x128xf32, #tpu.memory_space<hbm>> -> memref<100000x128xf32, #tpu.memory_space<hbm>>
    tpu.wait_indirect_dma semaphore(%arg17 : memref<!tpu.dma_semaphore, #tpu.memory_space<semaphore_mem>>) src(%dma_wait3A_56 : memref<100000x128xf32, #tpu.memory_space<hbm>>) dst(%dma_wait3A_51 : memref<64x128xf32, #tpu.memory_space<vmem>>)
    %dma_start3A_57 = arith.constant 0 : i32
    %dma_start3A_58 = arith.constant 0 : i32
    %dma_start3A_59 = arith.constant 0 : i32
    %dma_start3A_60 = tpu.memref_slice %arg13[%dma_start3A_57, %dma_start3A_58, %dma_start3A_59] : memref<2x64x128xf32, #tpu.memory_space<vmem>> -> memref<1x64x128xf32, #tpu.memory_space<vmem>>
    %dma_start3A_61 = tpu.memref_squeeze %dma_start3A_60 : memref<1x64x128xf32, #tpu.memory_space<vmem>> -> memref<64x128xf32, #tpu.memory_space<vmem>>
    %dma_start3A_62 = arith.constant 0 : i32
    %dma_start3A_63 = tpu.memref_slice %arg7[%add3A_8, %dma_start3A_62] : memref<16384x128xf32, #tpu.memory_space<hbm>> -> memref<64x128xf32, #tpu.memory_space<hbm>>
    %dma_start3A_64 = arith.constant 0 : i32
    %dma_start3A_65 = tpu.memref_slice %arg7[%add3A_8, %dma_start3A_64] : memref<16384x128xf32, #tpu.memory_space<hbm>> -> memref<64x128xf32, #tpu.memory_space<hbm>>
    %dma_start3A_66 = arith.constant 0 : i32
    %dma_start3A_67 = arith.constant 0 : i32
    %dma_start3A_68 = tpu.memref_slice %arg13[%dma_start3A_57, %dma_start3A_66, %dma_start3A_67] : memref<2x64x128xf32, #tpu.memory_space<vmem>> -> memref<1x64x128xf32, #tpu.memory_space<vmem>>
    %dma_start3A_69 = tpu.memref_squeeze %dma_start3A_68 : memref<1x64x128xf32, #tpu.memory_space<vmem>> -> memref<64x128xf32, #tpu.memory_space<vmem>>
    tpu.enqueue_dma source(%dma_start3A_69 : memref<64x128xf32, #tpu.memory_space<vmem>>) target(%dma_start3A_65 : memref<64x128xf32, #tpu.memory_space<hbm>>) target_semaphore(%arg18 : memref<!tpu.dma_semaphore, #tpu.memory_space<semaphore_mem>>)
    %dma_wait3A_70 = arith.constant 0 : i32
    %dma_wait3A_71 = arith.constant 0 : i32
    %dma_wait3A_72 = arith.constant 0 : i32
    %dma_wait3A_73 = tpu.memref_slice %arg14[%dma_wait3A_70, %dma_wait3A_71, %dma_wait3A_72] : memref<2x64x128xf32, #tpu.memory_space<vmem>> -> memref<1x64x128xf32, #tpu.memory_space<vmem>>
    %dma_wait3A_74 = tpu.memref_squeeze %dma_wait3A_73 : memref<1x64x128xf32, #tpu.memory_space<vmem>> -> memref<64x128xf32, #tpu.memory_space<vmem>>
    %dma_wait3A_75 = arith.constant 0 : i32
    %dma_wait3A_76 = tpu.memref_slice %arg12[%dma_wait3A_75] : memref<512xi32, #tpu.memory_space<vmem>> -> memref<64xi32, #tpu.memory_space<vmem>>
    %dma_wait3A_77 = arith.constant 0 : i32
    %dma_wait3A_78 = arith.constant 0 : i32
    %dma_wait3A_79 = tpu.memref_slice %arg5[%dma_wait3A_77, %dma_wait3A_78] : memref<100000x128xf32, #tpu.memory_space<hbm>> -> memref<100000x128xf32, #tpu.memory_space<hbm>>
    tpu.wait_indirect_dma semaphore(%arg17 : memref<!tpu.dma_semaphore, #tpu.memory_space<semaphore_mem>>) src(%dma_wait3A_79 : memref<100000x128xf32, #tpu.memory_space<hbm>>) dst(%dma_wait3A_74 : memref<64x128xf32, #tpu.memory_space<vmem>>)
    %dma_start3A_80 = arith.constant 0 : i32
    %dma_start3A_81 = arith.constant 0 : i32
    %dma_start3A_82 = arith.constant 0 : i32
    %dma_start3A_83 = tpu.memref_slice %arg14[%dma_start3A_80, %dma_start3A_81, %dma_start3A_82] : memref<2x64x128xf32, #tpu.memory_space<vmem>> -> memref<1x64x128xf32, #tpu.memory_space<vmem>>
    %dma_start3A_84 = tpu.memref_squeeze %dma_start3A_83 : memref<1x64x128xf32, #tpu.memory_space<vmem>> -> memref<64x128xf32, #tpu.memory_space<vmem>>
    %dma_start3A_85 = arith.constant 0 : i32
    %dma_start3A_86 = tpu.memref_slice %arg8[%add3A_8, %dma_start3A_85] : memref<16384x128xf32, #tpu.memory_space<hbm>> -> memref<64x128xf32, #tpu.memory_space<hbm>>
    %dma_start3A_87 = arith.constant 0 : i32
    %dma_start3A_88 = tpu.memref_slice %arg8[%add3A_8, %dma_start3A_87] : memref<16384x128xf32, #tpu.memory_space<hbm>> -> memref<64x128xf32, #tpu.memory_space<hbm>>
    %dma_start3A_89 = arith.constant 0 : i32
    %dma_start3A_90 = arith.constant 0 : i32
    %dma_start3A_91 = tpu.memref_slice %arg14[%dma_start3A_80, %dma_start3A_89, %dma_start3A_90] : memref<2x64x128xf32, #tpu.memory_space<vmem>> -> memref<1x64x128xf32, #tpu.memory_space<vmem>>
    %dma_start3A_92 = tpu.memref_squeeze %dma_start3A_91 : memref<1x64x128xf32, #tpu.memory_space<vmem>> -> memref<64x128xf32, #tpu.memory_space<vmem>>
    tpu.enqueue_dma source(%dma_start3A_92 : memref<64x128xf32, #tpu.memory_space<vmem>>) target(%dma_start3A_88 : memref<64x128xf32, #tpu.memory_space<hbm>>) target_semaphore(%arg18 : memref<!tpu.dma_semaphore, #tpu.memory_space<semaphore_mem>>)
    %dma_wait3A_93 = arith.constant 0 : i32
    %dma_wait3A_94 = arith.constant 0 : i32
    %dma_wait3A_95 = arith.constant 0 : i32
    %dma_wait3A_96 = tpu.memref_slice %arg15[%dma_wait3A_93, %dma_wait3A_94, %dma_wait3A_95] : memref<2x64x128xf32, #tpu.memory_space<vmem>> -> memref<1x64x128xf32, #tpu.memory_space<vmem>>
    %dma_wait3A_97 = tpu.memref_squeeze %dma_wait3A_96 : memref<1x64x128xf32, #tpu.memory_space<vmem>> -> memref<64x128xf32, #tpu.memory_space<vmem>>
    %dma_wait3A_98 = arith.constant 0 : i32
    %dma_wait3A_99 = tpu.memref_slice %arg11[%dma_wait3A_98] : memref<512xi32, #tpu.memory_space<vmem>> -> memref<64xi32, #tpu.memory_space<vmem>>
    %dma_wait3A_100 = arith.constant 0 : i32
    %dma_wait3A_101 = arith.constant 0 : i32
    %dma_wait3A_102 = tpu.memref_slice %arg6[%dma_wait3A_100, %dma_wait3A_101] : memref<100000x128xf32, #tpu.memory_space<hbm>> -> memref<100000x128xf32, #tpu.memory_space<hbm>>
    tpu.wait_indirect_dma semaphore(%arg17 : memref<!tpu.dma_semaphore, #tpu.memory_space<semaphore_mem>>) src(%dma_wait3A_102 : memref<100000x128xf32, #tpu.memory_space<hbm>>) dst(%dma_wait3A_97 : memref<64x128xf32, #tpu.memory_space<vmem>>)
    %dma_start3A_103 = arith.constant 0 : i32
    %dma_start3A_104 = arith.constant 0 : i32
    %dma_start3A_105 = arith.constant 0 : i32
    %dma_start3A_106 = tpu.memref_slice %arg15[%dma_start3A_103, %dma_start3A_104, %dma_start3A_105] : memref<2x64x128xf32, #tpu.memory_space<vmem>> -> memref<1x64x128xf32, #tpu.memory_space<vmem>>
    %dma_start3A_107 = tpu.memref_squeeze %dma_start3A_106 : memref<1x64x128xf32, #tpu.memory_space<vmem>> -> memref<64x128xf32, #tpu.memory_space<vmem>>
    %dma_start3A_108 = arith.constant 0 : i32
    %dma_start3A_109 = tpu.memref_slice %arg9[%add3A_8, %dma_start3A_108] : memref<16384x128xf32, #tpu.memory_space<hbm>> -> memref<64x128xf32, #tpu.memory_space<hbm>>
    %dma_start3A_110 = arith.constant 0 : i32
    %dma_start3A_111 = tpu.memref_slice %arg9[%add3A_8, %dma_start3A_110] : memref<16384x128xf32, #tpu.memory_space<hbm>> -> memref<64x128xf32, #tpu.memory_space<hbm>>
    %dma_start3A_112 = arith.constant 0 : i32
    %dma_start3A_113 = arith.constant 0 : i32
    %dma_start3A_114 = tpu.memref_slice %arg15[%dma_start3A_103, %dma_start3A_112, %dma_start3A_113] : memref<2x64x128xf32, #tpu.memory_space<vmem>> -> memref<1x64x128xf32, #tpu.memory_space<vmem>>
    %dma_start3A_115 = tpu.memref_squeeze %dma_start3A_114 : memref<1x64x128xf32, #tpu.memory_space<vmem>> -> memref<64x128xf32, #tpu.memory_space<vmem>>
    tpu.enqueue_dma source(%dma_start3A_115 : memref<64x128xf32, #tpu.memory_space<vmem>>) target(%dma_start3A_111 : memref<64x128xf32, #tpu.memory_space<hbm>>) target_semaphore(%arg18 : memref<!tpu.dma_semaphore, #tpu.memory_space<semaphore_mem>>)
    %dma_wait3A_116 = arith.constant 0 : i32
    %dma_wait3A_117 = arith.constant 0 : i32
    %dma_wait3A_118 = arith.constant 0 : i32
    %dma_wait3A_119 = tpu.memref_slice %arg16[%dma_wait3A_116, %dma_wait3A_117, %dma_wait3A_118] : memref<2x64x128xf32, #tpu.memory_space<vmem>> -> memref<1x64x128xf32, #tpu.memory_space<vmem>>
    %dma_wait3A_120 = tpu.memref_squeeze %dma_wait3A_119 : memref<1x64x128xf32, #tpu.memory_space<vmem>> -> memref<64x128xf32, #tpu.memory_space<vmem>>
    %dma_wait3A_121 = arith.constant 0 : i32
    %dma_wait3A_122 = tpu.memref_slice %arg12[%dma_wait3A_121] : memref<512xi32, #tpu.memory_space<vmem>> -> memref<64xi32, #tpu.memory_space<vmem>>
    %dma_wait3A_123 = arith.constant 0 : i32
    %dma_wait3A_124 = arith.constant 0 : i32
    %dma_wait3A_125 = tpu.memref_slice %arg6[%dma_wait3A_123, %dma_wait3A_124] : memref<100000x128xf32, #tpu.memory_space<hbm>> -> memref<100000x128xf32, #tpu.memory_space<hbm>>
    tpu.wait_indirect_dma semaphore(%arg17 : memref<!tpu.dma_semaphore, #tpu.memory_space<semaphore_mem>>) src(%dma_wait3A_125 : memref<100000x128xf32, #tpu.memory_space<hbm>>) dst(%dma_wait3A_120 : memref<64x128xf32, #tpu.memory_space<vmem>>)
    %dma_start3A_126 = arith.constant 0 : i32
    %dma_start3A_127 = arith.constant 0 : i32
    %dma_start3A_128 = arith.constant 0 : i32
    %dma_start3A_129 = tpu.memref_slice %arg16[%dma_start3A_126, %dma_start3A_127, %dma_start3A_128] : memref<2x64x128xf32, #tpu.memory_space<vmem>> -> memref<1x64x128xf32, #tpu.memory_space<vmem>>
    %dma_start3A_130 = tpu.memref_squeeze %dma_start3A_129 : memref<1x64x128xf32, #tpu.memory_space<vmem>> -> memref<64x128xf32, #tpu.memory_space<vmem>>
    %dma_start3A_131 = arith.constant 0 : i32
    %dma_start3A_132 = tpu.memref_slice %arg10[%add3A_8, %dma_start3A_131] : memref<16384x128xf32, #tpu.memory_space<hbm>> -> memref<64x128xf32, #tpu.memory_space<hbm>>
    %dma_start3A_133 = arith.constant 0 : i32
    %dma_start3A_134 = tpu.memref_slice %arg10[%add3A_8, %dma_start3A_133] : memref<16384x128xf32, #tpu.memory_space<hbm>> -> memref<64x128xf32, #tpu.memory_space<hbm>>
    %dma_start3A_135 = arith.constant 0 : i32
    %dma_start3A_136 = arith.constant 0 : i32
    %dma_start3A_137 = tpu.memref_slice %arg16[%dma_start3A_126, %dma_start3A_135, %dma_start3A_136] : memref<2x64x128xf32, #tpu.memory_space<vmem>> -> memref<1x64x128xf32, #tpu.memory_space<vmem>>
    %dma_start3A_138 = tpu.memref_squeeze %dma_start3A_137 : memref<1x64x128xf32, #tpu.memory_space<vmem>> -> memref<64x128xf32, #tpu.memory_space<vmem>>
    tpu.enqueue_dma source(%dma_start3A_138 : memref<64x128xf32, #tpu.memory_space<vmem>>) target(%dma_start3A_134 : memref<64x128xf32, #tpu.memory_space<hbm>>) target_semaphore(%arg18 : memref<!tpu.dma_semaphore, #tpu.memory_space<semaphore_mem>>)
    %mul3A_139 = arith.constant 512 : i32
    %mul3A_140 = arith.muli %add3A, %mul3A_139 : i32
    %add3A_141 = arith.constant 64 : i32
    %add3A_142 = arith.addi %mul3A_140, %add3A_141 : i32
    %dma_start3A_143 = arith.constant 1 : i32
    %dma_start3A_144 = arith.constant 0 : i32
    %dma_start3A_145 = arith.constant 0 : i32
    %dma_start3A_146 = tpu.memref_slice %arg13[%dma_start3A_143, %dma_start3A_144, %dma_start3A_145] : memref<2x64x128xf32, #tpu.memory_space<vmem>> -> memref<1x64x128xf32, #tpu.memory_space<vmem>>
    %dma_start3A_147 = tpu.memref_squeeze %dma_start3A_146 : memref<1x64x128xf32, #tpu.memory_space<vmem>> -> memref<64x128xf32, #tpu.memory_space<vmem>>
    %dma_start3A_148 = arith.constant 64 : i32
    %dma_start3A_149 = tpu.memref_slice %arg11[%dma_start3A_148] : memref<512xi32, #tpu.memory_space<vmem>> -> memref<64xi32, #tpu.memory_space<vmem>>
    %dma_start3A_150 = arith.constant 0 : i32
    %dma_start3A_151 = arith.constant 0 : i32
    %dma_start3A_152 = tpu.memref_slice %arg4[%dma_start3A_150, %dma_start3A_151] : memref<100000x128xf32, #tpu.memory_space<hbm>> -> memref<100000x128xf32, #tpu.memory_space<hbm>>
    tpu.enqueue_indirect_dma source(%dma_start3A_152 : memref<100000x128xf32, #tpu.memory_space<hbm>>) target(%dma_start3A_147 : memref<64x128xf32, #tpu.memory_space<vmem>>) offsets(%dma_start3A_149 : memref<64xi32, #tpu.memory_space<vmem>>) semaphore(%arg17 : memref<!tpu.dma_semaphore, #tpu.memory_space<semaphore_mem>>)
    %dma_start3A_153 = arith.constant 1 : i32
    %dma_start3A_154 = arith.constant 0 : i32
    %dma_start3A_155 = arith.constant 0 : i32
    %dma_start3A_156 = tpu.memref_slice %arg14[%dma_start3A_153, %dma_start3A_154, %dma_start3A_155] : memref<2x64x128xf32, #tpu.memory_space<vmem>> -> memref<1x64x128xf32, #tpu.memory_space<vmem>>
    %dma_start3A_157 = tpu.memref_squeeze %dma_start3A_156 : memref<1x64x128xf32, #tpu.memory_space<vmem>> -> memref<64x128xf32, #tpu.memory_space<vmem>>
    %dma_start3A_158 = arith.constant 64 : i32
    %dma_start3A_159 = tpu.memref_slice %arg12[%dma_start3A_158] : memref<512xi32, #tpu.memory_space<vmem>> -> memref<64xi32, #tpu.memory_space<vmem>>
    %dma_start3A_160 = arith.constant 0 : i32
    %dma_start3A_161 = arith.constant 0 : i32
    %dma_start3A_162 = tpu.memref_slice %arg5[%dma_start3A_160, %dma_start3A_161] : memref<100000x128xf32, #tpu.memory_space<hbm>> -> memref<100000x128xf32, #tpu.memory_space<hbm>>
    tpu.enqueue_indirect_dma source(%dma_start3A_162 : memref<100000x128xf32, #tpu.memory_space<hbm>>) target(%dma_start3A_157 : memref<64x128xf32, #tpu.memory_space<vmem>>) offsets(%dma_start3A_159 : memref<64xi32, #tpu.memory_space<vmem>>) semaphore(%arg17 : memref<!tpu.dma_semaphore, #tpu.memory_space<semaphore_mem>>)
    %dma_start3A_163 = arith.constant 1 : i32
    %dma_start3A_164 = arith.constant 0 : i32
    %dma_start3A_165 = arith.constant 0 : i32
    %dma_start3A_166 = tpu.memref_slice %arg15[%dma_start3A_163, %dma_start3A_164, %dma_start3A_165] : memref<2x64x128xf32, #tpu.memory_space<vmem>> -> memref<1x64x128xf32, #tpu.memory_space<vmem>>
    %dma_start3A_167 = tpu.memref_squeeze %dma_start3A_166 : memref<1x64x128xf32, #tpu.memory_space<vmem>> -> memref<64x128xf32, #tpu.memory_space<vmem>>
    %dma_start3A_168 = arith.constant 64 : i32
    %dma_start3A_169 = tpu.memref_slice %arg11[%dma_start3A_168] : memref<512xi32, #tpu.memory_space<vmem>> -> memref<64xi32, #tpu.memory_space<vmem>>
    %dma_start3A_170 = arith.constant 0 : i32
    %dma_start3A_171 = arith.constant 0 : i32
    %dma_start3A_172 = tpu.memref_slice %arg6[%dma_start3A_170, %dma_start3A_171] : memref<100000x128xf32, #tpu.memory_space<hbm>> -> memref<100000x128xf32, #tpu.memory_space<hbm>>
    tpu.enqueue_indirect_dma source(%dma_start3A_172 : memref<100000x128xf32, #tpu.memory_space<hbm>>) target(%dma_start3A_167 : memref<64x128xf32, #tpu.memory_space<vmem>>) offsets(%dma_start3A_169 : memref<64xi32, #tpu.memory_space<vmem>>) semaphore(%arg17 : memref<!tpu.dma_semaphore, #tpu.memory_space<semaphore_mem>>)
    %dma_start3A_173 = arith.constant 1 : i32
    %dma_start3A_174 = arith.constant 0 : i32
    %dma_start3A_175 = arith.constant 0 : i32
    %dma_start3A_176 = tpu.memref_slice %arg16[%dma_start3A_173, %dma_start3A_174, %dma_start3A_175] : memref<2x64x128xf32, #tpu.memory_space<vmem>> -> memref<1x64x128xf32, #tpu.memory_space<vmem>>
    %dma_start3A_177 = tpu.memref_squeeze %dma_start3A_176 : memref<1x64x128xf32, #tpu.memory_space<vmem>> -> memref<64x128xf32, #tpu.memory_space<vmem>>
    %dma_start3A_178 = arith.constant 64 : i32
    %dma_start3A_179 = tpu.memref_slice %arg12[%dma_start3A_178] : memref<512xi32, #tpu.memory_space<vmem>> -> memref<64xi32, #tpu.memory_space<vmem>>
    %dma_start3A_180 = arith.constant 0 : i32
    %dma_start3A_181 = arith.constant 0 : i32
    %dma_start3A_182 = tpu.memref_slice %arg6[%dma_start3A_180, %dma_start3A_181] : memref<100000x128xf32, #tpu.memory_space<hbm>> -> memref<100000x128xf32, #tpu.memory_space<hbm>>
    tpu.enqueue_indirect_dma source(%dma_start3A_182 : memref<100000x128xf32, #tpu.memory_space<hbm>>) target(%dma_start3A_177 : memref<64x128xf32, #tpu.memory_space<vmem>>) offsets(%dma_start3A_179 : memref<64xi32, #tpu.memory_space<vmem>>) semaphore(%arg17 : memref<!tpu.dma_semaphore, #tpu.memory_space<semaphore_mem>>)
    %dma_wait3A_183 = arith.constant 1 : i32
    %dma_wait3A_184 = arith.constant 0 : i32
    %dma_wait3A_185 = arith.constant 0 : i32
    %dma_wait3A_186 = tpu.memref_slice %arg13[%dma_wait3A_183, %dma_wait3A_184, %dma_wait3A_185] : memref<2x64x128xf32, #tpu.memory_space<vmem>> -> memref<1x64x128xf32, #tpu.memory_space<vmem>>
    %dma_wait3A_187 = tpu.memref_squeeze %dma_wait3A_186 : memref<1x64x128xf32, #tpu.memory_space<vmem>> -> memref<64x128xf32, #tpu.memory_space<vmem>>
    %dma_wait3A_188 = arith.constant 64 : i32
    %dma_wait3A_189 = tpu.memref_slice %arg11[%dma_wait3A_188] : memref<512xi32, #tpu.memory_space<vmem>> -> memref<64xi32, #tpu.memory_space<vmem>>
    %dma_wait3A_190 = arith.constant 0 : i32
    %dma_wait3A_191 = arith.constant 0 : i32
    %dma_wait3A_192 = tpu.memref_slice %arg4[%dma_wait3A_190, %dma_wait3A_191] : memref<100000x128xf32, #tpu.memory_space<hbm>> -> memref<100000x128xf32, #tpu.memory_space<hbm>>
    tpu.wait_indirect_dma semaphore(%arg17 : memref<!tpu.dma_semaphore, #tpu.memory_space<semaphore_mem>>) src(%dma_wait3A_192 : memref<100000x128xf32, #tpu.memory_space<hbm>>) dst(%dma_wait3A_187 : memref<64x128xf32, #tpu.memory_space<vmem>>)
    %dma_start3A_193 = arith.constant 1 : i32
    %dma_start3A_194 = arith.constant 0 : i32
    %dma_start3A_195 = arith.constant 0 : i32
    %dma_start3A_196 = tpu.memref_slice %arg13[%dma_start3A_193, %dma_start3A_194, %dma_start3A_195] : memref<2x64x128xf32, #tpu.memory_space<vmem>> -> memref<1x64x128xf32, #tpu.memory_space<vmem>>
    %dma_start3A_197 = tpu.memref_squeeze %dma_start3A_196 : memref<1x64x128xf32, #tpu.memory_space<vmem>> -> memref<64x128xf32, #tpu.memory_space<vmem>>
    %dma_start3A_198 = arith.constant 0 : i32
    %dma_start3A_199 = tpu.memref_slice %arg7[%add3A_142, %dma_start3A_198] : memref<16384x128xf32, #tpu.memory_space<hbm>> -> memref<64x128xf32, #tpu.memory_space<hbm>>
    %dma_start3A_200 = arith.constant 0 : i32
    %dma_start3A_201 = tpu.memref_slice %arg7[%add3A_142, %dma_start3A_200] : memref<16384x128xf32, #tpu.memory_space<hbm>> -> memref<64x128xf32, #tpu.memory_space<hbm>>
    %dma_start3A_202 = arith.constant 0 : i32
    %dma_start3A_203 = arith.constant 0 : i32
    %dma_start3A_204 = tpu.memref_slice %arg13[%dma_start3A_193, %dma_start3A_202, %dma_start3A_203] : memref<2x64x128xf32, #tpu.memory_space<vmem>> -> memref<1x64x128xf32, #tpu.memory_space<vmem>>
    %dma_start3A_205 = tpu.memref_squeeze %dma_start3A_204 : memref<1x64x128xf32, #tpu.memory_space<vmem>> -> memref<64x128xf32, #tpu.memory_space<vmem>>
    tpu.enqueue_dma source(%dma_start3A_205 : memref<64x128xf32, #tpu.memory_space<vmem>>) target(%dma_start3A_201 : memref<64x128xf32, #tpu.memory_space<hbm>>) target_semaphore(%arg18 : memref<!tpu.dma_semaphore, #tpu.memory_space<semaphore_mem>>)
    %dma_wait3A_206 = arith.constant 1 : i32
    %dma_wait3A_207 = arith.constant 0 : i32
    %dma_wait3A_208 = arith.constant 0 : i32
    %dma_wait3A_209 = tpu.memref_slice %arg14[%dma_wait3A_206, %dma_wait3A_207, %dma_wait3A_208] : memref<2x64x128xf32, #tpu.memory_space<vmem>> -> memref<1x64x128xf32, #tpu.memory_space<vmem>>
    %dma_wait3A_210 = tpu.memref_squeeze %dma_wait3A_209 : memref<1x64x128xf32, #tpu.memory_space<vmem>> -> memref<64x128xf32, #tpu.memory_space<vmem>>
    %dma_wait3A_211 = arith.constant 64 : i32
    %dma_wait3A_212 = tpu.memref_slice %arg12[%dma_wait3A_211] : memref<512xi32, #tpu.memory_space<vmem>> -> memref<64xi32, #tpu.memory_space<vmem>>
    %dma_wait3A_213 = arith.constant 0 : i32
    %dma_wait3A_214 = arith.constant 0 : i32
    %dma_wait3A_215 = tpu.memref_slice %arg5[%dma_wait3A_213, %dma_wait3A_214] : memref<100000x128xf32, #tpu.memory_space<hbm>> -> memref<100000x128xf32, #tpu.memory_space<hbm>>
    tpu.wait_indirect_dma semaphore(%arg17 : memref<!tpu.dma_semaphore, #tpu.memory_space<semaphore_mem>>) src(%dma_wait3A_215 : memref<100000x128xf32, #tpu.memory_space<hbm>>) dst(%dma_wait3A_210 : memref<64x128xf32, #tpu.memory_space<vmem>>)
    %dma_start3A_216 = arith.constant 1 : i32
    %dma_start3A_217 = arith.constant 0 : i32
    %dma_start3A_218 = arith.constant 0 : i32
    %dma_start3A_219 = tpu.memref_slice %arg14[%dma_start3A_216, %dma_start3A_217, %dma_start3A_218] : memref<2x64x128xf32, #tpu.memory_space<vmem>> -> memref<1x64x128xf32, #tpu.memory_space<vmem>>
    %dma_start3A_220 = tpu.memref_squeeze %dma_start3A_219 : memref<1x64x128xf32, #tpu.memory_space<vmem>> -> memref<64x128xf32, #tpu.memory_space<vmem>>
    %dma_start3A_221 = arith.constant 0 : i32
    %dma_start3A_222 = tpu.memref_slice %arg8[%add3A_142, %dma_start3A_221] : memref<16384x128xf32, #tpu.memory_space<hbm>> -> memref<64x128xf32, #tpu.memory_space<hbm>>
    %dma_start3A_223 = arith.constant 0 : i32
    %dma_start3A_224 = tpu.memref_slice %arg8[%add3A_142, %dma_start3A_223] : memref<16384x128xf32, #tpu.memory_space<hbm>> -> memref<64x128xf32, #tpu.memory_space<hbm>>
    %dma_start3A_225 = arith.constant 0 : i32
    %dma_start3A_226 = arith.constant 0 : i32
    %dma_start3A_227 = tpu.memref_slice %arg14[%dma_start3A_216, %dma_start3A_225, %dma_start3A_226] : memref<2x64x128xf32, #tpu.memory_space<vmem>> -> memref<1x64x128xf32, #tpu.memory_space<vmem>>
    %dma_start3A_228 = tpu.memref_squeeze %dma_start3A_227 : memref<1x64x128xf32, #tpu.memory_space<vmem>> -> memref<64x128xf32, #tpu.memory_space<vmem>>
    tpu.enqueue_dma source(%dma_start3A_228 : memref<64x128xf32, #tpu.memory_space<vmem>>) target(%dma_start3A_224 : memref<64x128xf32, #tpu.memory_space<hbm>>) target_semaphore(%arg18 : memref<!tpu.dma_semaphore, #tpu.memory_space<semaphore_mem>>)
    %dma_wait3A_229 = arith.constant 1 : i32
    %dma_wait3A_230 = arith.constant 0 : i32
    %dma_wait3A_231 = arith.constant 0 : i32
    %dma_wait3A_232 = tpu.memref_slice %arg15[%dma_wait3A_229, %dma_wait3A_230, %dma_wait3A_231] : memref<2x64x128xf32, #tpu.memory_space<vmem>> -> memref<1x64x128xf32, #tpu.memory_space<vmem>>
    %dma_wait3A_233 = tpu.memref_squeeze %dma_wait3A_232 : memref<1x64x128xf32, #tpu.memory_space<vmem>> -> memref<64x128xf32, #tpu.memory_space<vmem>>
    %dma_wait3A_234 = arith.constant 64 : i32
    %dma_wait3A_235 = tpu.memref_slice %arg11[%dma_wait3A_234] : memref<512xi32, #tpu.memory_space<vmem>> -> memref<64xi32, #tpu.memory_space<vmem>>
    %dma_wait3A_236 = arith.constant 0 : i32
    %dma_wait3A_237 = arith.constant 0 : i32
    %dma_wait3A_238 = tpu.memref_slice %arg6[%dma_wait3A_236, %dma_wait3A_237] : memref<100000x128xf32, #tpu.memory_space<hbm>> -> memref<100000x128xf32, #tpu.memory_space<hbm>>
    tpu.wait_indirect_dma semaphore(%arg17 : memref<!tpu.dma_semaphore, #tpu.memory_space<semaphore_mem>>) src(%dma_wait3A_238 : memref<100000x128xf32, #tpu.memory_space<hbm>>) dst(%dma_wait3A_233 : memref<64x128xf32, #tpu.memory_space<vmem>>)
    %dma_start3A_239 = arith.constant 1 : i32
    %dma_start3A_240 = arith.constant 0 : i32
    %dma_start3A_241 = arith.constant 0 : i32
    %dma_start3A_242 = tpu.memref_slice %arg15[%dma_start3A_239, %dma_start3A_240, %dma_start3A_241] : memref<2x64x128xf32, #tpu.memory_space<vmem>> -> memref<1x64x128xf32, #tpu.memory_space<vmem>>
    %dma_start3A_243 = tpu.memref_squeeze %dma_start3A_242 : memref<1x64x128xf32, #tpu.memory_space<vmem>> -> memref<64x128xf32, #tpu.memory_space<vmem>>
    %dma_start3A_244 = arith.constant 0 : i32
    %dma_start3A_245 = tpu.memref_slice %arg9[%add3A_142, %dma_start3A_244] : memref<16384x128xf32, #tpu.memory_space<hbm>> -> memref<64x128xf32, #tpu.memory_space<hbm>>
    %dma_start3A_246 = arith.constant 0 : i32
    %dma_start3A_247 = tpu.memref_slice %arg9[%add3A_142, %dma_start3A_246] : memref<16384x128xf32, #tpu.memory_space<hbm>> -> memref<64x128xf32, #tpu.memory_space<hbm>>
    %dma_start3A_248 = arith.constant 0 : i32
    %dma_start3A_249 = arith.constant 0 : i32
    %dma_start3A_250 = tpu.memref_slice %arg15[%dma_start3A_239, %dma_start3A_248, %dma_start3A_249] : memref<2x64x128xf32, #tpu.memory_space<vmem>> -> memref<1x64x128xf32, #tpu.memory_space<vmem>>
    %dma_start3A_251 = tpu.memref_squeeze %dma_start3A_250 : memref<1x64x128xf32, #tpu.memory_space<vmem>> -> memref<64x128xf32, #tpu.memory_space<vmem>>
    tpu.enqueue_dma source(%dma_start3A_251 : memref<64x128xf32, #tpu.memory_space<vmem>>) target(%dma_start3A_247 : memref<64x128xf32, #tpu.memory_space<hbm>>) target_semaphore(%arg18 : memref<!tpu.dma_semaphore, #tpu.memory_space<semaphore_mem>>)
    %dma_wait3A_252 = arith.constant 1 : i32
    %dma_wait3A_253 = arith.constant 0 : i32
    %dma_wait3A_254 = arith.constant 0 : i32
    %dma_wait3A_255 = tpu.memref_slice %arg16[%dma_wait3A_252, %dma_wait3A_253, %dma_wait3A_254] : memref<2x64x128xf32, #tpu.memory_space<vmem>> -> memref<1x64x128xf32, #tpu.memory_space<vmem>>
    %dma_wait3A_256 = tpu.memref_squeeze %dma_wait3A_255 : memref<1x64x128xf32, #tpu.memory_space<vmem>> -> memref<64x128xf32, #tpu.memory_space<vmem>>
    %dma_wait3A_257 = arith.constant 64 : i32
    %dma_wait3A_258 = tpu.memref_slice %arg12[%dma_wait3A_257] : memref<512xi32, #tpu.memory_space<vmem>> -> memref<64xi32, #tpu.memory_space<vmem>>
    %dma_wait3A_259 = arith.constant 0 : i32
    %dma_wait3A_260 = arith.constant 0 : i32
    %dma_wait3A_261 = tpu.memref_slice %arg6[%dma_wait3A_259, %dma_wait3A_260] : memref<100000x128xf32, #tpu.memory_space<hbm>> -> memref<100000x128xf32, #tpu.memory_space<hbm>>
    tpu.wait_indirect_dma semaphore(%arg17 : memref<!tpu.dma_semaphore, #tpu.memory_space<semaphore_mem>>) src(%dma_wait3A_261 : memref<100000x128xf32, #tpu.memory_space<hbm>>) dst(%dma_wait3A_256 : memref<64x128xf32, #tpu.memory_space<vmem>>)
    %dma_start3A_262 = arith.constant 1 : i32
    %dma_start3A_263 = arith.constant 0 : i32
    %dma_start3A_264 = arith.constant 0 : i32
    %dma_start3A_265 = tpu.memref_slice %arg16[%dma_start3A_262, %dma_start3A_263, %dma_start3A_264] : memref<2x64x128xf32, #tpu.memory_space<vmem>> -> memref<1x64x128xf32, #tpu.memory_space<vmem>>
    %dma_start3A_266 = tpu.memref_squeeze %dma_start3A_265 : memref<1x64x128xf32, #tpu.memory_space<vmem>> -> memref<64x128xf32, #tpu.memory_space<vmem>>
    %dma_start3A_267 = arith.constant 0 : i32
    %dma_start3A_268 = tpu.memref_slice %arg10[%add3A_142, %dma_start3A_267] : memref<16384x128xf32, #tpu.memory_space<hbm>> -> memref<64x128xf32, #tpu.memory_space<hbm>>
    %dma_start3A_269 = arith.constant 0 : i32
    %dma_start3A_270 = tpu.memref_slice %arg10[%add3A_142, %dma_start3A_269] : memref<16384x128xf32, #tpu.memory_space<hbm>> -> memref<64x128xf32, #tpu.memory_space<hbm>>
    %dma_start3A_271 = arith.constant 0 : i32
    %dma_start3A_272 = arith.constant 0 : i32
    %dma_start3A_273 = tpu.memref_slice %arg16[%dma_start3A_262, %dma_start3A_271, %dma_start3A_272] : memref<2x64x128xf32, #tpu.memory_space<vmem>> -> memref<1x64x128xf32, #tpu.memory_space<vmem>>
    %dma_start3A_274 = tpu.memref_squeeze %dma_start3A_273 : memref<1x64x128xf32, #tpu.memory_space<vmem>> -> memref<64x128xf32, #tpu.memory_space<vmem>>
    tpu.enqueue_dma source(%dma_start3A_274 : memref<64x128xf32, #tpu.memory_space<vmem>>) target(%dma_start3A_270 : memref<64x128xf32, #tpu.memory_space<hbm>>) target_semaphore(%arg18 : memref<!tpu.dma_semaphore, #tpu.memory_space<semaphore_mem>>)
    %mul3A_275 = arith.constant 512 : i32
    %mul3A_276 = arith.muli %add3A, %mul3A_275 : i32
    %add3A_277 = arith.constant 128 : i32
    %add3A_278 = arith.addi %mul3A_276, %add3A_277 : i32
    %dma_wait3A_279 = arith.constant 0 : i32
    %dma_wait3A_280 = arith.constant 0 : i32
    %dma_wait3A_281 = arith.constant 0 : i32
    %dma_wait3A_282 = tpu.memref_slice %arg13[%dma_wait3A_279, %dma_wait3A_280, %dma_wait3A_281] : memref<2x64x128xf32, #tpu.memory_space<vmem>> -> memref<1x64x128xf32, #tpu.memory_space<vmem>>
    %dma_wait3A_283 = tpu.memref_squeeze %dma_wait3A_282 : memref<1x64x128xf32, #tpu.memory_space<vmem>> -> memref<64x128xf32, #tpu.memory_space<vmem>>
    %dma_wait3A_284 = arith.constant 0 : i32
    %dma_wait3A_285 = tpu.memref_slice %arg7[%add3A_8, %dma_wait3A_284] : memref<16384x128xf32, #tpu.memory_space<hbm>> -> memref<64x128xf32, #tpu.memory_space<hbm>>
    %dma_wait3A_286 = arith.constant 0 : i32
    %dma_wait3A_287 = tpu.memref_slice %arg7[%add3A_8, %dma_wait3A_286] : memref<16384x128xf32, #tpu.memory_space<hbm>> -> memref<64x128xf32, #tpu.memory_space<hbm>>
    %dma_wait3A_288 = arith.constant 0 : i32
    %dma_wait3A_289 = arith.constant 0 : i32
    %dma_wait3A_290 = tpu.memref_slice %arg13[%dma_wait3A_279, %dma_wait3A_288, %dma_wait3A_289] : memref<2x64x128xf32, #tpu.memory_space<vmem>> -> memref<1x64x128xf32, #tpu.memory_space<vmem>>
    %dma_wait3A_291 = tpu.memref_squeeze %dma_wait3A_290 : memref<1x64x128xf32, #tpu.memory_space<vmem>> -> memref<64x128xf32, #tpu.memory_space<vmem>>
    tpu.wait_dma2 semaphore(%arg18 : memref<!tpu.dma_semaphore, #tpu.memory_space<semaphore_mem>>) src(%dma_wait3A_291 : memref<64x128xf32, #tpu.memory_space<vmem>>) dst(%dma_wait3A_287 : memref<64x128xf32, #tpu.memory_space<hbm>>)
    %dma_wait3A_292 = arith.constant 0 : i32
    %dma_wait3A_293 = arith.constant 0 : i32
    %dma_wait3A_294 = arith.constant 0 : i32
    %dma_wait3A_295 = tpu.memref_slice %arg14[%dma_wait3A_292, %dma_wait3A_293, %dma_wait3A_294] : memref<2x64x128xf32, #tpu.memory_space<vmem>> -> memref<1x64x128xf32, #tpu.memory_space<vmem>>
    %dma_wait3A_296 = tpu.memref_squeeze %dma_wait3A_295 : memref<1x64x128xf32, #tpu.memory_space<vmem>> -> memref<64x128xf32, #tpu.memory_space<vmem>>
    %dma_wait3A_297 = arith.constant 0 : i32
    %dma_wait3A_298 = tpu.memref_slice %arg8[%add3A_8, %dma_wait3A_297] : memref<16384x128xf32, #tpu.memory_space<hbm>> -> memref<64x128xf32, #tpu.memory_space<hbm>>
    %dma_wait3A_299 = arith.constant 0 : i32
    %dma_wait3A_300 = tpu.memref_slice %arg8[%add3A_8, %dma_wait3A_299] : memref<16384x128xf32, #tpu.memory_space<hbm>> -> memref<64x128xf32, #tpu.memory_space<hbm>>
    %dma_wait3A_301 = arith.constant 0 : i32
    %dma_wait3A_302 = arith.constant 0 : i32
    %dma_wait3A_303 = tpu.memref_slice %arg14[%dma_wait3A_292, %dma_wait3A_301, %dma_wait3A_302] : memref<2x64x128xf32, #tpu.memory_space<vmem>> -> memref<1x64x128xf32, #tpu.memory_space<vmem>>
    %dma_wait3A_304 = tpu.memref_squeeze %dma_wait3A_303 : memref<1x64x128xf32, #tpu.memory_space<vmem>> -> memref<64x128xf32, #tpu.memory_space<vmem>>
    tpu.wait_dma2 semaphore(%arg18 : memref<!tpu.dma_semaphore, #tpu.memory_space<semaphore_mem>>) src(%dma_wait3A_304 : memref<64x128xf32, #tpu.memory_space<vmem>>) dst(%dma_wait3A_300 : memref<64x128xf32, #tpu.memory_space<hbm>>)
    %dma_wait3A_305 = arith.constant 0 : i32
    %dma_wait3A_306 = arith.constant 0 : i32
    %dma_wait3A_307 = arith.constant 0 : i32
    %dma_wait3A_308 = tpu.memref_slice %arg15[%dma_wait3A_305, %dma_wait3A_306, %dma_wait3A_307] : memref<2x64x128xf32, #tpu.memory_space<vmem>> -> memref<1x64x128xf32, #tpu.memory_space<vmem>>
    %dma_wait3A_309 = tpu.memref_squeeze %dma_wait3A_308 : memref<1x64x128xf32, #tpu.memory_space<vmem>> -> memref<64x128xf32, #tpu.memory_space<vmem>>
    %dma_wait3A_310 = arith.constant 0 : i32
    %dma_wait3A_311 = tpu.memref_slice %arg9[%add3A_8, %dma_wait3A_310] : memref<16384x128xf32, #tpu.memory_space<hbm>> -> memref<64x128xf32, #tpu.memory_space<hbm>>
    %dma_wait3A_312 = arith.constant 0 : i32
    %dma_wait3A_313 = tpu.memref_slice %arg9[%add3A_8, %dma_wait3A_312] : memref<16384x128xf32, #tpu.memory_space<hbm>> -> memref<64x128xf32, #tpu.memory_space<hbm>>
    %dma_wait3A_314 = arith.constant 0 : i32
    %dma_wait3A_315 = arith.constant 0 : i32
    %dma_wait3A_316 = tpu.memref_slice %arg15[%dma_wait3A_305, %dma_wait3A_314, %dma_wait3A_315] : memref<2x64x128xf32, #tpu.memory_space<vmem>> -> memref<1x64x128xf32, #tpu.memory_space<vmem>>
    %dma_wait3A_317 = tpu.memref_squeeze %dma_wait3A_316 : memref<1x64x128xf32, #tpu.memory_space<vmem>> -> memref<64x128xf32, #tpu.memory_space<vmem>>
    tpu.wait_dma2 semaphore(%arg18 : memref<!tpu.dma_semaphore, #tpu.memory_space<semaphore_mem>>) src(%dma_wait3A_317 : memref<64x128xf32, #tpu.memory_space<vmem>>) dst(%dma_wait3A_313 : memref<64x128xf32, #tpu.memory_space<hbm>>)
    %dma_wait3A_318 = arith.constant 0 : i32
    %dma_wait3A_319 = arith.constant 0 : i32
    %dma_wait3A_320 = arith.constant 0 : i32
    %dma_wait3A_321 = tpu.memref_slice %arg16[%dma_wait3A_318, %dma_wait3A_319, %dma_wait3A_320] : memref<2x64x128xf32, #tpu.memory_space<vmem>> -> memref<1x64x128xf32, #tpu.memory_space<vmem>>
    %dma_wait3A_322 = tpu.memref_squeeze %dma_wait3A_321 : memref<1x64x128xf32, #tpu.memory_space<vmem>> -> memref<64x128xf32, #tpu.memory_space<vmem>>
    %dma_wait3A_323 = arith.constant 0 : i32
    %dma_wait3A_324 = tpu.memref_slice %arg10[%add3A_8, %dma_wait3A_323] : memref<16384x128xf32, #tpu.memory_space<hbm>> -> memref<64x128xf32, #tpu.memory_space<hbm>>
    %dma_wait3A_325 = arith.constant 0 : i32
    %dma_wait3A_326 = tpu.memref_slice %arg10[%add3A_8, %dma_wait3A_325] : memref<16384x128xf32, #tpu.memory_space<hbm>> -> memref<64x128xf32, #tpu.memory_space<hbm>>
    %dma_wait3A_327 = arith.constant 0 : i32
    %dma_wait3A_328 = arith.constant 0 : i32
    %dma_wait3A_329 = tpu.memref_slice %arg16[%dma_wait3A_318, %dma_wait3A_327, %dma_wait3A_328] : memref<2x64x128xf32, #tpu.memory_space<vmem>> -> memref<1x64x128xf32, #tpu.memory_space<vmem>>
    %dma_wait3A_330 = tpu.memref_squeeze %dma_wait3A_329 : memref<1x64x128xf32, #tpu.memory_space<vmem>> -> memref<64x128xf32, #tpu.memory_space<vmem>>
    tpu.wait_dma2 semaphore(%arg18 : memref<!tpu.dma_semaphore, #tpu.memory_space<semaphore_mem>>) src(%dma_wait3A_330 : memref<64x128xf32, #tpu.memory_space<vmem>>) dst(%dma_wait3A_326 : memref<64x128xf32, #tpu.memory_space<hbm>>)
    %dma_start3A_331 = arith.constant 0 : i32
    %dma_start3A_332 = arith.constant 0 : i32
    %dma_start3A_333 = arith.constant 0 : i32
    %dma_start3A_334 = tpu.memref_slice %arg13[%dma_start3A_331, %dma_start3A_332, %dma_start3A_333] : memref<2x64x128xf32, #tpu.memory_space<vmem>> -> memref<1x64x128xf32, #tpu.memory_space<vmem>>
    %dma_start3A_335 = tpu.memref_squeeze %dma_start3A_334 : memref<1x64x128xf32, #tpu.memory_space<vmem>> -> memref<64x128xf32, #tpu.memory_space<vmem>>
    %dma_start3A_336 = arith.constant 128 : i32
    %dma_start3A_337 = tpu.memref_slice %arg11[%dma_start3A_336] : memref<512xi32, #tpu.memory_space<vmem>> -> memref<64xi32, #tpu.memory_space<vmem>>
    %dma_start3A_338 = arith.constant 0 : i32
    %dma_start3A_339 = arith.constant 0 : i32
    %dma_start3A_340 = tpu.memref_slice %arg4[%dma_start3A_338, %dma_start3A_339] : memref<100000x128xf32, #tpu.memory_space<hbm>> -> memref<100000x128xf32, #tpu.memory_space<hbm>>
    tpu.enqueue_indirect_dma source(%dma_start3A_340 : memref<100000x128xf32, #tpu.memory_space<hbm>>) target(%dma_start3A_335 : memref<64x128xf32, #tpu.memory_space<vmem>>) offsets(%dma_start3A_337 : memref<64xi32, #tpu.memory_space<vmem>>) semaphore(%arg17 : memref<!tpu.dma_semaphore, #tpu.memory_space<semaphore_mem>>)
    %dma_start3A_341 = arith.constant 0 : i32
    %dma_start3A_342 = arith.constant 0 : i32
    %dma_start3A_343 = arith.constant 0 : i32
    %dma_start3A_344 = tpu.memref_slice %arg14[%dma_start3A_341, %dma_start3A_342, %dma_start3A_343] : memref<2x64x128xf32, #tpu.memory_space<vmem>> -> memref<1x64x128xf32, #tpu.memory_space<vmem>>
    %dma_start3A_345 = tpu.memref_squeeze %dma_start3A_344 : memref<1x64x128xf32, #tpu.memory_space<vmem>> -> memref<64x128xf32, #tpu.memory_space<vmem>>
    %dma_start3A_346 = arith.constant 128 : i32
    %dma_start3A_347 = tpu.memref_slice %arg12[%dma_start3A_346] : memref<512xi32, #tpu.memory_space<vmem>> -> memref<64xi32, #tpu.memory_space<vmem>>
    %dma_start3A_348 = arith.constant 0 : i32
    %dma_start3A_349 = arith.constant 0 : i32
    %dma_start3A_350 = tpu.memref_slice %arg5[%dma_start3A_348, %dma_start3A_349] : memref<100000x128xf32, #tpu.memory_space<hbm>> -> memref<100000x128xf32, #tpu.memory_space<hbm>>
    tpu.enqueue_indirect_dma source(%dma_start3A_350 : memref<100000x128xf32, #tpu.memory_space<hbm>>) target(%dma_start3A_345 : memref<64x128xf32, #tpu.memory_space<vmem>>) offsets(%dma_start3A_347 : memref<64xi32, #tpu.memory_space<vmem>>) semaphore(%arg17 : memref<!tpu.dma_semaphore, #tpu.memory_space<semaphore_mem>>)
    %dma_start3A_351 = arith.constant 0 : i32
    %dma_start3A_352 = arith.constant 0 : i32
    %dma_start3A_353 = arith.constant 0 : i32
    %dma_start3A_354 = tpu.memref_slice %arg15[%dma_start3A_351, %dma_start3A_352, %dma_start3A_353] : memref<2x64x128xf32, #tpu.memory_space<vmem>> -> memref<1x64x128xf32, #tpu.memory_space<vmem>>
    %dma_start3A_355 = tpu.memref_squeeze %dma_start3A_354 : memref<1x64x128xf32, #tpu.memory_space<vmem>> -> memref<64x128xf32, #tpu.memory_space<vmem>>
    %dma_start3A_356 = arith.constant 128 : i32
    %dma_start3A_357 = tpu.memref_slice %arg11[%dma_start3A_356] : memref<512xi32, #tpu.memory_space<vmem>> -> memref<64xi32, #tpu.memory_space<vmem>>
    %dma_start3A_358 = arith.constant 0 : i32
    %dma_start3A_359 = arith.constant 0 : i32
    %dma_start3A_360 = tpu.memref_slice %arg6[%dma_start3A_358, %dma_start3A_359] : memref<100000x128xf32, #tpu.memory_space<hbm>> -> memref<100000x128xf32, #tpu.memory_space<hbm>>
    tpu.enqueue_indirect_dma source(%dma_start3A_360 : memref<100000x128xf32, #tpu.memory_space<hbm>>) target(%dma_start3A_355 : memref<64x128xf32, #tpu.memory_space<vmem>>) offsets(%dma_start3A_357 : memref<64xi32, #tpu.memory_space<vmem>>) semaphore(%arg17 : memref<!tpu.dma_semaphore, #tpu.memory_space<semaphore_mem>>)
    %dma_start3A_361 = arith.constant 0 : i32
    %dma_start3A_362 = arith.constant 0 : i32
    %dma_start3A_363 = arith.constant 0 : i32
    %dma_start3A_364 = tpu.memref_slice %arg16[%dma_start3A_361, %dma_start3A_362, %dma_start3A_363] : memref<2x64x128xf32, #tpu.memory_space<vmem>> -> memref<1x64x128xf32, #tpu.memory_space<vmem>>
    %dma_start3A_365 = tpu.memref_squeeze %dma_start3A_364 : memref<1x64x128xf32, #tpu.memory_space<vmem>> -> memref<64x128xf32, #tpu.memory_space<vmem>>
    %dma_start3A_366 = arith.constant 128 : i32
    %dma_start3A_367 = tpu.memref_slice %arg12[%dma_start3A_366] : memref<512xi32, #tpu.memory_space<vmem>> -> memref<64xi32, #tpu.memory_space<vmem>>
    %dma_start3A_368 = arith.constant 0 : i32
    %dma_start3A_369 = arith.constant 0 : i32
    %dma_start3A_370 = tpu.memref_slice %arg6[%dma_start3A_368, %dma_start3A_369] : memref<100000x128xf32, #tpu.memory_space<hbm>> -> memref<100000x128xf32, #tpu.memory_space<hbm>>
    tpu.enqueue_indirect_dma source(%dma_start3A_370 : memref<100000x128xf32, #tpu.memory_space<hbm>>) target(%dma_start3A_365 : memref<64x128xf32, #tpu.memory_space<vmem>>) offsets(%dma_start3A_367 : memref<64xi32, #tpu.memory_space<vmem>>) semaphore(%arg17 : memref<!tpu.dma_semaphore, #tpu.memory_space<semaphore_mem>>)
    %dma_wait3A_371 = arith.constant 0 : i32
    %dma_wait3A_372 = arith.constant 0 : i32
    %dma_wait3A_373 = arith.constant 0 : i32
    %dma_wait3A_374 = tpu.memref_slice %arg13[%dma_wait3A_371, %dma_wait3A_372, %dma_wait3A_373] : memref<2x64x128xf32, #tpu.memory_space<vmem>> -> memref<1x64x128xf32, #tpu.memory_space<vmem>>
    %dma_wait3A_375 = tpu.memref_squeeze %dma_wait3A_374 : memref<1x64x128xf32, #tpu.memory_space<vmem>> -> memref<64x128xf32, #tpu.memory_space<vmem>>
    %dma_wait3A_376 = arith.constant 128 : i32
    %dma_wait3A_377 = tpu.memref_slice %arg11[%dma_wait3A_376] : memref<512xi32, #tpu.memory_space<vmem>> -> memref<64xi32, #tpu.memory_space<vmem>>
    %dma_wait3A_378 = arith.constant 0 : i32
    %dma_wait3A_379 = arith.constant 0 : i32
    %dma_wait3A_380 = tpu.memref_slice %arg4[%dma_wait3A_378, %dma_wait3A_379] : memref<100000x128xf32, #tpu.memory_space<hbm>> -> memref<100000x128xf32, #tpu.memory_space<hbm>>
    tpu.wait_indirect_dma semaphore(%arg17 : memref<!tpu.dma_semaphore, #tpu.memory_space<semaphore_mem>>) src(%dma_wait3A_380 : memref<100000x128xf32, #tpu.memory_space<hbm>>) dst(%dma_wait3A_375 : memref<64x128xf32, #tpu.memory_space<vmem>>)
    %dma_start3A_381 = arith.constant 0 : i32
    %dma_start3A_382 = arith.constant 0 : i32
    %dma_start3A_383 = arith.constant 0 : i32
    %dma_start3A_384 = tpu.memref_slice %arg13[%dma_start3A_381, %dma_start3A_382, %dma_start3A_383] : memref<2x64x128xf32, #tpu.memory_space<vmem>> -> memref<1x64x128xf32, #tpu.memory_space<vmem>>
    %dma_start3A_385 = tpu.memref_squeeze %dma_start3A_384 : memref<1x64x128xf32, #tpu.memory_space<vmem>> -> memref<64x128xf32, #tpu.memory_space<vmem>>
    %dma_start3A_386 = arith.constant 0 : i32
    %dma_start3A_387 = tpu.memref_slice %arg7[%add3A_278, %dma_start3A_386] : memref<16384x128xf32, #tpu.memory_space<hbm>> -> memref<64x128xf32, #tpu.memory_space<hbm>>
    %dma_start3A_388 = arith.constant 0 : i32
    %dma_start3A_389 = tpu.memref_slice %arg7[%add3A_278, %dma_start3A_388] : memref<16384x128xf32, #tpu.memory_space<hbm>> -> memref<64x128xf32, #tpu.memory_space<hbm>>
    %dma_start3A_390 = arith.constant 0 : i32
    %dma_start3A_391 = arith.constant 0 : i32
    %dma_start3A_392 = tpu.memref_slice %arg13[%dma_start3A_381, %dma_start3A_390, %dma_start3A_391] : memref<2x64x128xf32, #tpu.memory_space<vmem>> -> memref<1x64x128xf32, #tpu.memory_space<vmem>>
    %dma_start3A_393 = tpu.memref_squeeze %dma_start3A_392 : memref<1x64x128xf32, #tpu.memory_space<vmem>> -> memref<64x128xf32, #tpu.memory_space<vmem>>
    tpu.enqueue_dma source(%dma_start3A_393 : memref<64x128xf32, #tpu.memory_space<vmem>>) target(%dma_start3A_389 : memref<64x128xf32, #tpu.memory_space<hbm>>) target_semaphore(%arg18 : memref<!tpu.dma_semaphore, #tpu.memory_space<semaphore_mem>>)
    %dma_wait3A_394 = arith.constant 0 : i32
    %dma_wait3A_395 = arith.constant 0 : i32
    %dma_wait3A_396 = arith.constant 0 : i32
    %dma_wait3A_397 = tpu.memref_slice %arg14[%dma_wait3A_394, %dma_wait3A_395, %dma_wait3A_396] : memref<2x64x128xf32, #tpu.memory_space<vmem>> -> memref<1x64x128xf32, #tpu.memory_space<vmem>>
    %dma_wait3A_398 = tpu.memref_squeeze %dma_wait3A_397 : memref<1x64x128xf32, #tpu.memory_space<vmem>> -> memref<64x128xf32, #tpu.memory_space<vmem>>
    %dma_wait3A_399 = arith.constant 128 : i32
    %dma_wait3A_400 = tpu.memref_slice %arg12[%dma_wait3A_399] : memref<512xi32, #tpu.memory_space<vmem>> -> memref<64xi32, #tpu.memory_space<vmem>>
    %dma_wait3A_401 = arith.constant 0 : i32
    %dma_wait3A_402 = arith.constant 0 : i32
    %dma_wait3A_403 = tpu.memref_slice %arg5[%dma_wait3A_401, %dma_wait3A_402] : memref<100000x128xf32, #tpu.memory_space<hbm>> -> memref<100000x128xf32, #tpu.memory_space<hbm>>
    tpu.wait_indirect_dma semaphore(%arg17 : memref<!tpu.dma_semaphore, #tpu.memory_space<semaphore_mem>>) src(%dma_wait3A_403 : memref<100000x128xf32, #tpu.memory_space<hbm>>) dst(%dma_wait3A_398 : memref<64x128xf32, #tpu.memory_space<vmem>>)
    %dma_start3A_404 = arith.constant 0 : i32
    %dma_start3A_405 = arith.constant 0 : i32
    %dma_start3A_406 = arith.constant 0 : i32
    %dma_start3A_407 = tpu.memref_slice %arg14[%dma_start3A_404, %dma_start3A_405, %dma_start3A_406] : memref<2x64x128xf32, #tpu.memory_space<vmem>> -> memref<1x64x128xf32, #tpu.memory_space<vmem>>
    %dma_start3A_408 = tpu.memref_squeeze %dma_start3A_407 : memref<1x64x128xf32, #tpu.memory_space<vmem>> -> memref<64x128xf32, #tpu.memory_space<vmem>>
    %dma_start3A_409 = arith.constant 0 : i32
    %dma_start3A_410 = tpu.memref_slice %arg8[%add3A_278, %dma_start3A_409] : memref<16384x128xf32, #tpu.memory_space<hbm>> -> memref<64x128xf32, #tpu.memory_space<hbm>>
    %dma_start3A_411 = arith.constant 0 : i32
    %dma_start3A_412 = tpu.memref_slice %arg8[%add3A_278, %dma_start3A_411] : memref<16384x128xf32, #tpu.memory_space<hbm>> -> memref<64x128xf32, #tpu.memory_space<hbm>>
    %dma_start3A_413 = arith.constant 0 : i32
    %dma_start3A_414 = arith.constant 0 : i32
    %dma_start3A_415 = tpu.memref_slice %arg14[%dma_start3A_404, %dma_start3A_413, %dma_start3A_414] : memref<2x64x128xf32, #tpu.memory_space<vmem>> -> memref<1x64x128xf32, #tpu.memory_space<vmem>>
    %dma_start3A_416 = tpu.memref_squeeze %dma_start3A_415 : memref<1x64x128xf32, #tpu.memory_space<vmem>> -> memref<64x128xf32, #tpu.memory_space<vmem>>
    tpu.enqueue_dma source(%dma_start3A_416 : memref<64x128xf32, #tpu.memory_space<vmem>>) target(%dma_start3A_412 : memref<64x128xf32, #tpu.memory_space<hbm>>) target_semaphore(%arg18 : memref<!tpu.dma_semaphore, #tpu.memory_space<semaphore_mem>>)
    %dma_wait3A_417 = arith.constant 0 : i32
    %dma_wait3A_418 = arith.constant 0 : i32
    %dma_wait3A_419 = arith.constant 0 : i32
    %dma_wait3A_420 = tpu.memref_slice %arg15[%dma_wait3A_417, %dma_wait3A_418, %dma_wait3A_419] : memref<2x64x128xf32, #tpu.memory_space<vmem>> -> memref<1x64x128xf32, #tpu.memory_space<vmem>>
    %dma_wait3A_421 = tpu.memref_squeeze %dma_wait3A_420 : memref<1x64x128xf32, #tpu.memory_space<vmem>> -> memref<64x128xf32, #tpu.memory_space<vmem>>
    %dma_wait3A_422 = arith.constant 128 : i32
    %dma_wait3A_423 = tpu.memref_slice %arg11[%dma_wait3A_422] : memref<512xi32, #tpu.memory_space<vmem>> -> memref<64xi32, #tpu.memory_space<vmem>>
    %dma_wait3A_424 = arith.constant 0 : i32
    %dma_wait3A_425 = arith.constant 0 : i32
    %dma_wait3A_426 = tpu.memref_slice %arg6[%dma_wait3A_424, %dma_wait3A_425] : memref<100000x128xf32, #tpu.memory_space<hbm>> -> memref<100000x128xf32, #tpu.memory_space<hbm>>
    tpu.wait_indirect_dma semaphore(%arg17 : memref<!tpu.dma_semaphore, #tpu.memory_space<semaphore_mem>>) src(%dma_wait3A_426 : memref<100000x128xf32, #tpu.memory_space<hbm>>) dst(%dma_wait3A_421 : memref<64x128xf32, #tpu.memory_space<vmem>>)
    %dma_start3A_427 = arith.constant 0 : i32
    %dma_start3A_428 = arith.constant 0 : i32
    %dma_start3A_429 = arith.constant 0 : i32
    %dma_start3A_430 = tpu.memref_slice %arg15[%dma_start3A_427, %dma_start3A_428, %dma_start3A_429] : memref<2x64x128xf32, #tpu.memory_space<vmem>> -> memref<1x64x128xf32, #tpu.memory_space<vmem>>
    %dma_start3A_431 = tpu.memref_squeeze %dma_start3A_430 : memref<1x64x128xf32, #tpu.memory_space<vmem>> -> memref<64x128xf32, #tpu.memory_space<vmem>>
    %dma_start3A_432 = arith.constant 0 : i32
    %dma_start3A_433 = tpu.memref_slice %arg9[%add3A_278, %dma_start3A_432] : memref<16384x128xf32, #tpu.memory_space<hbm>> -> memref<64x128xf32, #tpu.memory_space<hbm>>
    %dma_start3A_434 = arith.constant 0 : i32
    %dma_start3A_435 = tpu.memref_slice %arg9[%add3A_278, %dma_start3A_434] : memref<16384x128xf32, #tpu.memory_space<hbm>> -> memref<64x128xf32, #tpu.memory_space<hbm>>
    %dma_start3A_436 = arith.constant 0 : i32
    %dma_start3A_437 = arith.constant 0 : i32
    %dma_start3A_438 = tpu.memref_slice %arg15[%dma_start3A_427, %dma_start3A_436, %dma_start3A_437] : memref<2x64x128xf32, #tpu.memory_space<vmem>> -> memref<1x64x128xf32, #tpu.memory_space<vmem>>
    %dma_start3A_439 = tpu.memref_squeeze %dma_start3A_438 : memref<1x64x128xf32, #tpu.memory_space<vmem>> -> memref<64x128xf32, #tpu.memory_space<vmem>>
    tpu.enqueue_dma source(%dma_start3A_439 : memref<64x128xf32, #tpu.memory_space<vmem>>) target(%dma_start3A_435 : memref<64x128xf32, #tpu.memory_space<hbm>>) target_semaphore(%arg18 : memref<!tpu.dma_semaphore, #tpu.memory_space<semaphore_mem>>)
    %dma_wait3A_440 = arith.constant 0 : i32
    %dma_wait3A_441 = arith.constant 0 : i32
    %dma_wait3A_442 = arith.constant 0 : i32
    %dma_wait3A_443 = tpu.memref_slice %arg16[%dma_wait3A_440, %dma_wait3A_441, %dma_wait3A_442] : memref<2x64x128xf32, #tpu.memory_space<vmem>> -> memref<1x64x128xf32, #tpu.memory_space<vmem>>
    %dma_wait3A_444 = tpu.memref_squeeze %dma_wait3A_443 : memref<1x64x128xf32, #tpu.memory_space<vmem>> -> memref<64x128xf32, #tpu.memory_space<vmem>>
    %dma_wait3A_445 = arith.constant 128 : i32
    %dma_wait3A_446 = tpu.memref_slice %arg12[%dma_wait3A_445] : memref<512xi32, #tpu.memory_space<vmem>> -> memref<64xi32, #tpu.memory_space<vmem>>
    %dma_wait3A_447 = arith.constant 0 : i32
    %dma_wait3A_448 = arith.constant 0 : i32
    %dma_wait3A_449 = tpu.memref_slice %arg6[%dma_wait3A_447, %dma_wait3A_448] : memref<100000x128xf32, #tpu.memory_space<hbm>> -> memref<100000x128xf32, #tpu.memory_space<hbm>>
    tpu.wait_indirect_dma semaphore(%arg17 : memref<!tpu.dma_semaphore, #tpu.memory_space<semaphore_mem>>) src(%dma_wait3A_449 : memref<100000x128xf32, #tpu.memory_space<hbm>>) dst(%dma_wait3A_444 : memref<64x128xf32, #tpu.memory_space<vmem>>)
    %dma_start3A_450 = arith.constant 0 : i32
    %dma_start3A_451 = arith.constant 0 : i32
    %dma_start3A_452 = arith.constant 0 : i32
    %dma_start3A_453 = tpu.memref_slice %arg16[%dma_start3A_450, %dma_start3A_451, %dma_start3A_452] : memref<2x64x128xf32, #tpu.memory_space<vmem>> -> memref<1x64x128xf32, #tpu.memory_space<vmem>>
    %dma_start3A_454 = tpu.memref_squeeze %dma_start3A_453 : memref<1x64x128xf32, #tpu.memory_space<vmem>> -> memref<64x128xf32, #tpu.memory_space<vmem>>
    %dma_start3A_455 = arith.constant 0 : i32
    %dma_start3A_456 = tpu.memref_slice %arg10[%add3A_278, %dma_start3A_455] : memref<16384x128xf32, #tpu.memory_space<hbm>> -> memref<64x128xf32, #tpu.memory_space<hbm>>
    %dma_start3A_457 = arith.constant 0 : i32
    %dma_start3A_458 = tpu.memref_slice %arg10[%add3A_278, %dma_start3A_457] : memref<16384x128xf32, #tpu.memory_space<hbm>> -> memref<64x128xf32, #tpu.memory_space<hbm>>
    %dma_start3A_459 = arith.constant 0 : i32
    %dma_start3A_460 = arith.constant 0 : i32
    %dma_start3A_461 = tpu.memref_slice %arg16[%dma_start3A_450, %dma_start3A_459, %dma_start3A_460] : memref<2x64x128xf32, #tpu.memory_space<vmem>> -> memref<1x64x128xf32, #tpu.memory_space<vmem>>
    %dma_start3A_462 = tpu.memref_squeeze %dma_start3A_461 : memref<1x64x128xf32, #tpu.memory_space<vmem>> -> memref<64x128xf32, #tpu.memory_space<vmem>>
    tpu.enqueue_dma source(%dma_start3A_462 : memref<64x128xf32, #tpu.memory_space<vmem>>) target(%dma_start3A_458 : memref<64x128xf32, #tpu.memory_space<hbm>>) target_semaphore(%arg18 : memref<!tpu.dma_semaphore, #tpu.memory_space<semaphore_mem>>)
    %mul3A_463 = arith.constant 512 : i32
    %mul3A_464 = arith.muli %add3A, %mul3A_463 : i32
    %add3A_465 = arith.constant 192 : i32
    %add3A_466 = arith.addi %mul3A_464, %add3A_465 : i32
    %dma_wait3A_467 = arith.constant 1 : i32
    %dma_wait3A_468 = arith.constant 0 : i32
    %dma_wait3A_469 = arith.constant 0 : i32
    %dma_wait3A_470 = tpu.memref_slice %arg13[%dma_wait3A_467, %dma_wait3A_468, %dma_wait3A_469] : memref<2x64x128xf32, #tpu.memory_space<vmem>> -> memref<1x64x128xf32, #tpu.memory_space<vmem>>
    %dma_wait3A_471 = tpu.memref_squeeze %dma_wait3A_470 : memref<1x64x128xf32, #tpu.memory_space<vmem>> -> memref<64x128xf32, #tpu.memory_space<vmem>>
    %dma_wait3A_472 = arith.constant 0 : i32
    %dma_wait3A_473 = tpu.memref_slice %arg7[%add3A_142, %dma_wait3A_472] : memref<16384x128xf32, #tpu.memory_space<hbm>> -> memref<64x128xf32, #tpu.memory_space<hbm>>
    %dma_wait3A_474 = arith.constant 0 : i32
    %dma_wait3A_475 = tpu.memref_slice %arg7[%add3A_142, %dma_wait3A_474] : memref<16384x128xf32, #tpu.memory_space<hbm>> -> memref<64x128xf32, #tpu.memory_space<hbm>>
    %dma_wait3A_476 = arith.constant 0 : i32
    %dma_wait3A_477 = arith.constant 0 : i32
    %dma_wait3A_478 = tpu.memref_slice %arg13[%dma_wait3A_467, %dma_wait3A_476, %dma_wait3A_477] : memref<2x64x128xf32, #tpu.memory_space<vmem>> -> memref<1x64x128xf32, #tpu.memory_space<vmem>>
    %dma_wait3A_479 = tpu.memref_squeeze %dma_wait3A_478 : memref<1x64x128xf32, #tpu.memory_space<vmem>> -> memref<64x128xf32, #tpu.memory_space<vmem>>
    tpu.wait_dma2 semaphore(%arg18 : memref<!tpu.dma_semaphore, #tpu.memory_space<semaphore_mem>>) src(%dma_wait3A_479 : memref<64x128xf32, #tpu.memory_space<vmem>>) dst(%dma_wait3A_475 : memref<64x128xf32, #tpu.memory_space<hbm>>)
    %dma_wait3A_480 = arith.constant 1 : i32
    %dma_wait3A_481 = arith.constant 0 : i32
    %dma_wait3A_482 = arith.constant 0 : i32
    %dma_wait3A_483 = tpu.memref_slice %arg14[%dma_wait3A_480, %dma_wait3A_481, %dma_wait3A_482] : memref<2x64x128xf32, #tpu.memory_space<vmem>> -> memref<1x64x128xf32, #tpu.memory_space<vmem>>
    %dma_wait3A_484 = tpu.memref_squeeze %dma_wait3A_483 : memref<1x64x128xf32, #tpu.memory_space<vmem>> -> memref<64x128xf32, #tpu.memory_space<vmem>>
    %dma_wait3A_485 = arith.constant 0 : i32
    %dma_wait3A_486 = tpu.memref_slice %arg8[%add3A_142, %dma_wait3A_485] : memref<16384x128xf32, #tpu.memory_space<hbm>> -> memref<64x128xf32, #tpu.memory_space<hbm>>
    %dma_wait3A_487 = arith.constant 0 : i32
    %dma_wait3A_488 = tpu.memref_slice %arg8[%add3A_142, %dma_wait3A_487] : memref<16384x128xf32, #tpu.memory_space<hbm>> -> memref<64x128xf32, #tpu.memory_space<hbm>>
    %dma_wait3A_489 = arith.constant 0 : i32
    %dma_wait3A_490 = arith.constant 0 : i32
    %dma_wait3A_491 = tpu.memref_slice %arg14[%dma_wait3A_480, %dma_wait3A_489, %dma_wait3A_490] : memref<2x64x128xf32, #tpu.memory_space<vmem>> -> memref<1x64x128xf32, #tpu.memory_space<vmem>>
    %dma_wait3A_492 = tpu.memref_squeeze %dma_wait3A_491 : memref<1x64x128xf32, #tpu.memory_space<vmem>> -> memref<64x128xf32, #tpu.memory_space<vmem>>
    tpu.wait_dma2 semaphore(%arg18 : memref<!tpu.dma_semaphore, #tpu.memory_space<semaphore_mem>>) src(%dma_wait3A_492 : memref<64x128xf32, #tpu.memory_space<vmem>>) dst(%dma_wait3A_488 : memref<64x128xf32, #tpu.memory_space<hbm>>)
    %dma_wait3A_493 = arith.constant 1 : i32
    %dma_wait3A_494 = arith.constant 0 : i32
    %dma_wait3A_495 = arith.constant 0 : i32
    %dma_wait3A_496 = tpu.memref_slice %arg15[%dma_wait3A_493, %dma_wait3A_494, %dma_wait3A_495] : memref<2x64x128xf32, #tpu.memory_space<vmem>> -> memref<1x64x128xf32, #tpu.memory_space<vmem>>
    %dma_wait3A_497 = tpu.memref_squeeze %dma_wait3A_496 : memref<1x64x128xf32, #tpu.memory_space<vmem>> -> memref<64x128xf32, #tpu.memory_space<vmem>>
    %dma_wait3A_498 = arith.constant 0 : i32
    %dma_wait3A_499 = tpu.memref_slice %arg9[%add3A_142, %dma_wait3A_498] : memref<16384x128xf32, #tpu.memory_space<hbm>> -> memref<64x128xf32, #tpu.memory_space<hbm>>
    %dma_wait3A_500 = arith.constant 0 : i32
    %dma_wait3A_501 = tpu.memref_slice %arg9[%add3A_142, %dma_wait3A_500] : memref<16384x128xf32, #tpu.memory_space<hbm>> -> memref<64x128xf32, #tpu.memory_space<hbm>>
    %dma_wait3A_502 = arith.constant 0 : i32
    %dma_wait3A_503 = arith.constant 0 : i32
    %dma_wait3A_504 = tpu.memref_slice %arg15[%dma_wait3A_493, %dma_wait3A_502, %dma_wait3A_503] : memref<2x64x128xf32, #tpu.memory_space<vmem>> -> memref<1x64x128xf32, #tpu.memory_space<vmem>>
    %dma_wait3A_505 = tpu.memref_squeeze %dma_wait3A_504 : memref<1x64x128xf32, #tpu.memory_space<vmem>> -> memref<64x128xf32, #tpu.memory_space<vmem>>
    tpu.wait_dma2 semaphore(%arg18 : memref<!tpu.dma_semaphore, #tpu.memory_space<semaphore_mem>>) src(%dma_wait3A_505 : memref<64x128xf32, #tpu.memory_space<vmem>>) dst(%dma_wait3A_501 : memref<64x128xf32, #tpu.memory_space<hbm>>)
    %dma_wait3A_506 = arith.constant 1 : i32
    %dma_wait3A_507 = arith.constant 0 : i32
    %dma_wait3A_508 = arith.constant 0 : i32
    %dma_wait3A_509 = tpu.memref_slice %arg16[%dma_wait3A_506, %dma_wait3A_507, %dma_wait3A_508] : memref<2x64x128xf32, #tpu.memory_space<vmem>> -> memref<1x64x128xf32, #tpu.memory_space<vmem>>
    %dma_wait3A_510 = tpu.memref_squeeze %dma_wait3A_509 : memref<1x64x128xf32, #tpu.memory_space<vmem>> -> memref<64x128xf32, #tpu.memory_space<vmem>>
    %dma_wait3A_511 = arith.constant 0 : i32
    %dma_wait3A_512 = tpu.memref_slice %arg10[%add3A_142, %dma_wait3A_511] : memref<16384x128xf32, #tpu.memory_space<hbm>> -> memref<64x128xf32, #tpu.memory_space<hbm>>
    %dma_wait3A_513 = arith.constant 0 : i32
    %dma_wait3A_514 = tpu.memref_slice %arg10[%add3A_142, %dma_wait3A_513] : memref<16384x128xf32, #tpu.memory_space<hbm>> -> memref<64x128xf32, #tpu.memory_space<hbm>>
    %dma_wait3A_515 = arith.constant 0 : i32
    %dma_wait3A_516 = arith.constant 0 : i32
    %dma_wait3A_517 = tpu.memref_slice %arg16[%dma_wait3A_506, %dma_wait3A_515, %dma_wait3A_516] : memref<2x64x128xf32, #tpu.memory_space<vmem>> -> memref<1x64x128xf32, #tpu.memory_space<vmem>>
    %dma_wait3A_518 = tpu.memref_squeeze %dma_wait3A_517 : memref<1x64x128xf32, #tpu.memory_space<vmem>> -> memref<64x128xf32, #tpu.memory_space<vmem>>
    tpu.wait_dma2 semaphore(%arg18 : memref<!tpu.dma_semaphore, #tpu.memory_space<semaphore_mem>>) src(%dma_wait3A_518 : memref<64x128xf32, #tpu.memory_space<vmem>>) dst(%dma_wait3A_514 : memref<64x128xf32, #tpu.memory_space<hbm>>)
    %dma_start3A_519 = arith.constant 1 : i32
    %dma_start3A_520 = arith.constant 0 : i32
    %dma_start3A_521 = arith.constant 0 : i32
    %dma_start3A_522 = tpu.memref_slice %arg13[%dma_start3A_519, %dma_start3A_520, %dma_start3A_521] : memref<2x64x128xf32, #tpu.memory_space<vmem>> -> memref<1x64x128xf32, #tpu.memory_space<vmem>>
    %dma_start3A_523 = tpu.memref_squeeze %dma_start3A_522 : memref<1x64x128xf32, #tpu.memory_space<vmem>> -> memref<64x128xf32, #tpu.memory_space<vmem>>
    %dma_start3A_524 = arith.constant 192 : i32
    %dma_start3A_525 = tpu.memref_slice %arg11[%dma_start3A_524] : memref<512xi32, #tpu.memory_space<vmem>> -> memref<64xi32, #tpu.memory_space<vmem>>
    %dma_start3A_526 = arith.constant 0 : i32
    %dma_start3A_527 = arith.constant 0 : i32
    %dma_start3A_528 = tpu.memref_slice %arg4[%dma_start3A_526, %dma_start3A_527] : memref<100000x128xf32, #tpu.memory_space<hbm>> -> memref<100000x128xf32, #tpu.memory_space<hbm>>
    tpu.enqueue_indirect_dma source(%dma_start3A_528 : memref<100000x128xf32, #tpu.memory_space<hbm>>) target(%dma_start3A_523 : memref<64x128xf32, #tpu.memory_space<vmem>>) offsets(%dma_start3A_525 : memref<64xi32, #tpu.memory_space<vmem>>) semaphore(%arg17 : memref<!tpu.dma_semaphore, #tpu.memory_space<semaphore_mem>>)
    %dma_start3A_529 = arith.constant 1 : i32
    %dma_start3A_530 = arith.constant 0 : i32
    %dma_start3A_531 = arith.constant 0 : i32
    %dma_start3A_532 = tpu.memref_slice %arg14[%dma_start3A_529, %dma_start3A_530, %dma_start3A_531] : memref<2x64x128xf32, #tpu.memory_space<vmem>> -> memref<1x64x128xf32, #tpu.memory_space<vmem>>
    %dma_start3A_533 = tpu.memref_squeeze %dma_start3A_532 : memref<1x64x128xf32, #tpu.memory_space<vmem>> -> memref<64x128xf32, #tpu.memory_space<vmem>>
    %dma_start3A_534 = arith.constant 192 : i32
    %dma_start3A_535 = tpu.memref_slice %arg12[%dma_start3A_534] : memref<512xi32, #tpu.memory_space<vmem>> -> memref<64xi32, #tpu.memory_space<vmem>>
    %dma_start3A_536 = arith.constant 0 : i32
    %dma_start3A_537 = arith.constant 0 : i32
    %dma_start3A_538 = tpu.memref_slice %arg5[%dma_start3A_536, %dma_start3A_537] : memref<100000x128xf32, #tpu.memory_space<hbm>> -> memref<100000x128xf32, #tpu.memory_space<hbm>>
    tpu.enqueue_indirect_dma source(%dma_start3A_538 : memref<100000x128xf32, #tpu.memory_space<hbm>>) target(%dma_start3A_533 : memref<64x128xf32, #tpu.memory_space<vmem>>) offsets(%dma_start3A_535 : memref<64xi32, #tpu.memory_space<vmem>>) semaphore(%arg17 : memref<!tpu.dma_semaphore, #tpu.memory_space<semaphore_mem>>)
    %dma_start3A_539 = arith.constant 1 : i32
    %dma_start3A_540 = arith.constant 0 : i32
    %dma_start3A_541 = arith.constant 0 : i32
    %dma_start3A_542 = tpu.memref_slice %arg15[%dma_start3A_539, %dma_start3A_540, %dma_start3A_541] : memref<2x64x128xf32, #tpu.memory_space<vmem>> -> memref<1x64x128xf32, #tpu.memory_space<vmem>>
    %dma_start3A_543 = tpu.memref_squeeze %dma_start3A_542 : memref<1x64x128xf32, #tpu.memory_space<vmem>> -> memref<64x128xf32, #tpu.memory_space<vmem>>
    %dma_start3A_544 = arith.constant 192 : i32
    %dma_start3A_545 = tpu.memref_slice %arg11[%dma_start3A_544] : memref<512xi32, #tpu.memory_space<vmem>> -> memref<64xi32, #tpu.memory_space<vmem>>
    %dma_start3A_546 = arith.constant 0 : i32
    %dma_start3A_547 = arith.constant 0 : i32
    %dma_start3A_548 = tpu.memref_slice %arg6[%dma_start3A_546, %dma_start3A_547] : memref<100000x128xf32, #tpu.memory_space<hbm>> -> memref<100000x128xf32, #tpu.memory_space<hbm>>
    tpu.enqueue_indirect_dma source(%dma_start3A_548 : memref<100000x128xf32, #tpu.memory_space<hbm>>) target(%dma_start3A_543 : memref<64x128xf32, #tpu.memory_space<vmem>>) offsets(%dma_start3A_545 : memref<64xi32, #tpu.memory_space<vmem>>) semaphore(%arg17 : memref<!tpu.dma_semaphore, #tpu.memory_space<semaphore_mem>>)
    %dma_start3A_549 = arith.constant 1 : i32
    %dma_start3A_550 = arith.constant 0 : i32
    %dma_start3A_551 = arith.constant 0 : i32
    %dma_start3A_552 = tpu.memref_slice %arg16[%dma_start3A_549, %dma_start3A_550, %dma_start3A_551] : memref<2x64x128xf32, #tpu.memory_space<vmem>> -> memref<1x64x128xf32, #tpu.memory_space<vmem>>
    %dma_start3A_553 = tpu.memref_squeeze %dma_start3A_552 : memref<1x64x128xf32, #tpu.memory_space<vmem>> -> memref<64x128xf32, #tpu.memory_space<vmem>>
    %dma_start3A_554 = arith.constant 192 : i32
    %dma_start3A_555 = tpu.memref_slice %arg12[%dma_start3A_554] : memref<512xi32, #tpu.memory_space<vmem>> -> memref<64xi32, #tpu.memory_space<vmem>>
    %dma_start3A_556 = arith.constant 0 : i32
    %dma_start3A_557 = arith.constant 0 : i32
    %dma_start3A_558 = tpu.memref_slice %arg6[%dma_start3A_556, %dma_start3A_557] : memref<100000x128xf32, #tpu.memory_space<hbm>> -> memref<100000x128xf32, #tpu.memory_space<hbm>>
    tpu.enqueue_indirect_dma source(%dma_start3A_558 : memref<100000x128xf32, #tpu.memory_space<hbm>>) target(%dma_start3A_553 : memref<64x128xf32, #tpu.memory_space<vmem>>) offsets(%dma_start3A_555 : memref<64xi32, #tpu.memory_space<vmem>>) semaphore(%arg17 : memref<!tpu.dma_semaphore, #tpu.memory_space<semaphore_mem>>)
    %dma_wait3A_559 = arith.constant 1 : i32
    %dma_wait3A_560 = arith.constant 0 : i32
    %dma_wait3A_561 = arith.constant 0 : i32
    %dma_wait3A_562 = tpu.memref_slice %arg13[%dma_wait3A_559, %dma_wait3A_560, %dma_wait3A_561] : memref<2x64x128xf32, #tpu.memory_space<vmem>> -> memref<1x64x128xf32, #tpu.memory_space<vmem>>
    %dma_wait3A_563 = tpu.memref_squeeze %dma_wait3A_562 : memref<1x64x128xf32, #tpu.memory_space<vmem>> -> memref<64x128xf32, #tpu.memory_space<vmem>>
    %dma_wait3A_564 = arith.constant 192 : i32
    %dma_wait3A_565 = tpu.memref_slice %arg11[%dma_wait3A_564] : memref<512xi32, #tpu.memory_space<vmem>> -> memref<64xi32, #tpu.memory_space<vmem>>
    %dma_wait3A_566 = arith.constant 0 : i32
    %dma_wait3A_567 = arith.constant 0 : i32
    %dma_wait3A_568 = tpu.memref_slice %arg4[%dma_wait3A_566, %dma_wait3A_567] : memref<100000x128xf32, #tpu.memory_space<hbm>> -> memref<100000x128xf32, #tpu.memory_space<hbm>>
    tpu.wait_indirect_dma semaphore(%arg17 : memref<!tpu.dma_semaphore, #tpu.memory_space<semaphore_mem>>) src(%dma_wait3A_568 : memref<100000x128xf32, #tpu.memory_space<hbm>>) dst(%dma_wait3A_563 : memref<64x128xf32, #tpu.memory_space<vmem>>)
    %dma_start3A_569 = arith.constant 1 : i32
    %dma_start3A_570 = arith.constant 0 : i32
    %dma_start3A_571 = arith.constant 0 : i32
    %dma_start3A_572 = tpu.memref_slice %arg13[%dma_start3A_569, %dma_start3A_570, %dma_start3A_571] : memref<2x64x128xf32, #tpu.memory_space<vmem>> -> memref<1x64x128xf32, #tpu.memory_space<vmem>>
    %dma_start3A_573 = tpu.memref_squeeze %dma_start3A_572 : memref<1x64x128xf32, #tpu.memory_space<vmem>> -> memref<64x128xf32, #tpu.memory_space<vmem>>
    %dma_start3A_574 = arith.constant 0 : i32
    %dma_start3A_575 = tpu.memref_slice %arg7[%add3A_466, %dma_start3A_574] : memref<16384x128xf32, #tpu.memory_space<hbm>> -> memref<64x128xf32, #tpu.memory_space<hbm>>
    %dma_start3A_576 = arith.constant 0 : i32
    %dma_start3A_577 = tpu.memref_slice %arg7[%add3A_466, %dma_start3A_576] : memref<16384x128xf32, #tpu.memory_space<hbm>> -> memref<64x128xf32, #tpu.memory_space<hbm>>
    %dma_start3A_578 = arith.constant 0 : i32
    %dma_start3A_579 = arith.constant 0 : i32
    %dma_start3A_580 = tpu.memref_slice %arg13[%dma_start3A_569, %dma_start3A_578, %dma_start3A_579] : memref<2x64x128xf32, #tpu.memory_space<vmem>> -> memref<1x64x128xf32, #tpu.memory_space<vmem>>
    %dma_start3A_581 = tpu.memref_squeeze %dma_start3A_580 : memref<1x64x128xf32, #tpu.memory_space<vmem>> -> memref<64x128xf32, #tpu.memory_space<vmem>>
    tpu.enqueue_dma source(%dma_start3A_581 : memref<64x128xf32, #tpu.memory_space<vmem>>) target(%dma_start3A_577 : memref<64x128xf32, #tpu.memory_space<hbm>>) target_semaphore(%arg18 : memref<!tpu.dma_semaphore, #tpu.memory_space<semaphore_mem>>)
    %dma_wait3A_582 = arith.constant 1 : i32
    %dma_wait3A_583 = arith.constant 0 : i32
    %dma_wait3A_584 = arith.constant 0 : i32
    %dma_wait3A_585 = tpu.memref_slice %arg14[%dma_wait3A_582, %dma_wait3A_583, %dma_wait3A_584] : memref<2x64x128xf32, #tpu.memory_space<vmem>> -> memref<1x64x128xf32, #tpu.memory_space<vmem>>
    %dma_wait3A_586 = tpu.memref_squeeze %dma_wait3A_585 : memref<1x64x128xf32, #tpu.memory_space<vmem>> -> memref<64x128xf32, #tpu.memory_space<vmem>>
    %dma_wait3A_587 = arith.constant 192 : i32
    %dma_wait3A_588 = tpu.memref_slice %arg12[%dma_wait3A_587] : memref<512xi32, #tpu.memory_space<vmem>> -> memref<64xi32, #tpu.memory_space<vmem>>
    %dma_wait3A_589 = arith.constant 0 : i32
    %dma_wait3A_590 = arith.constant 0 : i32
    %dma_wait3A_591 = tpu.memref_slice %arg5[%dma_wait3A_589, %dma_wait3A_590] : memref<100000x128xf32, #tpu.memory_space<hbm>> -> memref<100000x128xf32, #tpu.memory_space<hbm>>
    tpu.wait_indirect_dma semaphore(%arg17 : memref<!tpu.dma_semaphore, #tpu.memory_space<semaphore_mem>>) src(%dma_wait3A_591 : memref<100000x128xf32, #tpu.memory_space<hbm>>) dst(%dma_wait3A_586 : memref<64x128xf32, #tpu.memory_space<vmem>>)
    %dma_start3A_592 = arith.constant 1 : i32
    %dma_start3A_593 = arith.constant 0 : i32
    %dma_start3A_594 = arith.constant 0 : i32
    %dma_start3A_595 = tpu.memref_slice %arg14[%dma_start3A_592, %dma_start3A_593, %dma_start3A_594] : memref<2x64x128xf32, #tpu.memory_space<vmem>> -> memref<1x64x128xf32, #tpu.memory_space<vmem>>
    %dma_start3A_596 = tpu.memref_squeeze %dma_start3A_595 : memref<1x64x128xf32, #tpu.memory_space<vmem>> -> memref<64x128xf32, #tpu.memory_space<vmem>>
    %dma_start3A_597 = arith.constant 0 : i32
    %dma_start3A_598 = tpu.memref_slice %arg8[%add3A_466, %dma_start3A_597] : memref<16384x128xf32, #tpu.memory_space<hbm>> -> memref<64x128xf32, #tpu.memory_space<hbm>>
    %dma_start3A_599 = arith.constant 0 : i32
    %dma_start3A_600 = tpu.memref_slice %arg8[%add3A_466, %dma_start3A_599] : memref<16384x128xf32, #tpu.memory_space<hbm>> -> memref<64x128xf32, #tpu.memory_space<hbm>>
    %dma_start3A_601 = arith.constant 0 : i32
    %dma_start3A_602 = arith.constant 0 : i32
    %dma_start3A_603 = tpu.memref_slice %arg14[%dma_start3A_592, %dma_start3A_601, %dma_start3A_602] : memref<2x64x128xf32, #tpu.memory_space<vmem>> -> memref<1x64x128xf32, #tpu.memory_space<vmem>>
    %dma_start3A_604 = tpu.memref_squeeze %dma_start3A_603 : memref<1x64x128xf32, #tpu.memory_space<vmem>> -> memref<64x128xf32, #tpu.memory_space<vmem>>
    tpu.enqueue_dma source(%dma_start3A_604 : memref<64x128xf32, #tpu.memory_space<vmem>>) target(%dma_start3A_600 : memref<64x128xf32, #tpu.memory_space<hbm>>) target_semaphore(%arg18 : memref<!tpu.dma_semaphore, #tpu.memory_space<semaphore_mem>>)
    %dma_wait3A_605 = arith.constant 1 : i32
    %dma_wait3A_606 = arith.constant 0 : i32
    %dma_wait3A_607 = arith.constant 0 : i32
    %dma_wait3A_608 = tpu.memref_slice %arg15[%dma_wait3A_605, %dma_wait3A_606, %dma_wait3A_607] : memref<2x64x128xf32, #tpu.memory_space<vmem>> -> memref<1x64x128xf32, #tpu.memory_space<vmem>>
    %dma_wait3A_609 = tpu.memref_squeeze %dma_wait3A_608 : memref<1x64x128xf32, #tpu.memory_space<vmem>> -> memref<64x128xf32, #tpu.memory_space<vmem>>
    %dma_wait3A_610 = arith.constant 192 : i32
    %dma_wait3A_611 = tpu.memref_slice %arg11[%dma_wait3A_610] : memref<512xi32, #tpu.memory_space<vmem>> -> memref<64xi32, #tpu.memory_space<vmem>>
    %dma_wait3A_612 = arith.constant 0 : i32
    %dma_wait3A_613 = arith.constant 0 : i32
    %dma_wait3A_614 = tpu.memref_slice %arg6[%dma_wait3A_612, %dma_wait3A_613] : memref<100000x128xf32, #tpu.memory_space<hbm>> -> memref<100000x128xf32, #tpu.memory_space<hbm>>
    tpu.wait_indirect_dma semaphore(%arg17 : memref<!tpu.dma_semaphore, #tpu.memory_space<semaphore_mem>>) src(%dma_wait3A_614 : memref<100000x128xf32, #tpu.memory_space<hbm>>) dst(%dma_wait3A_609 : memref<64x128xf32, #tpu.memory_space<vmem>>)
    %dma_start3A_615 = arith.constant 1 : i32
    %dma_start3A_616 = arith.constant 0 : i32
    %dma_start3A_617 = arith.constant 0 : i32
    %dma_start3A_618 = tpu.memref_slice %arg15[%dma_start3A_615, %dma_start3A_616, %dma_start3A_617] : memref<2x64x128xf32, #tpu.memory_space<vmem>> -> memref<1x64x128xf32, #tpu.memory_space<vmem>>
    %dma_start3A_619 = tpu.memref_squeeze %dma_start3A_618 : memref<1x64x128xf32, #tpu.memory_space<vmem>> -> memref<64x128xf32, #tpu.memory_space<vmem>>
    %dma_start3A_620 = arith.constant 0 : i32
    %dma_start3A_621 = tpu.memref_slice %arg9[%add3A_466, %dma_start3A_620] : memref<16384x128xf32, #tpu.memory_space<hbm>> -> memref<64x128xf32, #tpu.memory_space<hbm>>
    %dma_start3A_622 = arith.constant 0 : i32
    %dma_start3A_623 = tpu.memref_slice %arg9[%add3A_466, %dma_start3A_622] : memref<16384x128xf32, #tpu.memory_space<hbm>> -> memref<64x128xf32, #tpu.memory_space<hbm>>
    %dma_start3A_624 = arith.constant 0 : i32
    %dma_start3A_625 = arith.constant 0 : i32
    %dma_start3A_626 = tpu.memref_slice %arg15[%dma_start3A_615, %dma_start3A_624, %dma_start3A_625] : memref<2x64x128xf32, #tpu.memory_space<vmem>> -> memref<1x64x128xf32, #tpu.memory_space<vmem>>
    %dma_start3A_627 = tpu.memref_squeeze %dma_start3A_626 : memref<1x64x128xf32, #tpu.memory_space<vmem>> -> memref<64x128xf32, #tpu.memory_space<vmem>>
    tpu.enqueue_dma source(%dma_start3A_627 : memref<64x128xf32, #tpu.memory_space<vmem>>) target(%dma_start3A_623 : memref<64x128xf32, #tpu.memory_space<hbm>>) target_semaphore(%arg18 : memref<!tpu.dma_semaphore, #tpu.memory_space<semaphore_mem>>)
    %dma_wait3A_628 = arith.constant 1 : i32
    %dma_wait3A_629 = arith.constant 0 : i32
    %dma_wait3A_630 = arith.constant 0 : i32
    %dma_wait3A_631 = tpu.memref_slice %arg16[%dma_wait3A_628, %dma_wait3A_629, %dma_wait3A_630] : memref<2x64x128xf32, #tpu.memory_space<vmem>> -> memref<1x64x128xf32, #tpu.memory_space<vmem>>
    %dma_wait3A_632 = tpu.memref_squeeze %dma_wait3A_631 : memref<1x64x128xf32, #tpu.memory_space<vmem>> -> memref<64x128xf32, #tpu.memory_space<vmem>>
    %dma_wait3A_633 = arith.constant 192 : i32
    %dma_wait3A_634 = tpu.memref_slice %arg12[%dma_wait3A_633] : memref<512xi32, #tpu.memory_space<vmem>> -> memref<64xi32, #tpu.memory_space<vmem>>
    %dma_wait3A_635 = arith.constant 0 : i32
    %dma_wait3A_636 = arith.constant 0 : i32
    %dma_wait3A_637 = tpu.memref_slice %arg6[%dma_wait3A_635, %dma_wait3A_636] : memref<100000x128xf32, #tpu.memory_space<hbm>> -> memref<100000x128xf32, #tpu.memory_space<hbm>>
    tpu.wait_indirect_dma semaphore(%arg17 : memref<!tpu.dma_semaphore, #tpu.memory_space<semaphore_mem>>) src(%dma_wait3A_637 : memref<100000x128xf32, #tpu.memory_space<hbm>>) dst(%dma_wait3A_632 : memref<64x128xf32, #tpu.memory_space<vmem>>)
    %dma_start3A_638 = arith.constant 1 : i32
    %dma_start3A_639 = arith.constant 0 : i32
    %dma_start3A_640 = arith.constant 0 : i32
    %dma_start3A_641 = tpu.memref_slice %arg16[%dma_start3A_638, %dma_start3A_639, %dma_start3A_640] : memref<2x64x128xf32, #tpu.memory_space<vmem>> -> memref<1x64x128xf32, #tpu.memory_space<vmem>>
    %dma_start3A_642 = tpu.memref_squeeze %dma_start3A_641 : memref<1x64x128xf32, #tpu.memory_space<vmem>> -> memref<64x128xf32, #tpu.memory_space<vmem>>
    %dma_start3A_643 = arith.constant 0 : i32
    %dma_start3A_644 = tpu.memref_slice %arg10[%add3A_466, %dma_start3A_643] : memref<16384x128xf32, #tpu.memory_space<hbm>> -> memref<64x128xf32, #tpu.memory_space<hbm>>
    %dma_start3A_645 = arith.constant 0 : i32
    %dma_start3A_646 = tpu.memref_slice %arg10[%add3A_466, %dma_start3A_645] : memref<16384x128xf32, #tpu.memory_space<hbm>> -> memref<64x128xf32, #tpu.memory_space<hbm>>
    %dma_start3A_647 = arith.constant 0 : i32
    %dma_start3A_648 = arith.constant 0 : i32
    %dma_start3A_649 = tpu.memref_slice %arg16[%dma_start3A_638, %dma_start3A_647, %dma_start3A_648] : memref<2x64x128xf32, #tpu.memory_space<vmem>> -> memref<1x64x128xf32, #tpu.memory_space<vmem>>
    %dma_start3A_650 = tpu.memref_squeeze %dma_start3A_649 : memref<1x64x128xf32, #tpu.memory_space<vmem>> -> memref<64x128xf32, #tpu.memory_space<vmem>>
    tpu.enqueue_dma source(%dma_start3A_650 : memref<64x128xf32, #tpu.memory_space<vmem>>) target(%dma_start3A_646 : memref<64x128xf32, #tpu.memory_space<hbm>>) target_semaphore(%arg18 : memref<!tpu.dma_semaphore, #tpu.memory_space<semaphore_mem>>)
    %mul3A_651 = arith.constant 512 : i32
    %mul3A_652 = arith.muli %add3A, %mul3A_651 : i32
    %add3A_653 = arith.constant 256 : i32
    %add3A_654 = arith.addi %mul3A_652, %add3A_653 : i32
    %dma_wait3A_655 = arith.constant 0 : i32
    %dma_wait3A_656 = arith.constant 0 : i32
    %dma_wait3A_657 = arith.constant 0 : i32
    %dma_wait3A_658 = tpu.memref_slice %arg13[%dma_wait3A_655, %dma_wait3A_656, %dma_wait3A_657] : memref<2x64x128xf32, #tpu.memory_space<vmem>> -> memref<1x64x128xf32, #tpu.memory_space<vmem>>
    %dma_wait3A_659 = tpu.memref_squeeze %dma_wait3A_658 : memref<1x64x128xf32, #tpu.memory_space<vmem>> -> memref<64x128xf32, #tpu.memory_space<vmem>>
    %dma_wait3A_660 = arith.constant 0 : i32
    %dma_wait3A_661 = tpu.memref_slice %arg7[%add3A_278, %dma_wait3A_660] : memref<16384x128xf32, #tpu.memory_space<hbm>> -> memref<64x128xf32, #tpu.memory_space<hbm>>
    %dma_wait3A_662 = arith.constant 0 : i32
    %dma_wait3A_663 = tpu.memref_slice %arg7[%add3A_278, %dma_wait3A_662] : memref<16384x128xf32, #tpu.memory_space<hbm>> -> memref<64x128xf32, #tpu.memory_space<hbm>>
    %dma_wait3A_664 = arith.constant 0 : i32
    %dma_wait3A_665 = arith.constant 0 : i32
    %dma_wait3A_666 = tpu.memref_slice %arg13[%dma_wait3A_655, %dma_wait3A_664, %dma_wait3A_665] : memref<2x64x128xf32, #tpu.memory_space<vmem>> -> memref<1x64x128xf32, #tpu.memory_space<vmem>>
    %dma_wait3A_667 = tpu.memref_squeeze %dma_wait3A_666 : memref<1x64x128xf32, #tpu.memory_space<vmem>> -> memref<64x128xf32, #tpu.memory_space<vmem>>
    tpu.wait_dma2 semaphore(%arg18 : memref<!tpu.dma_semaphore, #tpu.memory_space<semaphore_mem>>) src(%dma_wait3A_667 : memref<64x128xf32, #tpu.memory_space<vmem>>) dst(%dma_wait3A_663 : memref<64x128xf32, #tpu.memory_space<hbm>>)
    %dma_wait3A_668 = arith.constant 0 : i32
    %dma_wait3A_669 = arith.constant 0 : i32
    %dma_wait3A_670 = arith.constant 0 : i32
    %dma_wait3A_671 = tpu.memref_slice %arg14[%dma_wait3A_668, %dma_wait3A_669, %dma_wait3A_670] : memref<2x64x128xf32, #tpu.memory_space<vmem>> -> memref<1x64x128xf32, #tpu.memory_space<vmem>>
    %dma_wait3A_672 = tpu.memref_squeeze %dma_wait3A_671 : memref<1x64x128xf32, #tpu.memory_space<vmem>> -> memref<64x128xf32, #tpu.memory_space<vmem>>
    %dma_wait3A_673 = arith.constant 0 : i32
    %dma_wait3A_674 = tpu.memref_slice %arg8[%add3A_278, %dma_wait3A_673] : memref<16384x128xf32, #tpu.memory_space<hbm>> -> memref<64x128xf32, #tpu.memory_space<hbm>>
    %dma_wait3A_675 = arith.constant 0 : i32
    %dma_wait3A_676 = tpu.memref_slice %arg8[%add3A_278, %dma_wait3A_675] : memref<16384x128xf32, #tpu.memory_space<hbm>> -> memref<64x128xf32, #tpu.memory_space<hbm>>
    %dma_wait3A_677 = arith.constant 0 : i32
    %dma_wait3A_678 = arith.constant 0 : i32
    %dma_wait3A_679 = tpu.memref_slice %arg14[%dma_wait3A_668, %dma_wait3A_677, %dma_wait3A_678] : memref<2x64x128xf32, #tpu.memory_space<vmem>> -> memref<1x64x128xf32, #tpu.memory_space<vmem>>
    %dma_wait3A_680 = tpu.memref_squeeze %dma_wait3A_679 : memref<1x64x128xf32, #tpu.memory_space<vmem>> -> memref<64x128xf32, #tpu.memory_space<vmem>>
    tpu.wait_dma2 semaphore(%arg18 : memref<!tpu.dma_semaphore, #tpu.memory_space<semaphore_mem>>) src(%dma_wait3A_680 : memref<64x128xf32, #tpu.memory_space<vmem>>) dst(%dma_wait3A_676 : memref<64x128xf32, #tpu.memory_space<hbm>>)
    %dma_wait3A_681 = arith.constant 0 : i32
    %dma_wait3A_682 = arith.constant 0 : i32
    %dma_wait3A_683 = arith.constant 0 : i32
    %dma_wait3A_684 = tpu.memref_slice %arg15[%dma_wait3A_681, %dma_wait3A_682, %dma_wait3A_683] : memref<2x64x128xf32, #tpu.memory_space<vmem>> -> memref<1x64x128xf32, #tpu.memory_space<vmem>>
    %dma_wait3A_685 = tpu.memref_squeeze %dma_wait3A_684 : memref<1x64x128xf32, #tpu.memory_space<vmem>> -> memref<64x128xf32, #tpu.memory_space<vmem>>
    %dma_wait3A_686 = arith.constant 0 : i32
    %dma_wait3A_687 = tpu.memref_slice %arg9[%add3A_278, %dma_wait3A_686] : memref<16384x128xf32, #tpu.memory_space<hbm>> -> memref<64x128xf32, #tpu.memory_space<hbm>>
    %dma_wait3A_688 = arith.constant 0 : i32
    %dma_wait3A_689 = tpu.memref_slice %arg9[%add3A_278, %dma_wait3A_688] : memref<16384x128xf32, #tpu.memory_space<hbm>> -> memref<64x128xf32, #tpu.memory_space<hbm>>
    %dma_wait3A_690 = arith.constant 0 : i32
    %dma_wait3A_691 = arith.constant 0 : i32
    %dma_wait3A_692 = tpu.memref_slice %arg15[%dma_wait3A_681, %dma_wait3A_690, %dma_wait3A_691] : memref<2x64x128xf32, #tpu.memory_space<vmem>> -> memref<1x64x128xf32, #tpu.memory_space<vmem>>
    %dma_wait3A_693 = tpu.memref_squeeze %dma_wait3A_692 : memref<1x64x128xf32, #tpu.memory_space<vmem>> -> memref<64x128xf32, #tpu.memory_space<vmem>>
    tpu.wait_dma2 semaphore(%arg18 : memref<!tpu.dma_semaphore, #tpu.memory_space<semaphore_mem>>) src(%dma_wait3A_693 : memref<64x128xf32, #tpu.memory_space<vmem>>) dst(%dma_wait3A_689 : memref<64x128xf32, #tpu.memory_space<hbm>>)
    %dma_wait3A_694 = arith.constant 0 : i32
    %dma_wait3A_695 = arith.constant 0 : i32
    %dma_wait3A_696 = arith.constant 0 : i32
    %dma_wait3A_697 = tpu.memref_slice %arg16[%dma_wait3A_694, %dma_wait3A_695, %dma_wait3A_696] : memref<2x64x128xf32, #tpu.memory_space<vmem>> -> memref<1x64x128xf32, #tpu.memory_space<vmem>>
    %dma_wait3A_698 = tpu.memref_squeeze %dma_wait3A_697 : memref<1x64x128xf32, #tpu.memory_space<vmem>> -> memref<64x128xf32, #tpu.memory_space<vmem>>
    %dma_wait3A_699 = arith.constant 0 : i32
    %dma_wait3A_700 = tpu.memref_slice %arg10[%add3A_278, %dma_wait3A_699] : memref<16384x128xf32, #tpu.memory_space<hbm>> -> memref<64x128xf32, #tpu.memory_space<hbm>>
    %dma_wait3A_701 = arith.constant 0 : i32
    %dma_wait3A_702 = tpu.memref_slice %arg10[%add3A_278, %dma_wait3A_701] : memref<16384x128xf32, #tpu.memory_space<hbm>> -> memref<64x128xf32, #tpu.memory_space<hbm>>
    %dma_wait3A_703 = arith.constant 0 : i32
    %dma_wait3A_704 = arith.constant 0 : i32
    %dma_wait3A_705 = tpu.memref_slice %arg16[%dma_wait3A_694, %dma_wait3A_703, %dma_wait3A_704] : memref<2x64x128xf32, #tpu.memory_space<vmem>> -> memref<1x64x128xf32, #tpu.memory_space<vmem>>
    %dma_wait3A_706 = tpu.memref_squeeze %dma_wait3A_705 : memref<1x64x128xf32, #tpu.memory_space<vmem>> -> memref<64x128xf32, #tpu.memory_space<vmem>>
    tpu.wait_dma2 semaphore(%arg18 : memref<!tpu.dma_semaphore, #tpu.memory_space<semaphore_mem>>) src(%dma_wait3A_706 : memref<64x128xf32, #tpu.memory_space<vmem>>) dst(%dma_wait3A_702 : memref<64x128xf32, #tpu.memory_space<hbm>>)
    %dma_start3A_707 = arith.constant 0 : i32
    %dma_start3A_708 = arith.constant 0 : i32
    %dma_start3A_709 = arith.constant 0 : i32
    %dma_start3A_710 = tpu.memref_slice %arg13[%dma_start3A_707, %dma_start3A_708, %dma_start3A_709] : memref<2x64x128xf32, #tpu.memory_space<vmem>> -> memref<1x64x128xf32, #tpu.memory_space<vmem>>
    %dma_start3A_711 = tpu.memref_squeeze %dma_start3A_710 : memref<1x64x128xf32, #tpu.memory_space<vmem>> -> memref<64x128xf32, #tpu.memory_space<vmem>>
    %dma_start3A_712 = arith.constant 256 : i32
    %dma_start3A_713 = tpu.memref_slice %arg11[%dma_start3A_712] : memref<512xi32, #tpu.memory_space<vmem>> -> memref<64xi32, #tpu.memory_space<vmem>>
    %dma_start3A_714 = arith.constant 0 : i32
    %dma_start3A_715 = arith.constant 0 : i32
    %dma_start3A_716 = tpu.memref_slice %arg4[%dma_start3A_714, %dma_start3A_715] : memref<100000x128xf32, #tpu.memory_space<hbm>> -> memref<100000x128xf32, #tpu.memory_space<hbm>>
    tpu.enqueue_indirect_dma source(%dma_start3A_716 : memref<100000x128xf32, #tpu.memory_space<hbm>>) target(%dma_start3A_711 : memref<64x128xf32, #tpu.memory_space<vmem>>) offsets(%dma_start3A_713 : memref<64xi32, #tpu.memory_space<vmem>>) semaphore(%arg17 : memref<!tpu.dma_semaphore, #tpu.memory_space<semaphore_mem>>)
    %dma_start3A_717 = arith.constant 0 : i32
    %dma_start3A_718 = arith.constant 0 : i32
    %dma_start3A_719 = arith.constant 0 : i32
    %dma_start3A_720 = tpu.memref_slice %arg14[%dma_start3A_717, %dma_start3A_718, %dma_start3A_719] : memref<2x64x128xf32, #tpu.memory_space<vmem>> -> memref<1x64x128xf32, #tpu.memory_space<vmem>>
    %dma_start3A_721 = tpu.memref_squeeze %dma_start3A_720 : memref<1x64x128xf32, #tpu.memory_space<vmem>> -> memref<64x128xf32, #tpu.memory_space<vmem>>
    %dma_start3A_722 = arith.constant 256 : i32
    %dma_start3A_723 = tpu.memref_slice %arg12[%dma_start3A_722] : memref<512xi32, #tpu.memory_space<vmem>> -> memref<64xi32, #tpu.memory_space<vmem>>
    %dma_start3A_724 = arith.constant 0 : i32
    %dma_start3A_725 = arith.constant 0 : i32
    %dma_start3A_726 = tpu.memref_slice %arg5[%dma_start3A_724, %dma_start3A_725] : memref<100000x128xf32, #tpu.memory_space<hbm>> -> memref<100000x128xf32, #tpu.memory_space<hbm>>
    tpu.enqueue_indirect_dma source(%dma_start3A_726 : memref<100000x128xf32, #tpu.memory_space<hbm>>) target(%dma_start3A_721 : memref<64x128xf32, #tpu.memory_space<vmem>>) offsets(%dma_start3A_723 : memref<64xi32, #tpu.memory_space<vmem>>) semaphore(%arg17 : memref<!tpu.dma_semaphore, #tpu.memory_space<semaphore_mem>>)
    %dma_start3A_727 = arith.constant 0 : i32
    %dma_start3A_728 = arith.constant 0 : i32
    %dma_start3A_729 = arith.constant 0 : i32
    %dma_start3A_730 = tpu.memref_slice %arg15[%dma_start3A_727, %dma_start3A_728, %dma_start3A_729] : memref<2x64x128xf32, #tpu.memory_space<vmem>> -> memref<1x64x128xf32, #tpu.memory_space<vmem>>
    %dma_start3A_731 = tpu.memref_squeeze %dma_start3A_730 : memref<1x64x128xf32, #tpu.memory_space<vmem>> -> memref<64x128xf32, #tpu.memory_space<vmem>>
    %dma_start3A_732 = arith.constant 256 : i32
    %dma_start3A_733 = tpu.memref_slice %arg11[%dma_start3A_732] : memref<512xi32, #tpu.memory_space<vmem>> -> memref<64xi32, #tpu.memory_space<vmem>>
    %dma_start3A_734 = arith.constant 0 : i32
    %dma_start3A_735 = arith.constant 0 : i32
    %dma_start3A_736 = tpu.memref_slice %arg6[%dma_start3A_734, %dma_start3A_735] : memref<100000x128xf32, #tpu.memory_space<hbm>> -> memref<100000x128xf32, #tpu.memory_space<hbm>>
    tpu.enqueue_indirect_dma source(%dma_start3A_736 : memref<100000x128xf32, #tpu.memory_space<hbm>>) target(%dma_start3A_731 : memref<64x128xf32, #tpu.memory_space<vmem>>) offsets(%dma_start3A_733 : memref<64xi32, #tpu.memory_space<vmem>>) semaphore(%arg17 : memref<!tpu.dma_semaphore, #tpu.memory_space<semaphore_mem>>)
    %dma_start3A_737 = arith.constant 0 : i32
    %dma_start3A_738 = arith.constant 0 : i32
    %dma_start3A_739 = arith.constant 0 : i32
    %dma_start3A_740 = tpu.memref_slice %arg16[%dma_start3A_737, %dma_start3A_738, %dma_start3A_739] : memref<2x64x128xf32, #tpu.memory_space<vmem>> -> memref<1x64x128xf32, #tpu.memory_space<vmem>>
    %dma_start3A_741 = tpu.memref_squeeze %dma_start3A_740 : memref<1x64x128xf32, #tpu.memory_space<vmem>> -> memref<64x128xf32, #tpu.memory_space<vmem>>
    %dma_start3A_742 = arith.constant 256 : i32
    %dma_start3A_743 = tpu.memref_slice %arg12[%dma_start3A_742] : memref<512xi32, #tpu.memory_space<vmem>> -> memref<64xi32, #tpu.memory_space<vmem>>
    %dma_start3A_744 = arith.constant 0 : i32
    %dma_start3A_745 = arith.constant 0 : i32
    %dma_start3A_746 = tpu.memref_slice %arg6[%dma_start3A_744, %dma_start3A_745] : memref<100000x128xf32, #tpu.memory_space<hbm>> -> memref<100000x128xf32, #tpu.memory_space<hbm>>
    tpu.enqueue_indirect_dma source(%dma_start3A_746 : memref<100000x128xf32, #tpu.memory_space<hbm>>) target(%dma_start3A_741 : memref<64x128xf32, #tpu.memory_space<vmem>>) offsets(%dma_start3A_743 : memref<64xi32, #tpu.memory_space<vmem>>) semaphore(%arg17 : memref<!tpu.dma_semaphore, #tpu.memory_space<semaphore_mem>>)
    %dma_wait3A_747 = arith.constant 0 : i32
    %dma_wait3A_748 = arith.constant 0 : i32
    %dma_wait3A_749 = arith.constant 0 : i32
    %dma_wait3A_750 = tpu.memref_slice %arg13[%dma_wait3A_747, %dma_wait3A_748, %dma_wait3A_749] : memref<2x64x128xf32, #tpu.memory_space<vmem>> -> memref<1x64x128xf32, #tpu.memory_space<vmem>>
    %dma_wait3A_751 = tpu.memref_squeeze %dma_wait3A_750 : memref<1x64x128xf32, #tpu.memory_space<vmem>> -> memref<64x128xf32, #tpu.memory_space<vmem>>
    %dma_wait3A_752 = arith.constant 256 : i32
    %dma_wait3A_753 = tpu.memref_slice %arg11[%dma_wait3A_752] : memref<512xi32, #tpu.memory_space<vmem>> -> memref<64xi32, #tpu.memory_space<vmem>>
    %dma_wait3A_754 = arith.constant 0 : i32
    %dma_wait3A_755 = arith.constant 0 : i32
    %dma_wait3A_756 = tpu.memref_slice %arg4[%dma_wait3A_754, %dma_wait3A_755] : memref<100000x128xf32, #tpu.memory_space<hbm>> -> memref<100000x128xf32, #tpu.memory_space<hbm>>
    tpu.wait_indirect_dma semaphore(%arg17 : memref<!tpu.dma_semaphore, #tpu.memory_space<semaphore_mem>>) src(%dma_wait3A_756 : memref<100000x128xf32, #tpu.memory_space<hbm>>) dst(%dma_wait3A_751 : memref<64x128xf32, #tpu.memory_space<vmem>>)
    %dma_start3A_757 = arith.constant 0 : i32
    %dma_start3A_758 = arith.constant 0 : i32
    %dma_start3A_759 = arith.constant 0 : i32
    %dma_start3A_760 = tpu.memref_slice %arg13[%dma_start3A_757, %dma_start3A_758, %dma_start3A_759] : memref<2x64x128xf32, #tpu.memory_space<vmem>> -> memref<1x64x128xf32, #tpu.memory_space<vmem>>
    %dma_start3A_761 = tpu.memref_squeeze %dma_start3A_760 : memref<1x64x128xf32, #tpu.memory_space<vmem>> -> memref<64x128xf32, #tpu.memory_space<vmem>>
    %dma_start3A_762 = arith.constant 0 : i32
    %dma_start3A_763 = tpu.memref_slice %arg7[%add3A_654, %dma_start3A_762] : memref<16384x128xf32, #tpu.memory_space<hbm>> -> memref<64x128xf32, #tpu.memory_space<hbm>>
    %dma_start3A_764 = arith.constant 0 : i32
    %dma_start3A_765 = tpu.memref_slice %arg7[%add3A_654, %dma_start3A_764] : memref<16384x128xf32, #tpu.memory_space<hbm>> -> memref<64x128xf32, #tpu.memory_space<hbm>>
    %dma_start3A_766 = arith.constant 0 : i32
    %dma_start3A_767 = arith.constant 0 : i32
    %dma_start3A_768 = tpu.memref_slice %arg13[%dma_start3A_757, %dma_start3A_766, %dma_start3A_767] : memref<2x64x128xf32, #tpu.memory_space<vmem>> -> memref<1x64x128xf32, #tpu.memory_space<vmem>>
    %dma_start3A_769 = tpu.memref_squeeze %dma_start3A_768 : memref<1x64x128xf32, #tpu.memory_space<vmem>> -> memref<64x128xf32, #tpu.memory_space<vmem>>
    tpu.enqueue_dma source(%dma_start3A_769 : memref<64x128xf32, #tpu.memory_space<vmem>>) target(%dma_start3A_765 : memref<64x128xf32, #tpu.memory_space<hbm>>) target_semaphore(%arg18 : memref<!tpu.dma_semaphore, #tpu.memory_space<semaphore_mem>>)
    %dma_wait3A_770 = arith.constant 0 : i32
    %dma_wait3A_771 = arith.constant 0 : i32
    %dma_wait3A_772 = arith.constant 0 : i32
    %dma_wait3A_773 = tpu.memref_slice %arg14[%dma_wait3A_770, %dma_wait3A_771, %dma_wait3A_772] : memref<2x64x128xf32, #tpu.memory_space<vmem>> -> memref<1x64x128xf32, #tpu.memory_space<vmem>>
    %dma_wait3A_774 = tpu.memref_squeeze %dma_wait3A_773 : memref<1x64x128xf32, #tpu.memory_space<vmem>> -> memref<64x128xf32, #tpu.memory_space<vmem>>
    %dma_wait3A_775 = arith.constant 256 : i32
    %dma_wait3A_776 = tpu.memref_slice %arg12[%dma_wait3A_775] : memref<512xi32, #tpu.memory_space<vmem>> -> memref<64xi32, #tpu.memory_space<vmem>>
    %dma_wait3A_777 = arith.constant 0 : i32
    %dma_wait3A_778 = arith.constant 0 : i32
    %dma_wait3A_779 = tpu.memref_slice %arg5[%dma_wait3A_777, %dma_wait3A_778] : memref<100000x128xf32, #tpu.memory_space<hbm>> -> memref<100000x128xf32, #tpu.memory_space<hbm>>
    tpu.wait_indirect_dma semaphore(%arg17 : memref<!tpu.dma_semaphore, #tpu.memory_space<semaphore_mem>>) src(%dma_wait3A_779 : memref<100000x128xf32, #tpu.memory_space<hbm>>) dst(%dma_wait3A_774 : memref<64x128xf32, #tpu.memory_space<vmem>>)
    %dma_start3A_780 = arith.constant 0 : i32
    %dma_start3A_781 = arith.constant 0 : i32
    %dma_start3A_782 = arith.constant 0 : i32
    %dma_start3A_783 = tpu.memref_slice %arg14[%dma_start3A_780, %dma_start3A_781, %dma_start3A_782] : memref<2x64x128xf32, #tpu.memory_space<vmem>> -> memref<1x64x128xf32, #tpu.memory_space<vmem>>
    %dma_start3A_784 = tpu.memref_squeeze %dma_start3A_783 : memref<1x64x128xf32, #tpu.memory_space<vmem>> -> memref<64x128xf32, #tpu.memory_space<vmem>>
    %dma_start3A_785 = arith.constant 0 : i32
    %dma_start3A_786 = tpu.memref_slice %arg8[%add3A_654, %dma_start3A_785] : memref<16384x128xf32, #tpu.memory_space<hbm>> -> memref<64x128xf32, #tpu.memory_space<hbm>>
    %dma_start3A_787 = arith.constant 0 : i32
    %dma_start3A_788 = tpu.memref_slice %arg8[%add3A_654, %dma_start3A_787] : memref<16384x128xf32, #tpu.memory_space<hbm>> -> memref<64x128xf32, #tpu.memory_space<hbm>>
    %dma_start3A_789 = arith.constant 0 : i32
    %dma_start3A_790 = arith.constant 0 : i32
    %dma_start3A_791 = tpu.memref_slice %arg14[%dma_start3A_780, %dma_start3A_789, %dma_start3A_790] : memref<2x64x128xf32, #tpu.memory_space<vmem>> -> memref<1x64x128xf32, #tpu.memory_space<vmem>>
    %dma_start3A_792 = tpu.memref_squeeze %dma_start3A_791 : memref<1x64x128xf32, #tpu.memory_space<vmem>> -> memref<64x128xf32, #tpu.memory_space<vmem>>
    tpu.enqueue_dma source(%dma_start3A_792 : memref<64x128xf32, #tpu.memory_space<vmem>>) target(%dma_start3A_788 : memref<64x128xf32, #tpu.memory_space<hbm>>) target_semaphore(%arg18 : memref<!tpu.dma_semaphore, #tpu.memory_space<semaphore_mem>>)
    %dma_wait3A_793 = arith.constant 0 : i32
    %dma_wait3A_794 = arith.constant 0 : i32
    %dma_wait3A_795 = arith.constant 0 : i32
    %dma_wait3A_796 = tpu.memref_slice %arg15[%dma_wait3A_793, %dma_wait3A_794, %dma_wait3A_795] : memref<2x64x128xf32, #tpu.memory_space<vmem>> -> memref<1x64x128xf32, #tpu.memory_space<vmem>>
    %dma_wait3A_797 = tpu.memref_squeeze %dma_wait3A_796 : memref<1x64x128xf32, #tpu.memory_space<vmem>> -> memref<64x128xf32, #tpu.memory_space<vmem>>
    %dma_wait3A_798 = arith.constant 256 : i32
    %dma_wait3A_799 = tpu.memref_slice %arg11[%dma_wait3A_798] : memref<512xi32, #tpu.memory_space<vmem>> -> memref<64xi32, #tpu.memory_space<vmem>>
    %dma_wait3A_800 = arith.constant 0 : i32
    %dma_wait3A_801 = arith.constant 0 : i32
    %dma_wait3A_802 = tpu.memref_slice %arg6[%dma_wait3A_800, %dma_wait3A_801] : memref<100000x128xf32, #tpu.memory_space<hbm>> -> memref<100000x128xf32, #tpu.memory_space<hbm>>
    tpu.wait_indirect_dma semaphore(%arg17 : memref<!tpu.dma_semaphore, #tpu.memory_space<semaphore_mem>>) src(%dma_wait3A_802 : memref<100000x128xf32, #tpu.memory_space<hbm>>) dst(%dma_wait3A_797 : memref<64x128xf32, #tpu.memory_space<vmem>>)
    %dma_start3A_803 = arith.constant 0 : i32
    %dma_start3A_804 = arith.constant 0 : i32
    %dma_start3A_805 = arith.constant 0 : i32
    %dma_start3A_806 = tpu.memref_slice %arg15[%dma_start3A_803, %dma_start3A_804, %dma_start3A_805] : memref<2x64x128xf32, #tpu.memory_space<vmem>> -> memref<1x64x128xf32, #tpu.memory_space<vmem>>
    %dma_start3A_807 = tpu.memref_squeeze %dma_start3A_806 : memref<1x64x128xf32, #tpu.memory_space<vmem>> -> memref<64x128xf32, #tpu.memory_space<vmem>>
    %dma_start3A_808 = arith.constant 0 : i32
    %dma_start3A_809 = tpu.memref_slice %arg9[%add3A_654, %dma_start3A_808] : memref<16384x128xf32, #tpu.memory_space<hbm>> -> memref<64x128xf32, #tpu.memory_space<hbm>>
    %dma_start3A_810 = arith.constant 0 : i32
    %dma_start3A_811 = tpu.memref_slice %arg9[%add3A_654, %dma_start3A_810] : memref<16384x128xf32, #tpu.memory_space<hbm>> -> memref<64x128xf32, #tpu.memory_space<hbm>>
    %dma_start3A_812 = arith.constant 0 : i32
    %dma_start3A_813 = arith.constant 0 : i32
    %dma_start3A_814 = tpu.memref_slice %arg15[%dma_start3A_803, %dma_start3A_812, %dma_start3A_813] : memref<2x64x128xf32, #tpu.memory_space<vmem>> -> memref<1x64x128xf32, #tpu.memory_space<vmem>>
    %dma_start3A_815 = tpu.memref_squeeze %dma_start3A_814 : memref<1x64x128xf32, #tpu.memory_space<vmem>> -> memref<64x128xf32, #tpu.memory_space<vmem>>
    tpu.enqueue_dma source(%dma_start3A_815 : memref<64x128xf32, #tpu.memory_space<vmem>>) target(%dma_start3A_811 : memref<64x128xf32, #tpu.memory_space<hbm>>) target_semaphore(%arg18 : memref<!tpu.dma_semaphore, #tpu.memory_space<semaphore_mem>>)
    %dma_wait3A_816 = arith.constant 0 : i32
    %dma_wait3A_817 = arith.constant 0 : i32
    %dma_wait3A_818 = arith.constant 0 : i32
    %dma_wait3A_819 = tpu.memref_slice %arg16[%dma_wait3A_816, %dma_wait3A_817, %dma_wait3A_818] : memref<2x64x128xf32, #tpu.memory_space<vmem>> -> memref<1x64x128xf32, #tpu.memory_space<vmem>>
    %dma_wait3A_820 = tpu.memref_squeeze %dma_wait3A_819 : memref<1x64x128xf32, #tpu.memory_space<vmem>> -> memref<64x128xf32, #tpu.memory_space<vmem>>
    %dma_wait3A_821 = arith.constant 256 : i32
    %dma_wait3A_822 = tpu.memref_slice %arg12[%dma_wait3A_821] : memref<512xi32, #tpu.memory_space<vmem>> -> memref<64xi32, #tpu.memory_space<vmem>>
    %dma_wait3A_823 = arith.constant 0 : i32
    %dma_wait3A_824 = arith.constant 0 : i32
    %dma_wait3A_825 = tpu.memref_slice %arg6[%dma_wait3A_823, %dma_wait3A_824] : memref<100000x128xf32, #tpu.memory_space<hbm>> -> memref<100000x128xf32, #tpu.memory_space<hbm>>
    tpu.wait_indirect_dma semaphore(%arg17 : memref<!tpu.dma_semaphore, #tpu.memory_space<semaphore_mem>>) src(%dma_wait3A_825 : memref<100000x128xf32, #tpu.memory_space<hbm>>) dst(%dma_wait3A_820 : memref<64x128xf32, #tpu.memory_space<vmem>>)
    %dma_start3A_826 = arith.constant 0 : i32
    %dma_start3A_827 = arith.constant 0 : i32
    %dma_start3A_828 = arith.constant 0 : i32
    %dma_start3A_829 = tpu.memref_slice %arg16[%dma_start3A_826, %dma_start3A_827, %dma_start3A_828] : memref<2x64x128xf32, #tpu.memory_space<vmem>> -> memref<1x64x128xf32, #tpu.memory_space<vmem>>
    %dma_start3A_830 = tpu.memref_squeeze %dma_start3A_829 : memref<1x64x128xf32, #tpu.memory_space<vmem>> -> memref<64x128xf32, #tpu.memory_space<vmem>>
    %dma_start3A_831 = arith.constant 0 : i32
    %dma_start3A_832 = tpu.memref_slice %arg10[%add3A_654, %dma_start3A_831] : memref<16384x128xf32, #tpu.memory_space<hbm>> -> memref<64x128xf32, #tpu.memory_space<hbm>>
    %dma_start3A_833 = arith.constant 0 : i32
    %dma_start3A_834 = tpu.memref_slice %arg10[%add3A_654, %dma_start3A_833] : memref<16384x128xf32, #tpu.memory_space<hbm>> -> memref<64x128xf32, #tpu.memory_space<hbm>>
    %dma_start3A_835 = arith.constant 0 : i32
    %dma_start3A_836 = arith.constant 0 : i32
    %dma_start3A_837 = tpu.memref_slice %arg16[%dma_start3A_826, %dma_start3A_835, %dma_start3A_836] : memref<2x64x128xf32, #tpu.memory_space<vmem>> -> memref<1x64x128xf32, #tpu.memory_space<vmem>>
    %dma_start3A_838 = tpu.memref_squeeze %dma_start3A_837 : memref<1x64x128xf32, #tpu.memory_space<vmem>> -> memref<64x128xf32, #tpu.memory_space<vmem>>
    tpu.enqueue_dma source(%dma_start3A_838 : memref<64x128xf32, #tpu.memory_space<vmem>>) target(%dma_start3A_834 : memref<64x128xf32, #tpu.memory_space<hbm>>) target_semaphore(%arg18 : memref<!tpu.dma_semaphore, #tpu.memory_space<semaphore_mem>>)
    %mul3A_839 = arith.constant 512 : i32
    %mul3A_840 = arith.muli %add3A, %mul3A_839 : i32
    %add3A_841 = arith.constant 320 : i32
    %add3A_842 = arith.addi %mul3A_840, %add3A_841 : i32
    %dma_wait3A_843 = arith.constant 1 : i32
    %dma_wait3A_844 = arith.constant 0 : i32
    %dma_wait3A_845 = arith.constant 0 : i32
    %dma_wait3A_846 = tpu.memref_slice %arg13[%dma_wait3A_843, %dma_wait3A_844, %dma_wait3A_845] : memref<2x64x128xf32, #tpu.memory_space<vmem>> -> memref<1x64x128xf32, #tpu.memory_space<vmem>>
    %dma_wait3A_847 = tpu.memref_squeeze %dma_wait3A_846 : memref<1x64x128xf32, #tpu.memory_space<vmem>> -> memref<64x128xf32, #tpu.memory_space<vmem>>
    %dma_wait3A_848 = arith.constant 0 : i32
    %dma_wait3A_849 = tpu.memref_slice %arg7[%add3A_466, %dma_wait3A_848] : memref<16384x128xf32, #tpu.memory_space<hbm>> -> memref<64x128xf32, #tpu.memory_space<hbm>>
    %dma_wait3A_850 = arith.constant 0 : i32
    %dma_wait3A_851 = tpu.memref_slice %arg7[%add3A_466, %dma_wait3A_850] : memref<16384x128xf32, #tpu.memory_space<hbm>> -> memref<64x128xf32, #tpu.memory_space<hbm>>
    %dma_wait3A_852 = arith.constant 0 : i32
    %dma_wait3A_853 = arith.constant 0 : i32
    %dma_wait3A_854 = tpu.memref_slice %arg13[%dma_wait3A_843, %dma_wait3A_852, %dma_wait3A_853] : memref<2x64x128xf32, #tpu.memory_space<vmem>> -> memref<1x64x128xf32, #tpu.memory_space<vmem>>
    %dma_wait3A_855 = tpu.memref_squeeze %dma_wait3A_854 : memref<1x64x128xf32, #tpu.memory_space<vmem>> -> memref<64x128xf32, #tpu.memory_space<vmem>>
    tpu.wait_dma2 semaphore(%arg18 : memref<!tpu.dma_semaphore, #tpu.memory_space<semaphore_mem>>) src(%dma_wait3A_855 : memref<64x128xf32, #tpu.memory_space<vmem>>) dst(%dma_wait3A_851 : memref<64x128xf32, #tpu.memory_space<hbm>>)
    %dma_wait3A_856 = arith.constant 1 : i32
    %dma_wait3A_857 = arith.constant 0 : i32
    %dma_wait3A_858 = arith.constant 0 : i32
    %dma_wait3A_859 = tpu.memref_slice %arg14[%dma_wait3A_856, %dma_wait3A_857, %dma_wait3A_858] : memref<2x64x128xf32, #tpu.memory_space<vmem>> -> memref<1x64x128xf32, #tpu.memory_space<vmem>>
    %dma_wait3A_860 = tpu.memref_squeeze %dma_wait3A_859 : memref<1x64x128xf32, #tpu.memory_space<vmem>> -> memref<64x128xf32, #tpu.memory_space<vmem>>
    %dma_wait3A_861 = arith.constant 0 : i32
    %dma_wait3A_862 = tpu.memref_slice %arg8[%add3A_466, %dma_wait3A_861] : memref<16384x128xf32, #tpu.memory_space<hbm>> -> memref<64x128xf32, #tpu.memory_space<hbm>>
    %dma_wait3A_863 = arith.constant 0 : i32
    %dma_wait3A_864 = tpu.memref_slice %arg8[%add3A_466, %dma_wait3A_863] : memref<16384x128xf32, #tpu.memory_space<hbm>> -> memref<64x128xf32, #tpu.memory_space<hbm>>
    %dma_wait3A_865 = arith.constant 0 : i32
    %dma_wait3A_866 = arith.constant 0 : i32
    %dma_wait3A_867 = tpu.memref_slice %arg14[%dma_wait3A_856, %dma_wait3A_865, %dma_wait3A_866] : memref<2x64x128xf32, #tpu.memory_space<vmem>> -> memref<1x64x128xf32, #tpu.memory_space<vmem>>
    %dma_wait3A_868 = tpu.memref_squeeze %dma_wait3A_867 : memref<1x64x128xf32, #tpu.memory_space<vmem>> -> memref<64x128xf32, #tpu.memory_space<vmem>>
    tpu.wait_dma2 semaphore(%arg18 : memref<!tpu.dma_semaphore, #tpu.memory_space<semaphore_mem>>) src(%dma_wait3A_868 : memref<64x128xf32, #tpu.memory_space<vmem>>) dst(%dma_wait3A_864 : memref<64x128xf32, #tpu.memory_space<hbm>>)
    %dma_wait3A_869 = arith.constant 1 : i32
    %dma_wait3A_870 = arith.constant 0 : i32
    %dma_wait3A_871 = arith.constant 0 : i32
    %dma_wait3A_872 = tpu.memref_slice %arg15[%dma_wait3A_869, %dma_wait3A_870, %dma_wait3A_871] : memref<2x64x128xf32, #tpu.memory_space<vmem>> -> memref<1x64x128xf32, #tpu.memory_space<vmem>>
    %dma_wait3A_873 = tpu.memref_squeeze %dma_wait3A_872 : memref<1x64x128xf32, #tpu.memory_space<vmem>> -> memref<64x128xf32, #tpu.memory_space<vmem>>
    %dma_wait3A_874 = arith.constant 0 : i32
    %dma_wait3A_875 = tpu.memref_slice %arg9[%add3A_466, %dma_wait3A_874] : memref<16384x128xf32, #tpu.memory_space<hbm>> -> memref<64x128xf32, #tpu.memory_space<hbm>>
    %dma_wait3A_876 = arith.constant 0 : i32
    %dma_wait3A_877 = tpu.memref_slice %arg9[%add3A_466, %dma_wait3A_876] : memref<16384x128xf32, #tpu.memory_space<hbm>> -> memref<64x128xf32, #tpu.memory_space<hbm>>
    %dma_wait3A_878 = arith.constant 0 : i32
    %dma_wait3A_879 = arith.constant 0 : i32
    %dma_wait3A_880 = tpu.memref_slice %arg15[%dma_wait3A_869, %dma_wait3A_878, %dma_wait3A_879] : memref<2x64x128xf32, #tpu.memory_space<vmem>> -> memref<1x64x128xf32, #tpu.memory_space<vmem>>
    %dma_wait3A_881 = tpu.memref_squeeze %dma_wait3A_880 : memref<1x64x128xf32, #tpu.memory_space<vmem>> -> memref<64x128xf32, #tpu.memory_space<vmem>>
    tpu.wait_dma2 semaphore(%arg18 : memref<!tpu.dma_semaphore, #tpu.memory_space<semaphore_mem>>) src(%dma_wait3A_881 : memref<64x128xf32, #tpu.memory_space<vmem>>) dst(%dma_wait3A_877 : memref<64x128xf32, #tpu.memory_space<hbm>>)
    %dma_wait3A_882 = arith.constant 1 : i32
    %dma_wait3A_883 = arith.constant 0 : i32
    %dma_wait3A_884 = arith.constant 0 : i32
    %dma_wait3A_885 = tpu.memref_slice %arg16[%dma_wait3A_882, %dma_wait3A_883, %dma_wait3A_884] : memref<2x64x128xf32, #tpu.memory_space<vmem>> -> memref<1x64x128xf32, #tpu.memory_space<vmem>>
    %dma_wait3A_886 = tpu.memref_squeeze %dma_wait3A_885 : memref<1x64x128xf32, #tpu.memory_space<vmem>> -> memref<64x128xf32, #tpu.memory_space<vmem>>
    %dma_wait3A_887 = arith.constant 0 : i32
    %dma_wait3A_888 = tpu.memref_slice %arg10[%add3A_466, %dma_wait3A_887] : memref<16384x128xf32, #tpu.memory_space<hbm>> -> memref<64x128xf32, #tpu.memory_space<hbm>>
    %dma_wait3A_889 = arith.constant 0 : i32
    %dma_wait3A_890 = tpu.memref_slice %arg10[%add3A_466, %dma_wait3A_889] : memref<16384x128xf32, #tpu.memory_space<hbm>> -> memref<64x128xf32, #tpu.memory_space<hbm>>
    %dma_wait3A_891 = arith.constant 0 : i32
    %dma_wait3A_892 = arith.constant 0 : i32
    %dma_wait3A_893 = tpu.memref_slice %arg16[%dma_wait3A_882, %dma_wait3A_891, %dma_wait3A_892] : memref<2x64x128xf32, #tpu.memory_space<vmem>> -> memref<1x64x128xf32, #tpu.memory_space<vmem>>
    %dma_wait3A_894 = tpu.memref_squeeze %dma_wait3A_893 : memref<1x64x128xf32, #tpu.memory_space<vmem>> -> memref<64x128xf32, #tpu.memory_space<vmem>>
    tpu.wait_dma2 semaphore(%arg18 : memref<!tpu.dma_semaphore, #tpu.memory_space<semaphore_mem>>) src(%dma_wait3A_894 : memref<64x128xf32, #tpu.memory_space<vmem>>) dst(%dma_wait3A_890 : memref<64x128xf32, #tpu.memory_space<hbm>>)
    %dma_start3A_895 = arith.constant 1 : i32
    %dma_start3A_896 = arith.constant 0 : i32
    %dma_start3A_897 = arith.constant 0 : i32
    %dma_start3A_898 = tpu.memref_slice %arg13[%dma_start3A_895, %dma_start3A_896, %dma_start3A_897] : memref<2x64x128xf32, #tpu.memory_space<vmem>> -> memref<1x64x128xf32, #tpu.memory_space<vmem>>
    %dma_start3A_899 = tpu.memref_squeeze %dma_start3A_898 : memref<1x64x128xf32, #tpu.memory_space<vmem>> -> memref<64x128xf32, #tpu.memory_space<vmem>>
    %dma_start3A_900 = arith.constant 320 : i32
    %dma_start3A_901 = tpu.memref_slice %arg11[%dma_start3A_900] : memref<512xi32, #tpu.memory_space<vmem>> -> memref<64xi32, #tpu.memory_space<vmem>>
    %dma_start3A_902 = arith.constant 0 : i32
    %dma_start3A_903 = arith.constant 0 : i32
    %dma_start3A_904 = tpu.memref_slice %arg4[%dma_start3A_902, %dma_start3A_903] : memref<100000x128xf32, #tpu.memory_space<hbm>> -> memref<100000x128xf32, #tpu.memory_space<hbm>>
    tpu.enqueue_indirect_dma source(%dma_start3A_904 : memref<100000x128xf32, #tpu.memory_space<hbm>>) target(%dma_start3A_899 : memref<64x128xf32, #tpu.memory_space<vmem>>) offsets(%dma_start3A_901 : memref<64xi32, #tpu.memory_space<vmem>>) semaphore(%arg17 : memref<!tpu.dma_semaphore, #tpu.memory_space<semaphore_mem>>)
    %dma_start3A_905 = arith.constant 1 : i32
    %dma_start3A_906 = arith.constant 0 : i32
    %dma_start3A_907 = arith.constant 0 : i32
    %dma_start3A_908 = tpu.memref_slice %arg14[%dma_start3A_905, %dma_start3A_906, %dma_start3A_907] : memref<2x64x128xf32, #tpu.memory_space<vmem>> -> memref<1x64x128xf32, #tpu.memory_space<vmem>>
    %dma_start3A_909 = tpu.memref_squeeze %dma_start3A_908 : memref<1x64x128xf32, #tpu.memory_space<vmem>> -> memref<64x128xf32, #tpu.memory_space<vmem>>
    %dma_start3A_910 = arith.constant 320 : i32
    %dma_start3A_911 = tpu.memref_slice %arg12[%dma_start3A_910] : memref<512xi32, #tpu.memory_space<vmem>> -> memref<64xi32, #tpu.memory_space<vmem>>
    %dma_start3A_912 = arith.constant 0 : i32
    %dma_start3A_913 = arith.constant 0 : i32
    %dma_start3A_914 = tpu.memref_slice %arg5[%dma_start3A_912, %dma_start3A_913] : memref<100000x128xf32, #tpu.memory_space<hbm>> -> memref<100000x128xf32, #tpu.memory_space<hbm>>
    tpu.enqueue_indirect_dma source(%dma_start3A_914 : memref<100000x128xf32, #tpu.memory_space<hbm>>) target(%dma_start3A_909 : memref<64x128xf32, #tpu.memory_space<vmem>>) offsets(%dma_start3A_911 : memref<64xi32, #tpu.memory_space<vmem>>) semaphore(%arg17 : memref<!tpu.dma_semaphore, #tpu.memory_space<semaphore_mem>>)
    %dma_start3A_915 = arith.constant 1 : i32
    %dma_start3A_916 = arith.constant 0 : i32
    %dma_start3A_917 = arith.constant 0 : i32
    %dma_start3A_918 = tpu.memref_slice %arg15[%dma_start3A_915, %dma_start3A_916, %dma_start3A_917] : memref<2x64x128xf32, #tpu.memory_space<vmem>> -> memref<1x64x128xf32, #tpu.memory_space<vmem>>
    %dma_start3A_919 = tpu.memref_squeeze %dma_start3A_918 : memref<1x64x128xf32, #tpu.memory_space<vmem>> -> memref<64x128xf32, #tpu.memory_space<vmem>>
    %dma_start3A_920 = arith.constant 320 : i32
    %dma_start3A_921 = tpu.memref_slice %arg11[%dma_start3A_920] : memref<512xi32, #tpu.memory_space<vmem>> -> memref<64xi32, #tpu.memory_space<vmem>>
    %dma_start3A_922 = arith.constant 0 : i32
    %dma_start3A_923 = arith.constant 0 : i32
    %dma_start3A_924 = tpu.memref_slice %arg6[%dma_start3A_922, %dma_start3A_923] : memref<100000x128xf32, #tpu.memory_space<hbm>> -> memref<100000x128xf32, #tpu.memory_space<hbm>>
    tpu.enqueue_indirect_dma source(%dma_start3A_924 : memref<100000x128xf32, #tpu.memory_space<hbm>>) target(%dma_start3A_919 : memref<64x128xf32, #tpu.memory_space<vmem>>) offsets(%dma_start3A_921 : memref<64xi32, #tpu.memory_space<vmem>>) semaphore(%arg17 : memref<!tpu.dma_semaphore, #tpu.memory_space<semaphore_mem>>)
    %dma_start3A_925 = arith.constant 1 : i32
    %dma_start3A_926 = arith.constant 0 : i32
    %dma_start3A_927 = arith.constant 0 : i32
    %dma_start3A_928 = tpu.memref_slice %arg16[%dma_start3A_925, %dma_start3A_926, %dma_start3A_927] : memref<2x64x128xf32, #tpu.memory_space<vmem>> -> memref<1x64x128xf32, #tpu.memory_space<vmem>>
    %dma_start3A_929 = tpu.memref_squeeze %dma_start3A_928 : memref<1x64x128xf32, #tpu.memory_space<vmem>> -> memref<64x128xf32, #tpu.memory_space<vmem>>
    %dma_start3A_930 = arith.constant 320 : i32
    %dma_start3A_931 = tpu.memref_slice %arg12[%dma_start3A_930] : memref<512xi32, #tpu.memory_space<vmem>> -> memref<64xi32, #tpu.memory_space<vmem>>
    %dma_start3A_932 = arith.constant 0 : i32
    %dma_start3A_933 = arith.constant 0 : i32
    %dma_start3A_934 = tpu.memref_slice %arg6[%dma_start3A_932, %dma_start3A_933] : memref<100000x128xf32, #tpu.memory_space<hbm>> -> memref<100000x128xf32, #tpu.memory_space<hbm>>
    tpu.enqueue_indirect_dma source(%dma_start3A_934 : memref<100000x128xf32, #tpu.memory_space<hbm>>) target(%dma_start3A_929 : memref<64x128xf32, #tpu.memory_space<vmem>>) offsets(%dma_start3A_931 : memref<64xi32, #tpu.memory_space<vmem>>) semaphore(%arg17 : memref<!tpu.dma_semaphore, #tpu.memory_space<semaphore_mem>>)
    %dma_wait3A_935 = arith.constant 1 : i32
    %dma_wait3A_936 = arith.constant 0 : i32
    %dma_wait3A_937 = arith.constant 0 : i32
    %dma_wait3A_938 = tpu.memref_slice %arg13[%dma_wait3A_935, %dma_wait3A_936, %dma_wait3A_937] : memref<2x64x128xf32, #tpu.memory_space<vmem>> -> memref<1x64x128xf32, #tpu.memory_space<vmem>>
    %dma_wait3A_939 = tpu.memref_squeeze %dma_wait3A_938 : memref<1x64x128xf32, #tpu.memory_space<vmem>> -> memref<64x128xf32, #tpu.memory_space<vmem>>
    %dma_wait3A_940 = arith.constant 320 : i32
    %dma_wait3A_941 = tpu.memref_slice %arg11[%dma_wait3A_940] : memref<512xi32, #tpu.memory_space<vmem>> -> memref<64xi32, #tpu.memory_space<vmem>>
    %dma_wait3A_942 = arith.constant 0 : i32
    %dma_wait3A_943 = arith.constant 0 : i32
    %dma_wait3A_944 = tpu.memref_slice %arg4[%dma_wait3A_942, %dma_wait3A_943] : memref<100000x128xf32, #tpu.memory_space<hbm>> -> memref<100000x128xf32, #tpu.memory_space<hbm>>
    tpu.wait_indirect_dma semaphore(%arg17 : memref<!tpu.dma_semaphore, #tpu.memory_space<semaphore_mem>>) src(%dma_wait3A_944 : memref<100000x128xf32, #tpu.memory_space<hbm>>) dst(%dma_wait3A_939 : memref<64x128xf32, #tpu.memory_space<vmem>>)
    %dma_start3A_945 = arith.constant 1 : i32
    %dma_start3A_946 = arith.constant 0 : i32
    %dma_start3A_947 = arith.constant 0 : i32
    %dma_start3A_948 = tpu.memref_slice %arg13[%dma_start3A_945, %dma_start3A_946, %dma_start3A_947] : memref<2x64x128xf32, #tpu.memory_space<vmem>> -> memref<1x64x128xf32, #tpu.memory_space<vmem>>
    %dma_start3A_949 = tpu.memref_squeeze %dma_start3A_948 : memref<1x64x128xf32, #tpu.memory_space<vmem>> -> memref<64x128xf32, #tpu.memory_space<vmem>>
    %dma_start3A_950 = arith.constant 0 : i32
    %dma_start3A_951 = tpu.memref_slice %arg7[%add3A_842, %dma_start3A_950] : memref<16384x128xf32, #tpu.memory_space<hbm>> -> memref<64x128xf32, #tpu.memory_space<hbm>>
    %dma_start3A_952 = arith.constant 0 : i32
    %dma_start3A_953 = tpu.memref_slice %arg7[%add3A_842, %dma_start3A_952] : memref<16384x128xf32, #tpu.memory_space<hbm>> -> memref<64x128xf32, #tpu.memory_space<hbm>>
    %dma_start3A_954 = arith.constant 0 : i32
    %dma_start3A_955 = arith.constant 0 : i32
    %dma_start3A_956 = tpu.memref_slice %arg13[%dma_start3A_945, %dma_start3A_954, %dma_start3A_955] : memref<2x64x128xf32, #tpu.memory_space<vmem>> -> memref<1x64x128xf32, #tpu.memory_space<vmem>>
    %dma_start3A_957 = tpu.memref_squeeze %dma_start3A_956 : memref<1x64x128xf32, #tpu.memory_space<vmem>> -> memref<64x128xf32, #tpu.memory_space<vmem>>
    tpu.enqueue_dma source(%dma_start3A_957 : memref<64x128xf32, #tpu.memory_space<vmem>>) target(%dma_start3A_953 : memref<64x128xf32, #tpu.memory_space<hbm>>) target_semaphore(%arg18 : memref<!tpu.dma_semaphore, #tpu.memory_space<semaphore_mem>>)
    %dma_wait3A_958 = arith.constant 1 : i32
    %dma_wait3A_959 = arith.constant 0 : i32
    %dma_wait3A_960 = arith.constant 0 : i32
    %dma_wait3A_961 = tpu.memref_slice %arg14[%dma_wait3A_958, %dma_wait3A_959, %dma_wait3A_960] : memref<2x64x128xf32, #tpu.memory_space<vmem>> -> memref<1x64x128xf32, #tpu.memory_space<vmem>>
    %dma_wait3A_962 = tpu.memref_squeeze %dma_wait3A_961 : memref<1x64x128xf32, #tpu.memory_space<vmem>> -> memref<64x128xf32, #tpu.memory_space<vmem>>
    %dma_wait3A_963 = arith.constant 320 : i32
    %dma_wait3A_964 = tpu.memref_slice %arg12[%dma_wait3A_963] : memref<512xi32, #tpu.memory_space<vmem>> -> memref<64xi32, #tpu.memory_space<vmem>>
    %dma_wait3A_965 = arith.constant 0 : i32
    %dma_wait3A_966 = arith.constant 0 : i32
    %dma_wait3A_967 = tpu.memref_slice %arg5[%dma_wait3A_965, %dma_wait3A_966] : memref<100000x128xf32, #tpu.memory_space<hbm>> -> memref<100000x128xf32, #tpu.memory_space<hbm>>
    tpu.wait_indirect_dma semaphore(%arg17 : memref<!tpu.dma_semaphore, #tpu.memory_space<semaphore_mem>>) src(%dma_wait3A_967 : memref<100000x128xf32, #tpu.memory_space<hbm>>) dst(%dma_wait3A_962 : memref<64x128xf32, #tpu.memory_space<vmem>>)
    %dma_start3A_968 = arith.constant 1 : i32
    %dma_start3A_969 = arith.constant 0 : i32
    %dma_start3A_970 = arith.constant 0 : i32
    %dma_start3A_971 = tpu.memref_slice %arg14[%dma_start3A_968, %dma_start3A_969, %dma_start3A_970] : memref<2x64x128xf32, #tpu.memory_space<vmem>> -> memref<1x64x128xf32, #tpu.memory_space<vmem>>
    %dma_start3A_972 = tpu.memref_squeeze %dma_start3A_971 : memref<1x64x128xf32, #tpu.memory_space<vmem>> -> memref<64x128xf32, #tpu.memory_space<vmem>>
    %dma_start3A_973 = arith.constant 0 : i32
    %dma_start3A_974 = tpu.memref_slice %arg8[%add3A_842, %dma_start3A_973] : memref<16384x128xf32, #tpu.memory_space<hbm>> -> memref<64x128xf32, #tpu.memory_space<hbm>>
    %dma_start3A_975 = arith.constant 0 : i32
    %dma_start3A_976 = tpu.memref_slice %arg8[%add3A_842, %dma_start3A_975] : memref<16384x128xf32, #tpu.memory_space<hbm>> -> memref<64x128xf32, #tpu.memory_space<hbm>>
    %dma_start3A_977 = arith.constant 0 : i32
    %dma_start3A_978 = arith.constant 0 : i32
    %dma_start3A_979 = tpu.memref_slice %arg14[%dma_start3A_968, %dma_start3A_977, %dma_start3A_978] : memref<2x64x128xf32, #tpu.memory_space<vmem>> -> memref<1x64x128xf32, #tpu.memory_space<vmem>>
    %dma_start3A_980 = tpu.memref_squeeze %dma_start3A_979 : memref<1x64x128xf32, #tpu.memory_space<vmem>> -> memref<64x128xf32, #tpu.memory_space<vmem>>
    tpu.enqueue_dma source(%dma_start3A_980 : memref<64x128xf32, #tpu.memory_space<vmem>>) target(%dma_start3A_976 : memref<64x128xf32, #tpu.memory_space<hbm>>) target_semaphore(%arg18 : memref<!tpu.dma_semaphore, #tpu.memory_space<semaphore_mem>>)
    %dma_wait3A_981 = arith.constant 1 : i32
    %dma_wait3A_982 = arith.constant 0 : i32
    %dma_wait3A_983 = arith.constant 0 : i32
    %dma_wait3A_984 = tpu.memref_slice %arg15[%dma_wait3A_981, %dma_wait3A_982, %dma_wait3A_983] : memref<2x64x128xf32, #tpu.memory_space<vmem>> -> memref<1x64x128xf32, #tpu.memory_space<vmem>>
    %dma_wait3A_985 = tpu.memref_squeeze %dma_wait3A_984 : memref<1x64x128xf32, #tpu.memory_space<vmem>> -> memref<64x128xf32, #tpu.memory_space<vmem>>
    %dma_wait3A_986 = arith.constant 320 : i32
    %dma_wait3A_987 = tpu.memref_slice %arg11[%dma_wait3A_986] : memref<512xi32, #tpu.memory_space<vmem>> -> memref<64xi32, #tpu.memory_space<vmem>>
    %dma_wait3A_988 = arith.constant 0 : i32
    %dma_wait3A_989 = arith.constant 0 : i32
    %dma_wait3A_990 = tpu.memref_slice %arg6[%dma_wait3A_988, %dma_wait3A_989] : memref<100000x128xf32, #tpu.memory_space<hbm>> -> memref<100000x128xf32, #tpu.memory_space<hbm>>
    tpu.wait_indirect_dma semaphore(%arg17 : memref<!tpu.dma_semaphore, #tpu.memory_space<semaphore_mem>>) src(%dma_wait3A_990 : memref<100000x128xf32, #tpu.memory_space<hbm>>) dst(%dma_wait3A_985 : memref<64x128xf32, #tpu.memory_space<vmem>>)
    %dma_start3A_991 = arith.constant 1 : i32
    %dma_start3A_992 = arith.constant 0 : i32
    %dma_start3A_993 = arith.constant 0 : i32
    %dma_start3A_994 = tpu.memref_slice %arg15[%dma_start3A_991, %dma_start3A_992, %dma_start3A_993] : memref<2x64x128xf32, #tpu.memory_space<vmem>> -> memref<1x64x128xf32, #tpu.memory_space<vmem>>
    %dma_start3A_995 = tpu.memref_squeeze %dma_start3A_994 : memref<1x64x128xf32, #tpu.memory_space<vmem>> -> memref<64x128xf32, #tpu.memory_space<vmem>>
    %dma_start3A_996 = arith.constant 0 : i32
    %dma_start3A_997 = tpu.memref_slice %arg9[%add3A_842, %dma_start3A_996] : memref<16384x128xf32, #tpu.memory_space<hbm>> -> memref<64x128xf32, #tpu.memory_space<hbm>>
    %dma_start3A_998 = arith.constant 0 : i32
    %dma_start3A_999 = tpu.memref_slice %arg9[%add3A_842, %dma_start3A_998] : memref<16384x128xf32, #tpu.memory_space<hbm>> -> memref<64x128xf32, #tpu.memory_space<hbm>>
    %dma_start3A_1000 = arith.constant 0 : i32
    %dma_start3A_1001 = arith.constant 0 : i32
    %dma_start3A_1002 = tpu.memref_slice %arg15[%dma_start3A_991, %dma_start3A_1000, %dma_start3A_1001] : memref<2x64x128xf32, #tpu.memory_space<vmem>> -> memref<1x64x128xf32, #tpu.memory_space<vmem>>
    %dma_start3A_1003 = tpu.memref_squeeze %dma_start3A_1002 : memref<1x64x128xf32, #tpu.memory_space<vmem>> -> memref<64x128xf32, #tpu.memory_space<vmem>>
    tpu.enqueue_dma source(%dma_start3A_1003 : memref<64x128xf32, #tpu.memory_space<vmem>>) target(%dma_start3A_999 : memref<64x128xf32, #tpu.memory_space<hbm>>) target_semaphore(%arg18 : memref<!tpu.dma_semaphore, #tpu.memory_space<semaphore_mem>>)
    %dma_wait3A_1004 = arith.constant 1 : i32
    %dma_wait3A_1005 = arith.constant 0 : i32
    %dma_wait3A_1006 = arith.constant 0 : i32
    %dma_wait3A_1007 = tpu.memref_slice %arg16[%dma_wait3A_1004, %dma_wait3A_1005, %dma_wait3A_1006] : memref<2x64x128xf32, #tpu.memory_space<vmem>> -> memref<1x64x128xf32, #tpu.memory_space<vmem>>
    %dma_wait3A_1008 = tpu.memref_squeeze %dma_wait3A_1007 : memref<1x64x128xf32, #tpu.memory_space<vmem>> -> memref<64x128xf32, #tpu.memory_space<vmem>>
    %dma_wait3A_1009 = arith.constant 320 : i32
    %dma_wait3A_1010 = tpu.memref_slice %arg12[%dma_wait3A_1009] : memref<512xi32, #tpu.memory_space<vmem>> -> memref<64xi32, #tpu.memory_space<vmem>>
    %dma_wait3A_1011 = arith.constant 0 : i32
    %dma_wait3A_1012 = arith.constant 0 : i32
    %dma_wait3A_1013 = tpu.memref_slice %arg6[%dma_wait3A_1011, %dma_wait3A_1012] : memref<100000x128xf32, #tpu.memory_space<hbm>> -> memref<100000x128xf32, #tpu.memory_space<hbm>>
    tpu.wait_indirect_dma semaphore(%arg17 : memref<!tpu.dma_semaphore, #tpu.memory_space<semaphore_mem>>) src(%dma_wait3A_1013 : memref<100000x128xf32, #tpu.memory_space<hbm>>) dst(%dma_wait3A_1008 : memref<64x128xf32, #tpu.memory_space<vmem>>)
    %dma_start3A_1014 = arith.constant 1 : i32
    %dma_start3A_1015 = arith.constant 0 : i32
    %dma_start3A_1016 = arith.constant 0 : i32
    %dma_start3A_1017 = tpu.memref_slice %arg16[%dma_start3A_1014, %dma_start3A_1015, %dma_start3A_1016] : memref<2x64x128xf32, #tpu.memory_space<vmem>> -> memref<1x64x128xf32, #tpu.memory_space<vmem>>
    %dma_start3A_1018 = tpu.memref_squeeze %dma_start3A_1017 : memref<1x64x128xf32, #tpu.memory_space<vmem>> -> memref<64x128xf32, #tpu.memory_space<vmem>>
    %dma_start3A_1019 = arith.constant 0 : i32
    %dma_start3A_1020 = tpu.memref_slice %arg10[%add3A_842, %dma_start3A_1019] : memref<16384x128xf32, #tpu.memory_space<hbm>> -> memref<64x128xf32, #tpu.memory_space<hbm>>
    %dma_start3A_1021 = arith.constant 0 : i32
    %dma_start3A_1022 = tpu.memref_slice %arg10[%add3A_842, %dma_start3A_1021] : memref<16384x128xf32, #tpu.memory_space<hbm>> -> memref<64x128xf32, #tpu.memory_space<hbm>>
    %dma_start3A_1023 = arith.constant 0 : i32
    %dma_start3A_1024 = arith.constant 0 : i32
    %dma_start3A_1025 = tpu.memref_slice %arg16[%dma_start3A_1014, %dma_start3A_1023, %dma_start3A_1024] : memref<2x64x128xf32, #tpu.memory_space<vmem>> -> memref<1x64x128xf32, #tpu.memory_space<vmem>>
    %dma_start3A_1026 = tpu.memref_squeeze %dma_start3A_1025 : memref<1x64x128xf32, #tpu.memory_space<vmem>> -> memref<64x128xf32, #tpu.memory_space<vmem>>
    tpu.enqueue_dma source(%dma_start3A_1026 : memref<64x128xf32, #tpu.memory_space<vmem>>) target(%dma_start3A_1022 : memref<64x128xf32, #tpu.memory_space<hbm>>) target_semaphore(%arg18 : memref<!tpu.dma_semaphore, #tpu.memory_space<semaphore_mem>>)
    %mul3A_1027 = arith.constant 512 : i32
    %mul3A_1028 = arith.muli %add3A, %mul3A_1027 : i32
    %add3A_1029 = arith.constant 384 : i32
    %add3A_1030 = arith.addi %mul3A_1028, %add3A_1029 : i32
    %dma_wait3A_1031 = arith.constant 0 : i32
    %dma_wait3A_1032 = arith.constant 0 : i32
    %dma_wait3A_1033 = arith.constant 0 : i32
    %dma_wait3A_1034 = tpu.memref_slice %arg13[%dma_wait3A_1031, %dma_wait3A_1032, %dma_wait3A_1033] : memref<2x64x128xf32, #tpu.memory_space<vmem>> -> memref<1x64x128xf32, #tpu.memory_space<vmem>>
    %dma_wait3A_1035 = tpu.memref_squeeze %dma_wait3A_1034 : memref<1x64x128xf32, #tpu.memory_space<vmem>> -> memref<64x128xf32, #tpu.memory_space<vmem>>
    %dma_wait3A_1036 = arith.constant 0 : i32
    %dma_wait3A_1037 = tpu.memref_slice %arg7[%add3A_654, %dma_wait3A_1036] : memref<16384x128xf32, #tpu.memory_space<hbm>> -> memref<64x128xf32, #tpu.memory_space<hbm>>
    %dma_wait3A_1038 = arith.constant 0 : i32
    %dma_wait3A_1039 = tpu.memref_slice %arg7[%add3A_654, %dma_wait3A_1038] : memref<16384x128xf32, #tpu.memory_space<hbm>> -> memref<64x128xf32, #tpu.memory_space<hbm>>
    %dma_wait3A_1040 = arith.constant 0 : i32
    %dma_wait3A_1041 = arith.constant 0 : i32
    %dma_wait3A_1042 = tpu.memref_slice %arg13[%dma_wait3A_1031, %dma_wait3A_1040, %dma_wait3A_1041] : memref<2x64x128xf32, #tpu.memory_space<vmem>> -> memref<1x64x128xf32, #tpu.memory_space<vmem>>
    %dma_wait3A_1043 = tpu.memref_squeeze %dma_wait3A_1042 : memref<1x64x128xf32, #tpu.memory_space<vmem>> -> memref<64x128xf32, #tpu.memory_space<vmem>>
    tpu.wait_dma2 semaphore(%arg18 : memref<!tpu.dma_semaphore, #tpu.memory_space<semaphore_mem>>) src(%dma_wait3A_1043 : memref<64x128xf32, #tpu.memory_space<vmem>>) dst(%dma_wait3A_1039 : memref<64x128xf32, #tpu.memory_space<hbm>>)
    %dma_wait3A_1044 = arith.constant 0 : i32
    %dma_wait3A_1045 = arith.constant 0 : i32
    %dma_wait3A_1046 = arith.constant 0 : i32
    %dma_wait3A_1047 = tpu.memref_slice %arg14[%dma_wait3A_1044, %dma_wait3A_1045, %dma_wait3A_1046] : memref<2x64x128xf32, #tpu.memory_space<vmem>> -> memref<1x64x128xf32, #tpu.memory_space<vmem>>
    %dma_wait3A_1048 = tpu.memref_squeeze %dma_wait3A_1047 : memref<1x64x128xf32, #tpu.memory_space<vmem>> -> memref<64x128xf32, #tpu.memory_space<vmem>>
    %dma_wait3A_1049 = arith.constant 0 : i32
    %dma_wait3A_1050 = tpu.memref_slice %arg8[%add3A_654, %dma_wait3A_1049] : memref<16384x128xf32, #tpu.memory_space<hbm>> -> memref<64x128xf32, #tpu.memory_space<hbm>>
    %dma_wait3A_1051 = arith.constant 0 : i32
    %dma_wait3A_1052 = tpu.memref_slice %arg8[%add3A_654, %dma_wait3A_1051] : memref<16384x128xf32, #tpu.memory_space<hbm>> -> memref<64x128xf32, #tpu.memory_space<hbm>>
    %dma_wait3A_1053 = arith.constant 0 : i32
    %dma_wait3A_1054 = arith.constant 0 : i32
    %dma_wait3A_1055 = tpu.memref_slice %arg14[%dma_wait3A_1044, %dma_wait3A_1053, %dma_wait3A_1054] : memref<2x64x128xf32, #tpu.memory_space<vmem>> -> memref<1x64x128xf32, #tpu.memory_space<vmem>>
    %dma_wait3A_1056 = tpu.memref_squeeze %dma_wait3A_1055 : memref<1x64x128xf32, #tpu.memory_space<vmem>> -> memref<64x128xf32, #tpu.memory_space<vmem>>
    tpu.wait_dma2 semaphore(%arg18 : memref<!tpu.dma_semaphore, #tpu.memory_space<semaphore_mem>>) src(%dma_wait3A_1056 : memref<64x128xf32, #tpu.memory_space<vmem>>) dst(%dma_wait3A_1052 : memref<64x128xf32, #tpu.memory_space<hbm>>)
    %dma_wait3A_1057 = arith.constant 0 : i32
    %dma_wait3A_1058 = arith.constant 0 : i32
    %dma_wait3A_1059 = arith.constant 0 : i32
    %dma_wait3A_1060 = tpu.memref_slice %arg15[%dma_wait3A_1057, %dma_wait3A_1058, %dma_wait3A_1059] : memref<2x64x128xf32, #tpu.memory_space<vmem>> -> memref<1x64x128xf32, #tpu.memory_space<vmem>>
    %dma_wait3A_1061 = tpu.memref_squeeze %dma_wait3A_1060 : memref<1x64x128xf32, #tpu.memory_space<vmem>> -> memref<64x128xf32, #tpu.memory_space<vmem>>
    %dma_wait3A_1062 = arith.constant 0 : i32
    %dma_wait3A_1063 = tpu.memref_slice %arg9[%add3A_654, %dma_wait3A_1062] : memref<16384x128xf32, #tpu.memory_space<hbm>> -> memref<64x128xf32, #tpu.memory_space<hbm>>
    %dma_wait3A_1064 = arith.constant 0 : i32
    %dma_wait3A_1065 = tpu.memref_slice %arg9[%add3A_654, %dma_wait3A_1064] : memref<16384x128xf32, #tpu.memory_space<hbm>> -> memref<64x128xf32, #tpu.memory_space<hbm>>
    %dma_wait3A_1066 = arith.constant 0 : i32
    %dma_wait3A_1067 = arith.constant 0 : i32
    %dma_wait3A_1068 = tpu.memref_slice %arg15[%dma_wait3A_1057, %dma_wait3A_1066, %dma_wait3A_1067] : memref<2x64x128xf32, #tpu.memory_space<vmem>> -> memref<1x64x128xf32, #tpu.memory_space<vmem>>
    %dma_wait3A_1069 = tpu.memref_squeeze %dma_wait3A_1068 : memref<1x64x128xf32, #tpu.memory_space<vmem>> -> memref<64x128xf32, #tpu.memory_space<vmem>>
    tpu.wait_dma2 semaphore(%arg18 : memref<!tpu.dma_semaphore, #tpu.memory_space<semaphore_mem>>) src(%dma_wait3A_1069 : memref<64x128xf32, #tpu.memory_space<vmem>>) dst(%dma_wait3A_1065 : memref<64x128xf32, #tpu.memory_space<hbm>>)
    %dma_wait3A_1070 = arith.constant 0 : i32
    %dma_wait3A_1071 = arith.constant 0 : i32
    %dma_wait3A_1072 = arith.constant 0 : i32
    %dma_wait3A_1073 = tpu.memref_slice %arg16[%dma_wait3A_1070, %dma_wait3A_1071, %dma_wait3A_1072] : memref<2x64x128xf32, #tpu.memory_space<vmem>> -> memref<1x64x128xf32, #tpu.memory_space<vmem>>
    %dma_wait3A_1074 = tpu.memref_squeeze %dma_wait3A_1073 : memref<1x64x128xf32, #tpu.memory_space<vmem>> -> memref<64x128xf32, #tpu.memory_space<vmem>>
    %dma_wait3A_1075 = arith.constant 0 : i32
    %dma_wait3A_1076 = tpu.memref_slice %arg10[%add3A_654, %dma_wait3A_1075] : memref<16384x128xf32, #tpu.memory_space<hbm>> -> memref<64x128xf32, #tpu.memory_space<hbm>>
    %dma_wait3A_1077 = arith.constant 0 : i32
    %dma_wait3A_1078 = tpu.memref_slice %arg10[%add3A_654, %dma_wait3A_1077] : memref<16384x128xf32, #tpu.memory_space<hbm>> -> memref<64x128xf32, #tpu.memory_space<hbm>>
    %dma_wait3A_1079 = arith.constant 0 : i32
    %dma_wait3A_1080 = arith.constant 0 : i32
    %dma_wait3A_1081 = tpu.memref_slice %arg16[%dma_wait3A_1070, %dma_wait3A_1079, %dma_wait3A_1080] : memref<2x64x128xf32, #tpu.memory_space<vmem>> -> memref<1x64x128xf32, #tpu.memory_space<vmem>>
    %dma_wait3A_1082 = tpu.memref_squeeze %dma_wait3A_1081 : memref<1x64x128xf32, #tpu.memory_space<vmem>> -> memref<64x128xf32, #tpu.memory_space<vmem>>
    tpu.wait_dma2 semaphore(%arg18 : memref<!tpu.dma_semaphore, #tpu.memory_space<semaphore_mem>>) src(%dma_wait3A_1082 : memref<64x128xf32, #tpu.memory_space<vmem>>) dst(%dma_wait3A_1078 : memref<64x128xf32, #tpu.memory_space<hbm>>)
    %dma_start3A_1083 = arith.constant 0 : i32
    %dma_start3A_1084 = arith.constant 0 : i32
    %dma_start3A_1085 = arith.constant 0 : i32
    %dma_start3A_1086 = tpu.memref_slice %arg13[%dma_start3A_1083, %dma_start3A_1084, %dma_start3A_1085] : memref<2x64x128xf32, #tpu.memory_space<vmem>> -> memref<1x64x128xf32, #tpu.memory_space<vmem>>
    %dma_start3A_1087 = tpu.memref_squeeze %dma_start3A_1086 : memref<1x64x128xf32, #tpu.memory_space<vmem>> -> memref<64x128xf32, #tpu.memory_space<vmem>>
    %dma_start3A_1088 = arith.constant 384 : i32
    %dma_start3A_1089 = tpu.memref_slice %arg11[%dma_start3A_1088] : memref<512xi32, #tpu.memory_space<vmem>> -> memref<64xi32, #tpu.memory_space<vmem>>
    %dma_start3A_1090 = arith.constant 0 : i32
    %dma_start3A_1091 = arith.constant 0 : i32
    %dma_start3A_1092 = tpu.memref_slice %arg4[%dma_start3A_1090, %dma_start3A_1091] : memref<100000x128xf32, #tpu.memory_space<hbm>> -> memref<100000x128xf32, #tpu.memory_space<hbm>>
    tpu.enqueue_indirect_dma source(%dma_start3A_1092 : memref<100000x128xf32, #tpu.memory_space<hbm>>) target(%dma_start3A_1087 : memref<64x128xf32, #tpu.memory_space<vmem>>) offsets(%dma_start3A_1089 : memref<64xi32, #tpu.memory_space<vmem>>) semaphore(%arg17 : memref<!tpu.dma_semaphore, #tpu.memory_space<semaphore_mem>>)
    %dma_start3A_1093 = arith.constant 0 : i32
    %dma_start3A_1094 = arith.constant 0 : i32
    %dma_start3A_1095 = arith.constant 0 : i32
    %dma_start3A_1096 = tpu.memref_slice %arg14[%dma_start3A_1093, %dma_start3A_1094, %dma_start3A_1095] : memref<2x64x128xf32, #tpu.memory_space<vmem>> -> memref<1x64x128xf32, #tpu.memory_space<vmem>>
    %dma_start3A_1097 = tpu.memref_squeeze %dma_start3A_1096 : memref<1x64x128xf32, #tpu.memory_space<vmem>> -> memref<64x128xf32, #tpu.memory_space<vmem>>
    %dma_start3A_1098 = arith.constant 384 : i32
    %dma_start3A_1099 = tpu.memref_slice %arg12[%dma_start3A_1098] : memref<512xi32, #tpu.memory_space<vmem>> -> memref<64xi32, #tpu.memory_space<vmem>>
    %dma_start3A_1100 = arith.constant 0 : i32
    %dma_start3A_1101 = arith.constant 0 : i32
    %dma_start3A_1102 = tpu.memref_slice %arg5[%dma_start3A_1100, %dma_start3A_1101] : memref<100000x128xf32, #tpu.memory_space<hbm>> -> memref<100000x128xf32, #tpu.memory_space<hbm>>
    tpu.enqueue_indirect_dma source(%dma_start3A_1102 : memref<100000x128xf32, #tpu.memory_space<hbm>>) target(%dma_start3A_1097 : memref<64x128xf32, #tpu.memory_space<vmem>>) offsets(%dma_start3A_1099 : memref<64xi32, #tpu.memory_space<vmem>>) semaphore(%arg17 : memref<!tpu.dma_semaphore, #tpu.memory_space<semaphore_mem>>)
    %dma_start3A_1103 = arith.constant 0 : i32
    %dma_start3A_1104 = arith.constant 0 : i32
    %dma_start3A_1105 = arith.constant 0 : i32
    %dma_start3A_1106 = tpu.memref_slice %arg15[%dma_start3A_1103, %dma_start3A_1104, %dma_start3A_1105] : memref<2x64x128xf32, #tpu.memory_space<vmem>> -> memref<1x64x128xf32, #tpu.memory_space<vmem>>
    %dma_start3A_1107 = tpu.memref_squeeze %dma_start3A_1106 : memref<1x64x128xf32, #tpu.memory_space<vmem>> -> memref<64x128xf32, #tpu.memory_space<vmem>>
    %dma_start3A_1108 = arith.constant 384 : i32
    %dma_start3A_1109 = tpu.memref_slice %arg11[%dma_start3A_1108] : memref<512xi32, #tpu.memory_space<vmem>> -> memref<64xi32, #tpu.memory_space<vmem>>
    %dma_start3A_1110 = arith.constant 0 : i32
    %dma_start3A_1111 = arith.constant 0 : i32
    %dma_start3A_1112 = tpu.memref_slice %arg6[%dma_start3A_1110, %dma_start3A_1111] : memref<100000x128xf32, #tpu.memory_space<hbm>> -> memref<100000x128xf32, #tpu.memory_space<hbm>>
    tpu.enqueue_indirect_dma source(%dma_start3A_1112 : memref<100000x128xf32, #tpu.memory_space<hbm>>) target(%dma_start3A_1107 : memref<64x128xf32, #tpu.memory_space<vmem>>) offsets(%dma_start3A_1109 : memref<64xi32, #tpu.memory_space<vmem>>) semaphore(%arg17 : memref<!tpu.dma_semaphore, #tpu.memory_space<semaphore_mem>>)
    %dma_start3A_1113 = arith.constant 0 : i32
    %dma_start3A_1114 = arith.constant 0 : i32
    %dma_start3A_1115 = arith.constant 0 : i32
    %dma_start3A_1116 = tpu.memref_slice %arg16[%dma_start3A_1113, %dma_start3A_1114, %dma_start3A_1115] : memref<2x64x128xf32, #tpu.memory_space<vmem>> -> memref<1x64x128xf32, #tpu.memory_space<vmem>>
    %dma_start3A_1117 = tpu.memref_squeeze %dma_start3A_1116 : memref<1x64x128xf32, #tpu.memory_space<vmem>> -> memref<64x128xf32, #tpu.memory_space<vmem>>
    %dma_start3A_1118 = arith.constant 384 : i32
    %dma_start3A_1119 = tpu.memref_slice %arg12[%dma_start3A_1118] : memref<512xi32, #tpu.memory_space<vmem>> -> memref<64xi32, #tpu.memory_space<vmem>>
    %dma_start3A_1120 = arith.constant 0 : i32
    %dma_start3A_1121 = arith.constant 0 : i32
    %dma_start3A_1122 = tpu.memref_slice %arg6[%dma_start3A_1120, %dma_start3A_1121] : memref<100000x128xf32, #tpu.memory_space<hbm>> -> memref<100000x128xf32, #tpu.memory_space<hbm>>
    tpu.enqueue_indirect_dma source(%dma_start3A_1122 : memref<100000x128xf32, #tpu.memory_space<hbm>>) target(%dma_start3A_1117 : memref<64x128xf32, #tpu.memory_space<vmem>>) offsets(%dma_start3A_1119 : memref<64xi32, #tpu.memory_space<vmem>>) semaphore(%arg17 : memref<!tpu.dma_semaphore, #tpu.memory_space<semaphore_mem>>)
    %dma_wait3A_1123 = arith.constant 0 : i32
    %dma_wait3A_1124 = arith.constant 0 : i32
    %dma_wait3A_1125 = arith.constant 0 : i32
    %dma_wait3A_1126 = tpu.memref_slice %arg13[%dma_wait3A_1123, %dma_wait3A_1124, %dma_wait3A_1125] : memref<2x64x128xf32, #tpu.memory_space<vmem>> -> memref<1x64x128xf32, #tpu.memory_space<vmem>>
    %dma_wait3A_1127 = tpu.memref_squeeze %dma_wait3A_1126 : memref<1x64x128xf32, #tpu.memory_space<vmem>> -> memref<64x128xf32, #tpu.memory_space<vmem>>
    %dma_wait3A_1128 = arith.constant 384 : i32
    %dma_wait3A_1129 = tpu.memref_slice %arg11[%dma_wait3A_1128] : memref<512xi32, #tpu.memory_space<vmem>> -> memref<64xi32, #tpu.memory_space<vmem>>
    %dma_wait3A_1130 = arith.constant 0 : i32
    %dma_wait3A_1131 = arith.constant 0 : i32
    %dma_wait3A_1132 = tpu.memref_slice %arg4[%dma_wait3A_1130, %dma_wait3A_1131] : memref<100000x128xf32, #tpu.memory_space<hbm>> -> memref<100000x128xf32, #tpu.memory_space<hbm>>
    tpu.wait_indirect_dma semaphore(%arg17 : memref<!tpu.dma_semaphore, #tpu.memory_space<semaphore_mem>>) src(%dma_wait3A_1132 : memref<100000x128xf32, #tpu.memory_space<hbm>>) dst(%dma_wait3A_1127 : memref<64x128xf32, #tpu.memory_space<vmem>>)
    %dma_start3A_1133 = arith.constant 0 : i32
    %dma_start3A_1134 = arith.constant 0 : i32
    %dma_start3A_1135 = arith.constant 0 : i32
    %dma_start3A_1136 = tpu.memref_slice %arg13[%dma_start3A_1133, %dma_start3A_1134, %dma_start3A_1135] : memref<2x64x128xf32, #tpu.memory_space<vmem>> -> memref<1x64x128xf32, #tpu.memory_space<vmem>>
    %dma_start3A_1137 = tpu.memref_squeeze %dma_start3A_1136 : memref<1x64x128xf32, #tpu.memory_space<vmem>> -> memref<64x128xf32, #tpu.memory_space<vmem>>
    %dma_start3A_1138 = arith.constant 0 : i32
    %dma_start3A_1139 = tpu.memref_slice %arg7[%add3A_1030, %dma_start3A_1138] : memref<16384x128xf32, #tpu.memory_space<hbm>> -> memref<64x128xf32, #tpu.memory_space<hbm>>
    %dma_start3A_1140 = arith.constant 0 : i32
    %dma_start3A_1141 = tpu.memref_slice %arg7[%add3A_1030, %dma_start3A_1140] : memref<16384x128xf32, #tpu.memory_space<hbm>> -> memref<64x128xf32, #tpu.memory_space<hbm>>
    %dma_start3A_1142 = arith.constant 0 : i32
    %dma_start3A_1143 = arith.constant 0 : i32
    %dma_start3A_1144 = tpu.memref_slice %arg13[%dma_start3A_1133, %dma_start3A_1142, %dma_start3A_1143] : memref<2x64x128xf32, #tpu.memory_space<vmem>> -> memref<1x64x128xf32, #tpu.memory_space<vmem>>
    %dma_start3A_1145 = tpu.memref_squeeze %dma_start3A_1144 : memref<1x64x128xf32, #tpu.memory_space<vmem>> -> memref<64x128xf32, #tpu.memory_space<vmem>>
    tpu.enqueue_dma source(%dma_start3A_1145 : memref<64x128xf32, #tpu.memory_space<vmem>>) target(%dma_start3A_1141 : memref<64x128xf32, #tpu.memory_space<hbm>>) target_semaphore(%arg18 : memref<!tpu.dma_semaphore, #tpu.memory_space<semaphore_mem>>)
    %dma_wait3A_1146 = arith.constant 0 : i32
    %dma_wait3A_1147 = arith.constant 0 : i32
    %dma_wait3A_1148 = arith.constant 0 : i32
    %dma_wait3A_1149 = tpu.memref_slice %arg14[%dma_wait3A_1146, %dma_wait3A_1147, %dma_wait3A_1148] : memref<2x64x128xf32, #tpu.memory_space<vmem>> -> memref<1x64x128xf32, #tpu.memory_space<vmem>>
    %dma_wait3A_1150 = tpu.memref_squeeze %dma_wait3A_1149 : memref<1x64x128xf32, #tpu.memory_space<vmem>> -> memref<64x128xf32, #tpu.memory_space<vmem>>
    %dma_wait3A_1151 = arith.constant 384 : i32
    %dma_wait3A_1152 = tpu.memref_slice %arg12[%dma_wait3A_1151] : memref<512xi32, #tpu.memory_space<vmem>> -> memref<64xi32, #tpu.memory_space<vmem>>
    %dma_wait3A_1153 = arith.constant 0 : i32
    %dma_wait3A_1154 = arith.constant 0 : i32
    %dma_wait3A_1155 = tpu.memref_slice %arg5[%dma_wait3A_1153, %dma_wait3A_1154] : memref<100000x128xf32, #tpu.memory_space<hbm>> -> memref<100000x128xf32, #tpu.memory_space<hbm>>
    tpu.wait_indirect_dma semaphore(%arg17 : memref<!tpu.dma_semaphore, #tpu.memory_space<semaphore_mem>>) src(%dma_wait3A_1155 : memref<100000x128xf32, #tpu.memory_space<hbm>>) dst(%dma_wait3A_1150 : memref<64x128xf32, #tpu.memory_space<vmem>>)
    %dma_start3A_1156 = arith.constant 0 : i32
    %dma_start3A_1157 = arith.constant 0 : i32
    %dma_start3A_1158 = arith.constant 0 : i32
    %dma_start3A_1159 = tpu.memref_slice %arg14[%dma_start3A_1156, %dma_start3A_1157, %dma_start3A_1158] : memref<2x64x128xf32, #tpu.memory_space<vmem>> -> memref<1x64x128xf32, #tpu.memory_space<vmem>>
    %dma_start3A_1160 = tpu.memref_squeeze %dma_start3A_1159 : memref<1x64x128xf32, #tpu.memory_space<vmem>> -> memref<64x128xf32, #tpu.memory_space<vmem>>
    %dma_start3A_1161 = arith.constant 0 : i32
    %dma_start3A_1162 = tpu.memref_slice %arg8[%add3A_1030, %dma_start3A_1161] : memref<16384x128xf32, #tpu.memory_space<hbm>> -> memref<64x128xf32, #tpu.memory_space<hbm>>
    %dma_start3A_1163 = arith.constant 0 : i32
    %dma_start3A_1164 = tpu.memref_slice %arg8[%add3A_1030, %dma_start3A_1163] : memref<16384x128xf32, #tpu.memory_space<hbm>> -> memref<64x128xf32, #tpu.memory_space<hbm>>
    %dma_start3A_1165 = arith.constant 0 : i32
    %dma_start3A_1166 = arith.constant 0 : i32
    %dma_start3A_1167 = tpu.memref_slice %arg14[%dma_start3A_1156, %dma_start3A_1165, %dma_start3A_1166] : memref<2x64x128xf32, #tpu.memory_space<vmem>> -> memref<1x64x128xf32, #tpu.memory_space<vmem>>
    %dma_start3A_1168 = tpu.memref_squeeze %dma_start3A_1167 : memref<1x64x128xf32, #tpu.memory_space<vmem>> -> memref<64x128xf32, #tpu.memory_space<vmem>>
    tpu.enqueue_dma source(%dma_start3A_1168 : memref<64x128xf32, #tpu.memory_space<vmem>>) target(%dma_start3A_1164 : memref<64x128xf32, #tpu.memory_space<hbm>>) target_semaphore(%arg18 : memref<!tpu.dma_semaphore, #tpu.memory_space<semaphore_mem>>)
    %dma_wait3A_1169 = arith.constant 0 : i32
    %dma_wait3A_1170 = arith.constant 0 : i32
    %dma_wait3A_1171 = arith.constant 0 : i32
    %dma_wait3A_1172 = tpu.memref_slice %arg15[%dma_wait3A_1169, %dma_wait3A_1170, %dma_wait3A_1171] : memref<2x64x128xf32, #tpu.memory_space<vmem>> -> memref<1x64x128xf32, #tpu.memory_space<vmem>>
    %dma_wait3A_1173 = tpu.memref_squeeze %dma_wait3A_1172 : memref<1x64x128xf32, #tpu.memory_space<vmem>> -> memref<64x128xf32, #tpu.memory_space<vmem>>
    %dma_wait3A_1174 = arith.constant 384 : i32
    %dma_wait3A_1175 = tpu.memref_slice %arg11[%dma_wait3A_1174] : memref<512xi32, #tpu.memory_space<vmem>> -> memref<64xi32, #tpu.memory_space<vmem>>
    %dma_wait3A_1176 = arith.constant 0 : i32
    %dma_wait3A_1177 = arith.constant 0 : i32
    %dma_wait3A_1178 = tpu.memref_slice %arg6[%dma_wait3A_1176, %dma_wait3A_1177] : memref<100000x128xf32, #tpu.memory_space<hbm>> -> memref<100000x128xf32, #tpu.memory_space<hbm>>
    tpu.wait_indirect_dma semaphore(%arg17 : memref<!tpu.dma_semaphore, #tpu.memory_space<semaphore_mem>>) src(%dma_wait3A_1178 : memref<100000x128xf32, #tpu.memory_space<hbm>>) dst(%dma_wait3A_1173 : memref<64x128xf32, #tpu.memory_space<vmem>>)
    %dma_start3A_1179 = arith.constant 0 : i32
    %dma_start3A_1180 = arith.constant 0 : i32
    %dma_start3A_1181 = arith.constant 0 : i32
    %dma_start3A_1182 = tpu.memref_slice %arg15[%dma_start3A_1179, %dma_start3A_1180, %dma_start3A_1181] : memref<2x64x128xf32, #tpu.memory_space<vmem>> -> memref<1x64x128xf32, #tpu.memory_space<vmem>>
    %dma_start3A_1183 = tpu.memref_squeeze %dma_start3A_1182 : memref<1x64x128xf32, #tpu.memory_space<vmem>> -> memref<64x128xf32, #tpu.memory_space<vmem>>
    %dma_start3A_1184 = arith.constant 0 : i32
    %dma_start3A_1185 = tpu.memref_slice %arg9[%add3A_1030, %dma_start3A_1184] : memref<16384x128xf32, #tpu.memory_space<hbm>> -> memref<64x128xf32, #tpu.memory_space<hbm>>
    %dma_start3A_1186 = arith.constant 0 : i32
    %dma_start3A_1187 = tpu.memref_slice %arg9[%add3A_1030, %dma_start3A_1186] : memref<16384x128xf32, #tpu.memory_space<hbm>> -> memref<64x128xf32, #tpu.memory_space<hbm>>
    %dma_start3A_1188 = arith.constant 0 : i32
    %dma_start3A_1189 = arith.constant 0 : i32
    %dma_start3A_1190 = tpu.memref_slice %arg15[%dma_start3A_1179, %dma_start3A_1188, %dma_start3A_1189] : memref<2x64x128xf32, #tpu.memory_space<vmem>> -> memref<1x64x128xf32, #tpu.memory_space<vmem>>
    %dma_start3A_1191 = tpu.memref_squeeze %dma_start3A_1190 : memref<1x64x128xf32, #tpu.memory_space<vmem>> -> memref<64x128xf32, #tpu.memory_space<vmem>>
    tpu.enqueue_dma source(%dma_start3A_1191 : memref<64x128xf32, #tpu.memory_space<vmem>>) target(%dma_start3A_1187 : memref<64x128xf32, #tpu.memory_space<hbm>>) target_semaphore(%arg18 : memref<!tpu.dma_semaphore, #tpu.memory_space<semaphore_mem>>)
    %dma_wait3A_1192 = arith.constant 0 : i32
    %dma_wait3A_1193 = arith.constant 0 : i32
    %dma_wait3A_1194 = arith.constant 0 : i32
    %dma_wait3A_1195 = tpu.memref_slice %arg16[%dma_wait3A_1192, %dma_wait3A_1193, %dma_wait3A_1194] : memref<2x64x128xf32, #tpu.memory_space<vmem>> -> memref<1x64x128xf32, #tpu.memory_space<vmem>>
    %dma_wait3A_1196 = tpu.memref_squeeze %dma_wait3A_1195 : memref<1x64x128xf32, #tpu.memory_space<vmem>> -> memref<64x128xf32, #tpu.memory_space<vmem>>
    %dma_wait3A_1197 = arith.constant 384 : i32
    %dma_wait3A_1198 = tpu.memref_slice %arg12[%dma_wait3A_1197] : memref<512xi32, #tpu.memory_space<vmem>> -> memref<64xi32, #tpu.memory_space<vmem>>
    %dma_wait3A_1199 = arith.constant 0 : i32
    %dma_wait3A_1200 = arith.constant 0 : i32
    %dma_wait3A_1201 = tpu.memref_slice %arg6[%dma_wait3A_1199, %dma_wait3A_1200] : memref<100000x128xf32, #tpu.memory_space<hbm>> -> memref<100000x128xf32, #tpu.memory_space<hbm>>
    tpu.wait_indirect_dma semaphore(%arg17 : memref<!tpu.dma_semaphore, #tpu.memory_space<semaphore_mem>>) src(%dma_wait3A_1201 : memref<100000x128xf32, #tpu.memory_space<hbm>>) dst(%dma_wait3A_1196 : memref<64x128xf32, #tpu.memory_space<vmem>>)
    %dma_start3A_1202 = arith.constant 0 : i32
    %dma_start3A_1203 = arith.constant 0 : i32
    %dma_start3A_1204 = arith.constant 0 : i32
    %dma_start3A_1205 = tpu.memref_slice %arg16[%dma_start3A_1202, %dma_start3A_1203, %dma_start3A_1204] : memref<2x64x128xf32, #tpu.memory_space<vmem>> -> memref<1x64x128xf32, #tpu.memory_space<vmem>>
    %dma_start3A_1206 = tpu.memref_squeeze %dma_start3A_1205 : memref<1x64x128xf32, #tpu.memory_space<vmem>> -> memref<64x128xf32, #tpu.memory_space<vmem>>
    %dma_start3A_1207 = arith.constant 0 : i32
    %dma_start3A_1208 = tpu.memref_slice %arg10[%add3A_1030, %dma_start3A_1207] : memref<16384x128xf32, #tpu.memory_space<hbm>> -> memref<64x128xf32, #tpu.memory_space<hbm>>
    %dma_start3A_1209 = arith.constant 0 : i32
    %dma_start3A_1210 = tpu.memref_slice %arg10[%add3A_1030, %dma_start3A_1209] : memref<16384x128xf32, #tpu.memory_space<hbm>> -> memref<64x128xf32, #tpu.memory_space<hbm>>
    %dma_start3A_1211 = arith.constant 0 : i32
    %dma_start3A_1212 = arith.constant 0 : i32
    %dma_start3A_1213 = tpu.memref_slice %arg16[%dma_start3A_1202, %dma_start3A_1211, %dma_start3A_1212] : memref<2x64x128xf32, #tpu.memory_space<vmem>> -> memref<1x64x128xf32, #tpu.memory_space<vmem>>
    %dma_start3A_1214 = tpu.memref_squeeze %dma_start3A_1213 : memref<1x64x128xf32, #tpu.memory_space<vmem>> -> memref<64x128xf32, #tpu.memory_space<vmem>>
    tpu.enqueue_dma source(%dma_start3A_1214 : memref<64x128xf32, #tpu.memory_space<vmem>>) target(%dma_start3A_1210 : memref<64x128xf32, #tpu.memory_space<hbm>>) target_semaphore(%arg18 : memref<!tpu.dma_semaphore, #tpu.memory_space<semaphore_mem>>)
    %mul3A_1215 = arith.constant 512 : i32
    %mul3A_1216 = arith.muli %add3A, %mul3A_1215 : i32
    %add3A_1217 = arith.constant 448 : i32
    %add3A_1218 = arith.addi %mul3A_1216, %add3A_1217 : i32
    %dma_wait3A_1219 = arith.constant 1 : i32
    %dma_wait3A_1220 = arith.constant 0 : i32
    %dma_wait3A_1221 = arith.constant 0 : i32
    %dma_wait3A_1222 = tpu.memref_slice %arg13[%dma_wait3A_1219, %dma_wait3A_1220, %dma_wait3A_1221] : memref<2x64x128xf32, #tpu.memory_space<vmem>> -> memref<1x64x128xf32, #tpu.memory_space<vmem>>
    %dma_wait3A_1223 = tpu.memref_squeeze %dma_wait3A_1222 : memref<1x64x128xf32, #tpu.memory_space<vmem>> -> memref<64x128xf32, #tpu.memory_space<vmem>>
    %dma_wait3A_1224 = arith.constant 0 : i32
    %dma_wait3A_1225 = tpu.memref_slice %arg7[%add3A_842, %dma_wait3A_1224] : memref<16384x128xf32, #tpu.memory_space<hbm>> -> memref<64x128xf32, #tpu.memory_space<hbm>>
    %dma_wait3A_1226 = arith.constant 0 : i32
    %dma_wait3A_1227 = tpu.memref_slice %arg7[%add3A_842, %dma_wait3A_1226] : memref<16384x128xf32, #tpu.memory_space<hbm>> -> memref<64x128xf32, #tpu.memory_space<hbm>>
    %dma_wait3A_1228 = arith.constant 0 : i32
    %dma_wait3A_1229 = arith.constant 0 : i32
    %dma_wait3A_1230 = tpu.memref_slice %arg13[%dma_wait3A_1219, %dma_wait3A_1228, %dma_wait3A_1229] : memref<2x64x128xf32, #tpu.memory_space<vmem>> -> memref<1x64x128xf32, #tpu.memory_space<vmem>>
    %dma_wait3A_1231 = tpu.memref_squeeze %dma_wait3A_1230 : memref<1x64x128xf32, #tpu.memory_space<vmem>> -> memref<64x128xf32, #tpu.memory_space<vmem>>
    tpu.wait_dma2 semaphore(%arg18 : memref<!tpu.dma_semaphore, #tpu.memory_space<semaphore_mem>>) src(%dma_wait3A_1231 : memref<64x128xf32, #tpu.memory_space<vmem>>) dst(%dma_wait3A_1227 : memref<64x128xf32, #tpu.memory_space<hbm>>)
    %dma_wait3A_1232 = arith.constant 1 : i32
    %dma_wait3A_1233 = arith.constant 0 : i32
    %dma_wait3A_1234 = arith.constant 0 : i32
    %dma_wait3A_1235 = tpu.memref_slice %arg14[%dma_wait3A_1232, %dma_wait3A_1233, %dma_wait3A_1234] : memref<2x64x128xf32, #tpu.memory_space<vmem>> -> memref<1x64x128xf32, #tpu.memory_space<vmem>>
    %dma_wait3A_1236 = tpu.memref_squeeze %dma_wait3A_1235 : memref<1x64x128xf32, #tpu.memory_space<vmem>> -> memref<64x128xf32, #tpu.memory_space<vmem>>
    %dma_wait3A_1237 = arith.constant 0 : i32
    %dma_wait3A_1238 = tpu.memref_slice %arg8[%add3A_842, %dma_wait3A_1237] : memref<16384x128xf32, #tpu.memory_space<hbm>> -> memref<64x128xf32, #tpu.memory_space<hbm>>
    %dma_wait3A_1239 = arith.constant 0 : i32
    %dma_wait3A_1240 = tpu.memref_slice %arg8[%add3A_842, %dma_wait3A_1239] : memref<16384x128xf32, #tpu.memory_space<hbm>> -> memref<64x128xf32, #tpu.memory_space<hbm>>
    %dma_wait3A_1241 = arith.constant 0 : i32
    %dma_wait3A_1242 = arith.constant 0 : i32
    %dma_wait3A_1243 = tpu.memref_slice %arg14[%dma_wait3A_1232, %dma_wait3A_1241, %dma_wait3A_1242] : memref<2x64x128xf32, #tpu.memory_space<vmem>> -> memref<1x64x128xf32, #tpu.memory_space<vmem>>
    %dma_wait3A_1244 = tpu.memref_squeeze %dma_wait3A_1243 : memref<1x64x128xf32, #tpu.memory_space<vmem>> -> memref<64x128xf32, #tpu.memory_space<vmem>>
    tpu.wait_dma2 semaphore(%arg18 : memref<!tpu.dma_semaphore, #tpu.memory_space<semaphore_mem>>) src(%dma_wait3A_1244 : memref<64x128xf32, #tpu.memory_space<vmem>>) dst(%dma_wait3A_1240 : memref<64x128xf32, #tpu.memory_space<hbm>>)
    %dma_wait3A_1245 = arith.constant 1 : i32
    %dma_wait3A_1246 = arith.constant 0 : i32
    %dma_wait3A_1247 = arith.constant 0 : i32
    %dma_wait3A_1248 = tpu.memref_slice %arg15[%dma_wait3A_1245, %dma_wait3A_1246, %dma_wait3A_1247] : memref<2x64x128xf32, #tpu.memory_space<vmem>> -> memref<1x64x128xf32, #tpu.memory_space<vmem>>
    %dma_wait3A_1249 = tpu.memref_squeeze %dma_wait3A_1248 : memref<1x64x128xf32, #tpu.memory_space<vmem>> -> memref<64x128xf32, #tpu.memory_space<vmem>>
    %dma_wait3A_1250 = arith.constant 0 : i32
    %dma_wait3A_1251 = tpu.memref_slice %arg9[%add3A_842, %dma_wait3A_1250] : memref<16384x128xf32, #tpu.memory_space<hbm>> -> memref<64x128xf32, #tpu.memory_space<hbm>>
    %dma_wait3A_1252 = arith.constant 0 : i32
    %dma_wait3A_1253 = tpu.memref_slice %arg9[%add3A_842, %dma_wait3A_1252] : memref<16384x128xf32, #tpu.memory_space<hbm>> -> memref<64x128xf32, #tpu.memory_space<hbm>>
    %dma_wait3A_1254 = arith.constant 0 : i32
    %dma_wait3A_1255 = arith.constant 0 : i32
    %dma_wait3A_1256 = tpu.memref_slice %arg15[%dma_wait3A_1245, %dma_wait3A_1254, %dma_wait3A_1255] : memref<2x64x128xf32, #tpu.memory_space<vmem>> -> memref<1x64x128xf32, #tpu.memory_space<vmem>>
    %dma_wait3A_1257 = tpu.memref_squeeze %dma_wait3A_1256 : memref<1x64x128xf32, #tpu.memory_space<vmem>> -> memref<64x128xf32, #tpu.memory_space<vmem>>
    tpu.wait_dma2 semaphore(%arg18 : memref<!tpu.dma_semaphore, #tpu.memory_space<semaphore_mem>>) src(%dma_wait3A_1257 : memref<64x128xf32, #tpu.memory_space<vmem>>) dst(%dma_wait3A_1253 : memref<64x128xf32, #tpu.memory_space<hbm>>)
    %dma_wait3A_1258 = arith.constant 1 : i32
    %dma_wait3A_1259 = arith.constant 0 : i32
    %dma_wait3A_1260 = arith.constant 0 : i32
    %dma_wait3A_1261 = tpu.memref_slice %arg16[%dma_wait3A_1258, %dma_wait3A_1259, %dma_wait3A_1260] : memref<2x64x128xf32, #tpu.memory_space<vmem>> -> memref<1x64x128xf32, #tpu.memory_space<vmem>>
    %dma_wait3A_1262 = tpu.memref_squeeze %dma_wait3A_1261 : memref<1x64x128xf32, #tpu.memory_space<vmem>> -> memref<64x128xf32, #tpu.memory_space<vmem>>
    %dma_wait3A_1263 = arith.constant 0 : i32
    %dma_wait3A_1264 = tpu.memref_slice %arg10[%add3A_842, %dma_wait3A_1263] : memref<16384x128xf32, #tpu.memory_space<hbm>> -> memref<64x128xf32, #tpu.memory_space<hbm>>
    %dma_wait3A_1265 = arith.constant 0 : i32
    %dma_wait3A_1266 = tpu.memref_slice %arg10[%add3A_842, %dma_wait3A_1265] : memref<16384x128xf32, #tpu.memory_space<hbm>> -> memref<64x128xf32, #tpu.memory_space<hbm>>
    %dma_wait3A_1267 = arith.constant 0 : i32
    %dma_wait3A_1268 = arith.constant 0 : i32
    %dma_wait3A_1269 = tpu.memref_slice %arg16[%dma_wait3A_1258, %dma_wait3A_1267, %dma_wait3A_1268] : memref<2x64x128xf32, #tpu.memory_space<vmem>> -> memref<1x64x128xf32, #tpu.memory_space<vmem>>
    %dma_wait3A_1270 = tpu.memref_squeeze %dma_wait3A_1269 : memref<1x64x128xf32, #tpu.memory_space<vmem>> -> memref<64x128xf32, #tpu.memory_space<vmem>>
    tpu.wait_dma2 semaphore(%arg18 : memref<!tpu.dma_semaphore, #tpu.memory_space<semaphore_mem>>) src(%dma_wait3A_1270 : memref<64x128xf32, #tpu.memory_space<vmem>>) dst(%dma_wait3A_1266 : memref<64x128xf32, #tpu.memory_space<hbm>>)
    %dma_start3A_1271 = arith.constant 1 : i32
    %dma_start3A_1272 = arith.constant 0 : i32
    %dma_start3A_1273 = arith.constant 0 : i32
    %dma_start3A_1274 = tpu.memref_slice %arg13[%dma_start3A_1271, %dma_start3A_1272, %dma_start3A_1273] : memref<2x64x128xf32, #tpu.memory_space<vmem>> -> memref<1x64x128xf32, #tpu.memory_space<vmem>>
    %dma_start3A_1275 = tpu.memref_squeeze %dma_start3A_1274 : memref<1x64x128xf32, #tpu.memory_space<vmem>> -> memref<64x128xf32, #tpu.memory_space<vmem>>
    %dma_start3A_1276 = arith.constant 448 : i32
    %dma_start3A_1277 = tpu.memref_slice %arg11[%dma_start3A_1276] : memref<512xi32, #tpu.memory_space<vmem>> -> memref<64xi32, #tpu.memory_space<vmem>>
    %dma_start3A_1278 = arith.constant 0 : i32
    %dma_start3A_1279 = arith.constant 0 : i32
    %dma_start3A_1280 = tpu.memref_slice %arg4[%dma_start3A_1278, %dma_start3A_1279] : memref<100000x128xf32, #tpu.memory_space<hbm>> -> memref<100000x128xf32, #tpu.memory_space<hbm>>
    tpu.enqueue_indirect_dma source(%dma_start3A_1280 : memref<100000x128xf32, #tpu.memory_space<hbm>>) target(%dma_start3A_1275 : memref<64x128xf32, #tpu.memory_space<vmem>>) offsets(%dma_start3A_1277 : memref<64xi32, #tpu.memory_space<vmem>>) semaphore(%arg17 : memref<!tpu.dma_semaphore, #tpu.memory_space<semaphore_mem>>)
    %dma_start3A_1281 = arith.constant 1 : i32
    %dma_start3A_1282 = arith.constant 0 : i32
    %dma_start3A_1283 = arith.constant 0 : i32
    %dma_start3A_1284 = tpu.memref_slice %arg14[%dma_start3A_1281, %dma_start3A_1282, %dma_start3A_1283] : memref<2x64x128xf32, #tpu.memory_space<vmem>> -> memref<1x64x128xf32, #tpu.memory_space<vmem>>
    %dma_start3A_1285 = tpu.memref_squeeze %dma_start3A_1284 : memref<1x64x128xf32, #tpu.memory_space<vmem>> -> memref<64x128xf32, #tpu.memory_space<vmem>>
    %dma_start3A_1286 = arith.constant 448 : i32
    %dma_start3A_1287 = tpu.memref_slice %arg12[%dma_start3A_1286] : memref<512xi32, #tpu.memory_space<vmem>> -> memref<64xi32, #tpu.memory_space<vmem>>
    %dma_start3A_1288 = arith.constant 0 : i32
    %dma_start3A_1289 = arith.constant 0 : i32
    %dma_start3A_1290 = tpu.memref_slice %arg5[%dma_start3A_1288, %dma_start3A_1289] : memref<100000x128xf32, #tpu.memory_space<hbm>> -> memref<100000x128xf32, #tpu.memory_space<hbm>>
    tpu.enqueue_indirect_dma source(%dma_start3A_1290 : memref<100000x128xf32, #tpu.memory_space<hbm>>) target(%dma_start3A_1285 : memref<64x128xf32, #tpu.memory_space<vmem>>) offsets(%dma_start3A_1287 : memref<64xi32, #tpu.memory_space<vmem>>) semaphore(%arg17 : memref<!tpu.dma_semaphore, #tpu.memory_space<semaphore_mem>>)
    %dma_start3A_1291 = arith.constant 1 : i32
    %dma_start3A_1292 = arith.constant 0 : i32
    %dma_start3A_1293 = arith.constant 0 : i32
    %dma_start3A_1294 = tpu.memref_slice %arg15[%dma_start3A_1291, %dma_start3A_1292, %dma_start3A_1293] : memref<2x64x128xf32, #tpu.memory_space<vmem>> -> memref<1x64x128xf32, #tpu.memory_space<vmem>>
    %dma_start3A_1295 = tpu.memref_squeeze %dma_start3A_1294 : memref<1x64x128xf32, #tpu.memory_space<vmem>> -> memref<64x128xf32, #tpu.memory_space<vmem>>
    %dma_start3A_1296 = arith.constant 448 : i32
    %dma_start3A_1297 = tpu.memref_slice %arg11[%dma_start3A_1296] : memref<512xi32, #tpu.memory_space<vmem>> -> memref<64xi32, #tpu.memory_space<vmem>>
    %dma_start3A_1298 = arith.constant 0 : i32
    %dma_start3A_1299 = arith.constant 0 : i32
    %dma_start3A_1300 = tpu.memref_slice %arg6[%dma_start3A_1298, %dma_start3A_1299] : memref<100000x128xf32, #tpu.memory_space<hbm>> -> memref<100000x128xf32, #tpu.memory_space<hbm>>
    tpu.enqueue_indirect_dma source(%dma_start3A_1300 : memref<100000x128xf32, #tpu.memory_space<hbm>>) target(%dma_start3A_1295 : memref<64x128xf32, #tpu.memory_space<vmem>>) offsets(%dma_start3A_1297 : memref<64xi32, #tpu.memory_space<vmem>>) semaphore(%arg17 : memref<!tpu.dma_semaphore, #tpu.memory_space<semaphore_mem>>)
    %dma_start3A_1301 = arith.constant 1 : i32
    %dma_start3A_1302 = arith.constant 0 : i32
    %dma_start3A_1303 = arith.constant 0 : i32
    %dma_start3A_1304 = tpu.memref_slice %arg16[%dma_start3A_1301, %dma_start3A_1302, %dma_start3A_1303] : memref<2x64x128xf32, #tpu.memory_space<vmem>> -> memref<1x64x128xf32, #tpu.memory_space<vmem>>
    %dma_start3A_1305 = tpu.memref_squeeze %dma_start3A_1304 : memref<1x64x128xf32, #tpu.memory_space<vmem>> -> memref<64x128xf32, #tpu.memory_space<vmem>>
    %dma_start3A_1306 = arith.constant 448 : i32
    %dma_start3A_1307 = tpu.memref_slice %arg12[%dma_start3A_1306] : memref<512xi32, #tpu.memory_space<vmem>> -> memref<64xi32, #tpu.memory_space<vmem>>
    %dma_start3A_1308 = arith.constant 0 : i32
    %dma_start3A_1309 = arith.constant 0 : i32
    %dma_start3A_1310 = tpu.memref_slice %arg6[%dma_start3A_1308, %dma_start3A_1309] : memref<100000x128xf32, #tpu.memory_space<hbm>> -> memref<100000x128xf32, #tpu.memory_space<hbm>>
    tpu.enqueue_indirect_dma source(%dma_start3A_1310 : memref<100000x128xf32, #tpu.memory_space<hbm>>) target(%dma_start3A_1305 : memref<64x128xf32, #tpu.memory_space<vmem>>) offsets(%dma_start3A_1307 : memref<64xi32, #tpu.memory_space<vmem>>) semaphore(%arg17 : memref<!tpu.dma_semaphore, #tpu.memory_space<semaphore_mem>>)
    %dma_wait3A_1311 = arith.constant 1 : i32
    %dma_wait3A_1312 = arith.constant 0 : i32
    %dma_wait3A_1313 = arith.constant 0 : i32
    %dma_wait3A_1314 = tpu.memref_slice %arg13[%dma_wait3A_1311, %dma_wait3A_1312, %dma_wait3A_1313] : memref<2x64x128xf32, #tpu.memory_space<vmem>> -> memref<1x64x128xf32, #tpu.memory_space<vmem>>
    %dma_wait3A_1315 = tpu.memref_squeeze %dma_wait3A_1314 : memref<1x64x128xf32, #tpu.memory_space<vmem>> -> memref<64x128xf32, #tpu.memory_space<vmem>>
    %dma_wait3A_1316 = arith.constant 448 : i32
    %dma_wait3A_1317 = tpu.memref_slice %arg11[%dma_wait3A_1316] : memref<512xi32, #tpu.memory_space<vmem>> -> memref<64xi32, #tpu.memory_space<vmem>>
    %dma_wait3A_1318 = arith.constant 0 : i32
    %dma_wait3A_1319 = arith.constant 0 : i32
    %dma_wait3A_1320 = tpu.memref_slice %arg4[%dma_wait3A_1318, %dma_wait3A_1319] : memref<100000x128xf32, #tpu.memory_space<hbm>> -> memref<100000x128xf32, #tpu.memory_space<hbm>>
    tpu.wait_indirect_dma semaphore(%arg17 : memref<!tpu.dma_semaphore, #tpu.memory_space<semaphore_mem>>) src(%dma_wait3A_1320 : memref<100000x128xf32, #tpu.memory_space<hbm>>) dst(%dma_wait3A_1315 : memref<64x128xf32, #tpu.memory_space<vmem>>)
    %dma_start3A_1321 = arith.constant 1 : i32
    %dma_start3A_1322 = arith.constant 0 : i32
    %dma_start3A_1323 = arith.constant 0 : i32
    %dma_start3A_1324 = tpu.memref_slice %arg13[%dma_start3A_1321, %dma_start3A_1322, %dma_start3A_1323] : memref<2x64x128xf32, #tpu.memory_space<vmem>> -> memref<1x64x128xf32, #tpu.memory_space<vmem>>
    %dma_start3A_1325 = tpu.memref_squeeze %dma_start3A_1324 : memref<1x64x128xf32, #tpu.memory_space<vmem>> -> memref<64x128xf32, #tpu.memory_space<vmem>>
    %dma_start3A_1326 = arith.constant 0 : i32
    %dma_start3A_1327 = tpu.memref_slice %arg7[%add3A_1218, %dma_start3A_1326] : memref<16384x128xf32, #tpu.memory_space<hbm>> -> memref<64x128xf32, #tpu.memory_space<hbm>>
    %dma_start3A_1328 = arith.constant 0 : i32
    %dma_start3A_1329 = tpu.memref_slice %arg7[%add3A_1218, %dma_start3A_1328] : memref<16384x128xf32, #tpu.memory_space<hbm>> -> memref<64x128xf32, #tpu.memory_space<hbm>>
    %dma_start3A_1330 = arith.constant 0 : i32
    %dma_start3A_1331 = arith.constant 0 : i32
    %dma_start3A_1332 = tpu.memref_slice %arg13[%dma_start3A_1321, %dma_start3A_1330, %dma_start3A_1331] : memref<2x64x128xf32, #tpu.memory_space<vmem>> -> memref<1x64x128xf32, #tpu.memory_space<vmem>>
    %dma_start3A_1333 = tpu.memref_squeeze %dma_start3A_1332 : memref<1x64x128xf32, #tpu.memory_space<vmem>> -> memref<64x128xf32, #tpu.memory_space<vmem>>
    tpu.enqueue_dma source(%dma_start3A_1333 : memref<64x128xf32, #tpu.memory_space<vmem>>) target(%dma_start3A_1329 : memref<64x128xf32, #tpu.memory_space<hbm>>) target_semaphore(%arg18 : memref<!tpu.dma_semaphore, #tpu.memory_space<semaphore_mem>>)
    %dma_wait3A_1334 = arith.constant 1 : i32
    %dma_wait3A_1335 = arith.constant 0 : i32
    %dma_wait3A_1336 = arith.constant 0 : i32
    %dma_wait3A_1337 = tpu.memref_slice %arg14[%dma_wait3A_1334, %dma_wait3A_1335, %dma_wait3A_1336] : memref<2x64x128xf32, #tpu.memory_space<vmem>> -> memref<1x64x128xf32, #tpu.memory_space<vmem>>
    %dma_wait3A_1338 = tpu.memref_squeeze %dma_wait3A_1337 : memref<1x64x128xf32, #tpu.memory_space<vmem>> -> memref<64x128xf32, #tpu.memory_space<vmem>>
    %dma_wait3A_1339 = arith.constant 448 : i32
    %dma_wait3A_1340 = tpu.memref_slice %arg12[%dma_wait3A_1339] : memref<512xi32, #tpu.memory_space<vmem>> -> memref<64xi32, #tpu.memory_space<vmem>>
    %dma_wait3A_1341 = arith.constant 0 : i32
    %dma_wait3A_1342 = arith.constant 0 : i32
    %dma_wait3A_1343 = tpu.memref_slice %arg5[%dma_wait3A_1341, %dma_wait3A_1342] : memref<100000x128xf32, #tpu.memory_space<hbm>> -> memref<100000x128xf32, #tpu.memory_space<hbm>>
    tpu.wait_indirect_dma semaphore(%arg17 : memref<!tpu.dma_semaphore, #tpu.memory_space<semaphore_mem>>) src(%dma_wait3A_1343 : memref<100000x128xf32, #tpu.memory_space<hbm>>) dst(%dma_wait3A_1338 : memref<64x128xf32, #tpu.memory_space<vmem>>)
    %dma_start3A_1344 = arith.constant 1 : i32
    %dma_start3A_1345 = arith.constant 0 : i32
    %dma_start3A_1346 = arith.constant 0 : i32
    %dma_start3A_1347 = tpu.memref_slice %arg14[%dma_start3A_1344, %dma_start3A_1345, %dma_start3A_1346] : memref<2x64x128xf32, #tpu.memory_space<vmem>> -> memref<1x64x128xf32, #tpu.memory_space<vmem>>
    %dma_start3A_1348 = tpu.memref_squeeze %dma_start3A_1347 : memref<1x64x128xf32, #tpu.memory_space<vmem>> -> memref<64x128xf32, #tpu.memory_space<vmem>>
    %dma_start3A_1349 = arith.constant 0 : i32
    %dma_start3A_1350 = tpu.memref_slice %arg8[%add3A_1218, %dma_start3A_1349] : memref<16384x128xf32, #tpu.memory_space<hbm>> -> memref<64x128xf32, #tpu.memory_space<hbm>>
    %dma_start3A_1351 = arith.constant 0 : i32
    %dma_start3A_1352 = tpu.memref_slice %arg8[%add3A_1218, %dma_start3A_1351] : memref<16384x128xf32, #tpu.memory_space<hbm>> -> memref<64x128xf32, #tpu.memory_space<hbm>>
    %dma_start3A_1353 = arith.constant 0 : i32
    %dma_start3A_1354 = arith.constant 0 : i32
    %dma_start3A_1355 = tpu.memref_slice %arg14[%dma_start3A_1344, %dma_start3A_1353, %dma_start3A_1354] : memref<2x64x128xf32, #tpu.memory_space<vmem>> -> memref<1x64x128xf32, #tpu.memory_space<vmem>>
    %dma_start3A_1356 = tpu.memref_squeeze %dma_start3A_1355 : memref<1x64x128xf32, #tpu.memory_space<vmem>> -> memref<64x128xf32, #tpu.memory_space<vmem>>
    tpu.enqueue_dma source(%dma_start3A_1356 : memref<64x128xf32, #tpu.memory_space<vmem>>) target(%dma_start3A_1352 : memref<64x128xf32, #tpu.memory_space<hbm>>) target_semaphore(%arg18 : memref<!tpu.dma_semaphore, #tpu.memory_space<semaphore_mem>>)
    %dma_wait3A_1357 = arith.constant 1 : i32
    %dma_wait3A_1358 = arith.constant 0 : i32
    %dma_wait3A_1359 = arith.constant 0 : i32
    %dma_wait3A_1360 = tpu.memref_slice %arg15[%dma_wait3A_1357, %dma_wait3A_1358, %dma_wait3A_1359] : memref<2x64x128xf32, #tpu.memory_space<vmem>> -> memref<1x64x128xf32, #tpu.memory_space<vmem>>
    %dma_wait3A_1361 = tpu.memref_squeeze %dma_wait3A_1360 : memref<1x64x128xf32, #tpu.memory_space<vmem>> -> memref<64x128xf32, #tpu.memory_space<vmem>>
    %dma_wait3A_1362 = arith.constant 448 : i32
    %dma_wait3A_1363 = tpu.memref_slice %arg11[%dma_wait3A_1362] : memref<512xi32, #tpu.memory_space<vmem>> -> memref<64xi32, #tpu.memory_space<vmem>>
    %dma_wait3A_1364 = arith.constant 0 : i32
    %dma_wait3A_1365 = arith.constant 0 : i32
    %dma_wait3A_1366 = tpu.memref_slice %arg6[%dma_wait3A_1364, %dma_wait3A_1365] : memref<100000x128xf32, #tpu.memory_space<hbm>> -> memref<100000x128xf32, #tpu.memory_space<hbm>>
    tpu.wait_indirect_dma semaphore(%arg17 : memref<!tpu.dma_semaphore, #tpu.memory_space<semaphore_mem>>) src(%dma_wait3A_1366 : memref<100000x128xf32, #tpu.memory_space<hbm>>) dst(%dma_wait3A_1361 : memref<64x128xf32, #tpu.memory_space<vmem>>)
    %dma_start3A_1367 = arith.constant 1 : i32
    %dma_start3A_1368 = arith.constant 0 : i32
    %dma_start3A_1369 = arith.constant 0 : i32
    %dma_start3A_1370 = tpu.memref_slice %arg15[%dma_start3A_1367, %dma_start3A_1368, %dma_start3A_1369] : memref<2x64x128xf32, #tpu.memory_space<vmem>> -> memref<1x64x128xf32, #tpu.memory_space<vmem>>
    %dma_start3A_1371 = tpu.memref_squeeze %dma_start3A_1370 : memref<1x64x128xf32, #tpu.memory_space<vmem>> -> memref<64x128xf32, #tpu.memory_space<vmem>>
    %dma_start3A_1372 = arith.constant 0 : i32
    %dma_start3A_1373 = tpu.memref_slice %arg9[%add3A_1218, %dma_start3A_1372] : memref<16384x128xf32, #tpu.memory_space<hbm>> -> memref<64x128xf32, #tpu.memory_space<hbm>>
    %dma_start3A_1374 = arith.constant 0 : i32
    %dma_start3A_1375 = tpu.memref_slice %arg9[%add3A_1218, %dma_start3A_1374] : memref<16384x128xf32, #tpu.memory_space<hbm>> -> memref<64x128xf32, #tpu.memory_space<hbm>>
    %dma_start3A_1376 = arith.constant 0 : i32
    %dma_start3A_1377 = arith.constant 0 : i32
    %dma_start3A_1378 = tpu.memref_slice %arg15[%dma_start3A_1367, %dma_start3A_1376, %dma_start3A_1377] : memref<2x64x128xf32, #tpu.memory_space<vmem>> -> memref<1x64x128xf32, #tpu.memory_space<vmem>>
    %dma_start3A_1379 = tpu.memref_squeeze %dma_start3A_1378 : memref<1x64x128xf32, #tpu.memory_space<vmem>> -> memref<64x128xf32, #tpu.memory_space<vmem>>
    tpu.enqueue_dma source(%dma_start3A_1379 : memref<64x128xf32, #tpu.memory_space<vmem>>) target(%dma_start3A_1375 : memref<64x128xf32, #tpu.memory_space<hbm>>) target_semaphore(%arg18 : memref<!tpu.dma_semaphore, #tpu.memory_space<semaphore_mem>>)
    %dma_wait3A_1380 = arith.constant 1 : i32
    %dma_wait3A_1381 = arith.constant 0 : i32
    %dma_wait3A_1382 = arith.constant 0 : i32
    %dma_wait3A_1383 = tpu.memref_slice %arg16[%dma_wait3A_1380, %dma_wait3A_1381, %dma_wait3A_1382] : memref<2x64x128xf32, #tpu.memory_space<vmem>> -> memref<1x64x128xf32, #tpu.memory_space<vmem>>
    %dma_wait3A_1384 = tpu.memref_squeeze %dma_wait3A_1383 : memref<1x64x128xf32, #tpu.memory_space<vmem>> -> memref<64x128xf32, #tpu.memory_space<vmem>>
    %dma_wait3A_1385 = arith.constant 448 : i32
    %dma_wait3A_1386 = tpu.memref_slice %arg12[%dma_wait3A_1385] : memref<512xi32, #tpu.memory_space<vmem>> -> memref<64xi32, #tpu.memory_space<vmem>>
    %dma_wait3A_1387 = arith.constant 0 : i32
    %dma_wait3A_1388 = arith.constant 0 : i32
    %dma_wait3A_1389 = tpu.memref_slice %arg6[%dma_wait3A_1387, %dma_wait3A_1388] : memref<100000x128xf32, #tpu.memory_space<hbm>> -> memref<100000x128xf32, #tpu.memory_space<hbm>>
    tpu.wait_indirect_dma semaphore(%arg17 : memref<!tpu.dma_semaphore, #tpu.memory_space<semaphore_mem>>) src(%dma_wait3A_1389 : memref<100000x128xf32, #tpu.memory_space<hbm>>) dst(%dma_wait3A_1384 : memref<64x128xf32, #tpu.memory_space<vmem>>)
    %dma_start3A_1390 = arith.constant 1 : i32
    %dma_start3A_1391 = arith.constant 0 : i32
    %dma_start3A_1392 = arith.constant 0 : i32
    %dma_start3A_1393 = tpu.memref_slice %arg16[%dma_start3A_1390, %dma_start3A_1391, %dma_start3A_1392] : memref<2x64x128xf32, #tpu.memory_space<vmem>> -> memref<1x64x128xf32, #tpu.memory_space<vmem>>
    %dma_start3A_1394 = tpu.memref_squeeze %dma_start3A_1393 : memref<1x64x128xf32, #tpu.memory_space<vmem>> -> memref<64x128xf32, #tpu.memory_space<vmem>>
    %dma_start3A_1395 = arith.constant 0 : i32
    %dma_start3A_1396 = tpu.memref_slice %arg10[%add3A_1218, %dma_start3A_1395] : memref<16384x128xf32, #tpu.memory_space<hbm>> -> memref<64x128xf32, #tpu.memory_space<hbm>>
    %dma_start3A_1397 = arith.constant 0 : i32
    %dma_start3A_1398 = tpu.memref_slice %arg10[%add3A_1218, %dma_start3A_1397] : memref<16384x128xf32, #tpu.memory_space<hbm>> -> memref<64x128xf32, #tpu.memory_space<hbm>>
    %dma_start3A_1399 = arith.constant 0 : i32
    %dma_start3A_1400 = arith.constant 0 : i32
    %dma_start3A_1401 = tpu.memref_slice %arg16[%dma_start3A_1390, %dma_start3A_1399, %dma_start3A_1400] : memref<2x64x128xf32, #tpu.memory_space<vmem>> -> memref<1x64x128xf32, #tpu.memory_space<vmem>>
    %dma_start3A_1402 = tpu.memref_squeeze %dma_start3A_1401 : memref<1x64x128xf32, #tpu.memory_space<vmem>> -> memref<64x128xf32, #tpu.memory_space<vmem>>
    tpu.enqueue_dma source(%dma_start3A_1402 : memref<64x128xf32, #tpu.memory_space<vmem>>) target(%dma_start3A_1398 : memref<64x128xf32, #tpu.memory_space<hbm>>) target_semaphore(%arg18 : memref<!tpu.dma_semaphore, #tpu.memory_space<semaphore_mem>>)
    %dma_wait3A_1403 = arith.constant 0 : i32
    %dma_wait3A_1404 = arith.constant 0 : i32
    %dma_wait3A_1405 = arith.constant 0 : i32
    %dma_wait3A_1406 = tpu.memref_slice %arg13[%dma_wait3A_1403, %dma_wait3A_1404, %dma_wait3A_1405] : memref<2x64x128xf32, #tpu.memory_space<vmem>> -> memref<1x64x128xf32, #tpu.memory_space<vmem>>
    %dma_wait3A_1407 = tpu.memref_squeeze %dma_wait3A_1406 : memref<1x64x128xf32, #tpu.memory_space<vmem>> -> memref<64x128xf32, #tpu.memory_space<vmem>>
    %dma_wait3A_1408 = arith.constant 0 : i32
    %dma_wait3A_1409 = tpu.memref_slice %arg7[%add3A_1030, %dma_wait3A_1408] : memref<16384x128xf32, #tpu.memory_space<hbm>> -> memref<64x128xf32, #tpu.memory_space<hbm>>
    %dma_wait3A_1410 = arith.constant 0 : i32
    %dma_wait3A_1411 = tpu.memref_slice %arg7[%add3A_1030, %dma_wait3A_1410] : memref<16384x128xf32, #tpu.memory_space<hbm>> -> memref<64x128xf32, #tpu.memory_space<hbm>>
    %dma_wait3A_1412 = arith.constant 0 : i32
    %dma_wait3A_1413 = arith.constant 0 : i32
    %dma_wait3A_1414 = tpu.memref_slice %arg13[%dma_wait3A_1403, %dma_wait3A_1412, %dma_wait3A_1413] : memref<2x64x128xf32, #tpu.memory_space<vmem>> -> memref<1x64x128xf32, #tpu.memory_space<vmem>>
    %dma_wait3A_1415 = tpu.memref_squeeze %dma_wait3A_1414 : memref<1x64x128xf32, #tpu.memory_space<vmem>> -> memref<64x128xf32, #tpu.memory_space<vmem>>
    tpu.wait_dma2 semaphore(%arg18 : memref<!tpu.dma_semaphore, #tpu.memory_space<semaphore_mem>>) src(%dma_wait3A_1415 : memref<64x128xf32, #tpu.memory_space<vmem>>) dst(%dma_wait3A_1411 : memref<64x128xf32, #tpu.memory_space<hbm>>)
    %dma_wait3A_1416 = arith.constant 0 : i32
    %dma_wait3A_1417 = arith.constant 0 : i32
    %dma_wait3A_1418 = arith.constant 0 : i32
    %dma_wait3A_1419 = tpu.memref_slice %arg14[%dma_wait3A_1416, %dma_wait3A_1417, %dma_wait3A_1418] : memref<2x64x128xf32, #tpu.memory_space<vmem>> -> memref<1x64x128xf32, #tpu.memory_space<vmem>>
    %dma_wait3A_1420 = tpu.memref_squeeze %dma_wait3A_1419 : memref<1x64x128xf32, #tpu.memory_space<vmem>> -> memref<64x128xf32, #tpu.memory_space<vmem>>
    %dma_wait3A_1421 = arith.constant 0 : i32
    %dma_wait3A_1422 = tpu.memref_slice %arg8[%add3A_1030, %dma_wait3A_1421] : memref<16384x128xf32, #tpu.memory_space<hbm>> -> memref<64x128xf32, #tpu.memory_space<hbm>>
    %dma_wait3A_1423 = arith.constant 0 : i32
    %dma_wait3A_1424 = tpu.memref_slice %arg8[%add3A_1030, %dma_wait3A_1423] : memref<16384x128xf32, #tpu.memory_space<hbm>> -> memref<64x128xf32, #tpu.memory_space<hbm>>
    %dma_wait3A_1425 = arith.constant 0 : i32
    %dma_wait3A_1426 = arith.constant 0 : i32
    %dma_wait3A_1427 = tpu.memref_slice %arg14[%dma_wait3A_1416, %dma_wait3A_1425, %dma_wait3A_1426] : memref<2x64x128xf32, #tpu.memory_space<vmem>> -> memref<1x64x128xf32, #tpu.memory_space<vmem>>
    %dma_wait3A_1428 = tpu.memref_squeeze %dma_wait3A_1427 : memref<1x64x128xf32, #tpu.memory_space<vmem>> -> memref<64x128xf32, #tpu.memory_space<vmem>>
    tpu.wait_dma2 semaphore(%arg18 : memref<!tpu.dma_semaphore, #tpu.memory_space<semaphore_mem>>) src(%dma_wait3A_1428 : memref<64x128xf32, #tpu.memory_space<vmem>>) dst(%dma_wait3A_1424 : memref<64x128xf32, #tpu.memory_space<hbm>>)
    %dma_wait3A_1429 = arith.constant 0 : i32
    %dma_wait3A_1430 = arith.constant 0 : i32
    %dma_wait3A_1431 = arith.constant 0 : i32
    %dma_wait3A_1432 = tpu.memref_slice %arg15[%dma_wait3A_1429, %dma_wait3A_1430, %dma_wait3A_1431] : memref<2x64x128xf32, #tpu.memory_space<vmem>> -> memref<1x64x128xf32, #tpu.memory_space<vmem>>
    %dma_wait3A_1433 = tpu.memref_squeeze %dma_wait3A_1432 : memref<1x64x128xf32, #tpu.memory_space<vmem>> -> memref<64x128xf32, #tpu.memory_space<vmem>>
    %dma_wait3A_1434 = arith.constant 0 : i32
    %dma_wait3A_1435 = tpu.memref_slice %arg9[%add3A_1030, %dma_wait3A_1434] : memref<16384x128xf32, #tpu.memory_space<hbm>> -> memref<64x128xf32, #tpu.memory_space<hbm>>
    %dma_wait3A_1436 = arith.constant 0 : i32
    %dma_wait3A_1437 = tpu.memref_slice %arg9[%add3A_1030, %dma_wait3A_1436] : memref<16384x128xf32, #tpu.memory_space<hbm>> -> memref<64x128xf32, #tpu.memory_space<hbm>>
    %dma_wait3A_1438 = arith.constant 0 : i32
    %dma_wait3A_1439 = arith.constant 0 : i32
    %dma_wait3A_1440 = tpu.memref_slice %arg15[%dma_wait3A_1429, %dma_wait3A_1438, %dma_wait3A_1439] : memref<2x64x128xf32, #tpu.memory_space<vmem>> -> memref<1x64x128xf32, #tpu.memory_space<vmem>>
    %dma_wait3A_1441 = tpu.memref_squeeze %dma_wait3A_1440 : memref<1x64x128xf32, #tpu.memory_space<vmem>> -> memref<64x128xf32, #tpu.memory_space<vmem>>
    tpu.wait_dma2 semaphore(%arg18 : memref<!tpu.dma_semaphore, #tpu.memory_space<semaphore_mem>>) src(%dma_wait3A_1441 : memref<64x128xf32, #tpu.memory_space<vmem>>) dst(%dma_wait3A_1437 : memref<64x128xf32, #tpu.memory_space<hbm>>)
    %dma_wait3A_1442 = arith.constant 0 : i32
    %dma_wait3A_1443 = arith.constant 0 : i32
    %dma_wait3A_1444 = arith.constant 0 : i32
    %dma_wait3A_1445 = tpu.memref_slice %arg16[%dma_wait3A_1442, %dma_wait3A_1443, %dma_wait3A_1444] : memref<2x64x128xf32, #tpu.memory_space<vmem>> -> memref<1x64x128xf32, #tpu.memory_space<vmem>>
    %dma_wait3A_1446 = tpu.memref_squeeze %dma_wait3A_1445 : memref<1x64x128xf32, #tpu.memory_space<vmem>> -> memref<64x128xf32, #tpu.memory_space<vmem>>
    %dma_wait3A_1447 = arith.constant 0 : i32
    %dma_wait3A_1448 = tpu.memref_slice %arg10[%add3A_1030, %dma_wait3A_1447] : memref<16384x128xf32, #tpu.memory_space<hbm>> -> memref<64x128xf32, #tpu.memory_space<hbm>>
    %dma_wait3A_1449 = arith.constant 0 : i32
    %dma_wait3A_1450 = tpu.memref_slice %arg10[%add3A_1030, %dma_wait3A_1449] : memref<16384x128xf32, #tpu.memory_space<hbm>> -> memref<64x128xf32, #tpu.memory_space<hbm>>
    %dma_wait3A_1451 = arith.constant 0 : i32
    %dma_wait3A_1452 = arith.constant 0 : i32
    %dma_wait3A_1453 = tpu.memref_slice %arg16[%dma_wait3A_1442, %dma_wait3A_1451, %dma_wait3A_1452] : memref<2x64x128xf32, #tpu.memory_space<vmem>> -> memref<1x64x128xf32, #tpu.memory_space<vmem>>
    %dma_wait3A_1454 = tpu.memref_squeeze %dma_wait3A_1453 : memref<1x64x128xf32, #tpu.memory_space<vmem>> -> memref<64x128xf32, #tpu.memory_space<vmem>>
    tpu.wait_dma2 semaphore(%arg18 : memref<!tpu.dma_semaphore, #tpu.memory_space<semaphore_mem>>) src(%dma_wait3A_1454 : memref<64x128xf32, #tpu.memory_space<vmem>>) dst(%dma_wait3A_1450 : memref<64x128xf32, #tpu.memory_space<hbm>>)
    %dma_wait3A_1455 = arith.constant 1 : i32
    %dma_wait3A_1456 = arith.constant 0 : i32
    %dma_wait3A_1457 = arith.constant 0 : i32
    %dma_wait3A_1458 = tpu.memref_slice %arg13[%dma_wait3A_1455, %dma_wait3A_1456, %dma_wait3A_1457] : memref<2x64x128xf32, #tpu.memory_space<vmem>> -> memref<1x64x128xf32, #tpu.memory_space<vmem>>
    %dma_wait3A_1459 = tpu.memref_squeeze %dma_wait3A_1458 : memref<1x64x128xf32, #tpu.memory_space<vmem>> -> memref<64x128xf32, #tpu.memory_space<vmem>>
    %dma_wait3A_1460 = arith.constant 0 : i32
    %dma_wait3A_1461 = tpu.memref_slice %arg7[%add3A_1218, %dma_wait3A_1460] : memref<16384x128xf32, #tpu.memory_space<hbm>> -> memref<64x128xf32, #tpu.memory_space<hbm>>
    %dma_wait3A_1462 = arith.constant 0 : i32
    %dma_wait3A_1463 = tpu.memref_slice %arg7[%add3A_1218, %dma_wait3A_1462] : memref<16384x128xf32, #tpu.memory_space<hbm>> -> memref<64x128xf32, #tpu.memory_space<hbm>>
    %dma_wait3A_1464 = arith.constant 0 : i32
    %dma_wait3A_1465 = arith.constant 0 : i32
    %dma_wait3A_1466 = tpu.memref_slice %arg13[%dma_wait3A_1455, %dma_wait3A_1464, %dma_wait3A_1465] : memref<2x64x128xf32, #tpu.memory_space<vmem>> -> memref<1x64x128xf32, #tpu.memory_space<vmem>>
    %dma_wait3A_1467 = tpu.memref_squeeze %dma_wait3A_1466 : memref<1x64x128xf32, #tpu.memory_space<vmem>> -> memref<64x128xf32, #tpu.memory_space<vmem>>
    tpu.wait_dma2 semaphore(%arg18 : memref<!tpu.dma_semaphore, #tpu.memory_space<semaphore_mem>>) src(%dma_wait3A_1467 : memref<64x128xf32, #tpu.memory_space<vmem>>) dst(%dma_wait3A_1463 : memref<64x128xf32, #tpu.memory_space<hbm>>)
    %dma_wait3A_1468 = arith.constant 1 : i32
    %dma_wait3A_1469 = arith.constant 0 : i32
    %dma_wait3A_1470 = arith.constant 0 : i32
    %dma_wait3A_1471 = tpu.memref_slice %arg14[%dma_wait3A_1468, %dma_wait3A_1469, %dma_wait3A_1470] : memref<2x64x128xf32, #tpu.memory_space<vmem>> -> memref<1x64x128xf32, #tpu.memory_space<vmem>>
    %dma_wait3A_1472 = tpu.memref_squeeze %dma_wait3A_1471 : memref<1x64x128xf32, #tpu.memory_space<vmem>> -> memref<64x128xf32, #tpu.memory_space<vmem>>
    %dma_wait3A_1473 = arith.constant 0 : i32
    %dma_wait3A_1474 = tpu.memref_slice %arg8[%add3A_1218, %dma_wait3A_1473] : memref<16384x128xf32, #tpu.memory_space<hbm>> -> memref<64x128xf32, #tpu.memory_space<hbm>>
    %dma_wait3A_1475 = arith.constant 0 : i32
    %dma_wait3A_1476 = tpu.memref_slice %arg8[%add3A_1218, %dma_wait3A_1475] : memref<16384x128xf32, #tpu.memory_space<hbm>> -> memref<64x128xf32, #tpu.memory_space<hbm>>
    %dma_wait3A_1477 = arith.constant 0 : i32
    %dma_wait3A_1478 = arith.constant 0 : i32
    %dma_wait3A_1479 = tpu.memref_slice %arg14[%dma_wait3A_1468, %dma_wait3A_1477, %dma_wait3A_1478] : memref<2x64x128xf32, #tpu.memory_space<vmem>> -> memref<1x64x128xf32, #tpu.memory_space<vmem>>
    %dma_wait3A_1480 = tpu.memref_squeeze %dma_wait3A_1479 : memref<1x64x128xf32, #tpu.memory_space<vmem>> -> memref<64x128xf32, #tpu.memory_space<vmem>>
    tpu.wait_dma2 semaphore(%arg18 : memref<!tpu.dma_semaphore, #tpu.memory_space<semaphore_mem>>) src(%dma_wait3A_1480 : memref<64x128xf32, #tpu.memory_space<vmem>>) dst(%dma_wait3A_1476 : memref<64x128xf32, #tpu.memory_space<hbm>>)
    %dma_wait3A_1481 = arith.constant 1 : i32
    %dma_wait3A_1482 = arith.constant 0 : i32
    %dma_wait3A_1483 = arith.constant 0 : i32
    %dma_wait3A_1484 = tpu.memref_slice %arg15[%dma_wait3A_1481, %dma_wait3A_1482, %dma_wait3A_1483] : memref<2x64x128xf32, #tpu.memory_space<vmem>> -> memref<1x64x128xf32, #tpu.memory_space<vmem>>
    %dma_wait3A_1485 = tpu.memref_squeeze %dma_wait3A_1484 : memref<1x64x128xf32, #tpu.memory_space<vmem>> -> memref<64x128xf32, #tpu.memory_space<vmem>>
    %dma_wait3A_1486 = arith.constant 0 : i32
    %dma_wait3A_1487 = tpu.memref_slice %arg9[%add3A_1218, %dma_wait3A_1486] : memref<16384x128xf32, #tpu.memory_space<hbm>> -> memref<64x128xf32, #tpu.memory_space<hbm>>
    %dma_wait3A_1488 = arith.constant 0 : i32
    %dma_wait3A_1489 = tpu.memref_slice %arg9[%add3A_1218, %dma_wait3A_1488] : memref<16384x128xf32, #tpu.memory_space<hbm>> -> memref<64x128xf32, #tpu.memory_space<hbm>>
    %dma_wait3A_1490 = arith.constant 0 : i32
    %dma_wait3A_1491 = arith.constant 0 : i32
    %dma_wait3A_1492 = tpu.memref_slice %arg15[%dma_wait3A_1481, %dma_wait3A_1490, %dma_wait3A_1491] : memref<2x64x128xf32, #tpu.memory_space<vmem>> -> memref<1x64x128xf32, #tpu.memory_space<vmem>>
    %dma_wait3A_1493 = tpu.memref_squeeze %dma_wait3A_1492 : memref<1x64x128xf32, #tpu.memory_space<vmem>> -> memref<64x128xf32, #tpu.memory_space<vmem>>
    tpu.wait_dma2 semaphore(%arg18 : memref<!tpu.dma_semaphore, #tpu.memory_space<semaphore_mem>>) src(%dma_wait3A_1493 : memref<64x128xf32, #tpu.memory_space<vmem>>) dst(%dma_wait3A_1489 : memref<64x128xf32, #tpu.memory_space<hbm>>)
    %dma_wait3A_1494 = arith.constant 1 : i32
    %dma_wait3A_1495 = arith.constant 0 : i32
    %dma_wait3A_1496 = arith.constant 0 : i32
    %dma_wait3A_1497 = tpu.memref_slice %arg16[%dma_wait3A_1494, %dma_wait3A_1495, %dma_wait3A_1496] : memref<2x64x128xf32, #tpu.memory_space<vmem>> -> memref<1x64x128xf32, #tpu.memory_space<vmem>>
    %dma_wait3A_1498 = tpu.memref_squeeze %dma_wait3A_1497 : memref<1x64x128xf32, #tpu.memory_space<vmem>> -> memref<64x128xf32, #tpu.memory_space<vmem>>
    %dma_wait3A_1499 = arith.constant 0 : i32
    %dma_wait3A_1500 = tpu.memref_slice %arg10[%add3A_1218, %dma_wait3A_1499] : memref<16384x128xf32, #tpu.memory_space<hbm>> -> memref<64x128xf32, #tpu.memory_space<hbm>>
    %dma_wait3A_1501 = arith.constant 0 : i32
    %dma_wait3A_1502 = tpu.memref_slice %arg10[%add3A_1218, %dma_wait3A_1501] : memref<16384x128xf32, #tpu.memory_space<hbm>> -> memref<64x128xf32, #tpu.memory_space<hbm>>
    %dma_wait3A_1503 = arith.constant 0 : i32
    %dma_wait3A_1504 = arith.constant 0 : i32
    %dma_wait3A_1505 = tpu.memref_slice %arg16[%dma_wait3A_1494, %dma_wait3A_1503, %dma_wait3A_1504] : memref<2x64x128xf32, #tpu.memory_space<vmem>> -> memref<1x64x128xf32, #tpu.memory_space<vmem>>
    %dma_wait3A_1506 = tpu.memref_squeeze %dma_wait3A_1505 : memref<1x64x128xf32, #tpu.memory_space<vmem>> -> memref<64x128xf32, #tpu.memory_space<vmem>>
    tpu.wait_dma2 semaphore(%arg18 : memref<!tpu.dma_semaphore, #tpu.memory_space<semaphore_mem>>) src(%dma_wait3A_1506 : memref<64x128xf32, #tpu.memory_space<vmem>>) dst(%dma_wait3A_1502 : memref<64x128xf32, #tpu.memory_space<hbm>>)
    return
  }
}

module attributes {stable_mosaic.version = 14 : i64} {
  func.func @_tc_body(%arg0: i32, %arg1: memref<4096x128xf32, #tpu.memory_space<vmem>>, %arg2: memref<4096x128xf32, #tpu.memory_space<vmem>>, %arg3: memref<4096x128xf32, #tpu.memory_space<vmem>>, %arg4: memref<4096x128xf32, #tpu.memory_space<vmem>>, %arg5: memref<128x128xf32, #tpu.memory_space<vmem>>, %arg6: memref<128x128xf32, #tpu.memory_space<vmem>>, %arg7: memref<1x128xf32, #tpu.memory_space<vmem>>, %arg8: memref<128x64xf32, #tpu.memory_space<vmem>>, %arg9: memref<1x64xf32, #tpu.memory_space<vmem>>, %arg10: memref<1x128xf32, #tpu.memory_space<vmem>>, %arg11: memref<1x1xf32, #tpu.memory_space<vmem>>, %arg12: memref<1x4096xf32, #tpu.memory_space<vmem>>) attributes {dimension_semantics = [#tpu.dimension_semantics<arbitrary>], iteration_bounds = array<i64: 4>, scalar_prefetch = 0 : i64, scratch_operands = 0 : i64, tpu.core_type = #tpu.core_type<tc>, window_params = [{transform_indices = @transform_0, window_bounds = array<i64: 4096, 128>}, {transform_indices = @transform_1, window_bounds = array<i64: 4096, 128>}, {transform_indices = @transform_2, window_bounds = array<i64: 4096, 128>}, {transform_indices = @transform_3, window_bounds = array<i64: 4096, 128>}, {pipeline_mode = #tpu.pipeline_mode<synchronous>, transform_indices = @transform_4, window_bounds = array<i64: 128, 128>}, {pipeline_mode = #tpu.pipeline_mode<synchronous>, transform_indices = @transform_5, window_bounds = array<i64: 128, 128>}, {pipeline_mode = #tpu.pipeline_mode<synchronous>, transform_indices = @transform_6, window_bounds = array<i64: 1, 128>}, {pipeline_mode = #tpu.pipeline_mode<synchronous>, transform_indices = @transform_7, window_bounds = array<i64: 128, 64>}, {pipeline_mode = #tpu.pipeline_mode<synchronous>, transform_indices = @transform_8, window_bounds = array<i64: 1, 64>}, {pipeline_mode = #tpu.pipeline_mode<synchronous>, transform_indices = @transform_9, window_bounds = array<i64: 1, 128>}, {pipeline_mode = #tpu.pipeline_mode<synchronous>, transform_indices = @transform_10, window_bounds = array<i64: 1, 1>}, {transform_indices = @transform_11, window_bounds = array<i64: 1, 4096>}]} {
    %get3A = arith.constant 0 : index
    %get3A_0 = arith.constant 0 : index
    %get3A_1 = vector.load %arg3[%get3A, %get3A_0] : memref<4096x128xf32, #tpu.memory_space<vmem>>, vector<4096x128xf32>
    %get3A_2 = arith.constant 0 : index
    %get3A_3 = arith.constant 0 : index
    %get3A_4 = vector.load %arg5[%get3A_2, %get3A_3] : memref<128x128xf32, #tpu.memory_space<vmem>>, vector<128x128xf32>
    %dot_general3A = arith.constant dense<0.000000e+00> : vector<4096x128xf32>
    %dot_general3A_5 = tpu.matmul %get3A_1, %get3A_4, %dot_general3A {dimension_numbers = #tpu.dot_dimension_numbers<[1], [0], [0], [1], [0, 0, 1, 1], [], []>, transpose_lhs_hint = false} : vector<4096x128xf32>, vector<128x128xf32>, vector<4096x128xf32> -> vector<4096x128xf32>
    %get3A_6 = arith.constant 0 : index
    %get3A_7 = arith.constant 0 : index
    %get3A_8 = vector.load %arg4[%get3A_6, %get3A_7] : memref<4096x128xf32, #tpu.memory_space<vmem>>, vector<4096x128xf32>
    %get3A_9 = arith.constant 0 : index
    %get3A_10 = arith.constant 0 : index
    %get3A_11 = vector.load %arg6[%get3A_9, %get3A_10] : memref<128x128xf32, #tpu.memory_space<vmem>>, vector<128x128xf32>
    %dot_general3A_12 = arith.constant dense<0.000000e+00> : vector<4096x128xf32>
    %dot_general3A_13 = tpu.matmul %get3A_8, %get3A_11, %dot_general3A_12 {dimension_numbers = #tpu.dot_dimension_numbers<[1], [0], [0], [1], [0, 0, 1, 1], [], []>, transpose_lhs_hint = false} : vector<4096x128xf32>, vector<128x128xf32>, vector<4096x128xf32> -> vector<4096x128xf32>
    %add3A = arith.addf %dot_general3A_5, %dot_general3A_13 : vector<4096x128xf32>
    %get3A_14 = arith.constant 0 : index
    %get3A_15 = arith.constant 0 : index
    %get3A_16 = vector.load %arg7[%get3A_14, %get3A_15] : memref<1x128xf32, #tpu.memory_space<vmem>>, vector<1x128xf32>
    %add3A_17 = vector.broadcast %get3A_16 : vector<1x128xf32> to vector<4096x128xf32>
    %add3A_18 = arith.addf %add3A, %add3A_17 : vector<4096x128xf32>
    %max3A = arith.constant 0.000000e+00 : f32
    %max3A_19 = vector.broadcast %max3A : f32 to vector<4096x128xf32>
    %max3A_20 = arith.maximumf %add3A_18, %max3A_19 : vector<4096x128xf32>
    %get3A_21 = arith.constant 0 : index
    %get3A_22 = arith.constant 0 : index
    %get3A_23 = vector.load %arg8[%get3A_21, %get3A_22] : memref<128x64xf32, #tpu.memory_space<vmem>>, vector<128x64xf32>
    %dot_general3A_24 = arith.constant dense<0.000000e+00> : vector<4096x64xf32>
    %dot_general3A_25 = tpu.matmul %max3A_20, %get3A_23, %dot_general3A_24 {dimension_numbers = #tpu.dot_dimension_numbers<[1], [0], [0], [1], [0, 0, 1, 1], [], []>, transpose_lhs_hint = false} : vector<4096x128xf32>, vector<128x64xf32>, vector<4096x64xf32> -> vector<4096x64xf32>
    %get3A_26 = arith.constant 0 : index
    %get3A_27 = arith.constant 0 : index
    %get3A_28 = vector.load %arg9[%get3A_26, %get3A_27] : memref<1x64xf32, #tpu.memory_space<vmem>>, vector<1x64xf32>
    %add3A_29 = vector.broadcast %get3A_28 : vector<1x64xf32> to vector<4096x64xf32>
    %add3A_30 = arith.addf %dot_general3A_25, %add3A_29 : vector<4096x64xf32>
    %max3A_31 = arith.constant 0.000000e+00 : f32
    %max3A_32 = vector.broadcast %max3A_31 : f32 to vector<4096x64xf32>
    %max3A_33 = arith.maximumf %add3A_30, %max3A_32 : vector<4096x64xf32>
    %get3A_34 = arith.constant 0 : index
    %get3A_35 = arith.constant 0 : index
    %get3A_36 = vector.load %arg1[%get3A_34, %get3A_35] : memref<4096x128xf32, #tpu.memory_space<vmem>>, vector<4096x128xf32>
    %slice3A = vector.extract_strided_slice %get3A_36 {offsets = [0, 0], sizes = [4096, 64], strides = [1, 1]} : vector<4096x128xf32> to vector<4096x64xf32>
    %get3A_37 = arith.constant 0 : index
    %get3A_38 = arith.constant 0 : index
    %get3A_39 = vector.load %arg2[%get3A_37, %get3A_38] : memref<4096x128xf32, #tpu.memory_space<vmem>>, vector<4096x128xf32>
    %slice3A_40 = vector.extract_strided_slice %get3A_39 {offsets = [0, 64], sizes = [4096, 64], strides = [1, 1]} : vector<4096x128xf32> to vector<4096x64xf32>
    %mul3A = arith.mulf %slice3A, %slice3A_40 : vector<4096x64xf32>
    %concatenate3A = tpu.concatenate %mul3A, %max3A_33 in 1 : vector<4096x64xf32>, vector<4096x64xf32> -> vector<4096x128xf32>
    %get3A_41 = arith.constant 0 : index
    %get3A_42 = arith.constant 0 : index
    %get3A_43 = vector.load %arg10[%get3A_41, %get3A_42] : memref<1x128xf32, #tpu.memory_space<vmem>>, vector<1x128xf32>
    %dot_general3A_44 = arith.constant dense<0.000000e+00> : vector<1x4096xf32>
    %dot_general3A_45 = tpu.matmul %get3A_43, %concatenate3A, %dot_general3A_44 {dimension_numbers = #tpu.dot_dimension_numbers<[1], [1], [0], [0], [0, 0, 1, 0], [], []>, transpose_lhs_hint = false} : vector<1x128xf32>, vector<4096x128xf32>, vector<1x4096xf32> -> vector<1x4096xf32>
    %get3A_46 = arith.constant 0 : index
    %get3A_47 = arith.constant 0 : index
    %get3A_48 = vector.load %arg11[%get3A_46, %get3A_47] : memref<1x1xf32, #tpu.memory_space<vmem>>, vector<1x1xf32>
    %add3A_49 = vector.broadcast %get3A_48 : vector<1x1xf32> to vector<1x4096xf32>
    %add3A_50 = arith.addf %dot_general3A_45, %add3A_49 : vector<1x4096xf32>
    %logistic3A = arith.negf %add3A_50 : vector<1x4096xf32>
    %logistic3A_51 = math.exp %logistic3A : vector<1x4096xf32>
    %logistic3A_52 = arith.constant 1.000000e+00 : f32
    %logistic3A_53 = vector.broadcast %logistic3A_52 : f32 to vector<1x4096xf32>
    %logistic3A_54 = arith.addf %logistic3A_53, %logistic3A_51 : vector<1x4096xf32>
    %logistic3A_55 = arith.divf %logistic3A_53, %logistic3A_54 : vector<1x4096xf32>
    %swap3A = arith.constant 0 : index
    %swap3A_56 = arith.constant 0 : index
    %swap3A_57 = vector.load %arg12[%swap3A, %swap3A_56] : memref<1x4096xf32, #tpu.memory_space<vmem>>, vector<1x4096xf32>
    tpu.vector_store %arg12[%swap3A, %swap3A_56], %logistic3A_55 {strides = array<i32>} : memref<1x4096xf32, #tpu.memory_space<vmem>>, vector<1x4096xf32>,
    return
  }
  func.func @transform_0(%arg0: i32) -> (i32, i32) {
    %c0_i32 = arith.constant 0 : i32
    %c0_i32_0 = arith.constant 0 : i32
    return %arg0, %c0_i32 : i32, i32
  }
  func.func @transform_1(%arg0: i32) -> (i32, i32) {
    %c0_i32 = arith.constant 0 : i32
    %c0_i32_0 = arith.constant 0 : i32
    return %arg0, %c0_i32 : i32, i32
  }
  func.func @transform_2(%arg0: i32) -> (i32, i32) {
    %c0_i32 = arith.constant 0 : i32
    %c0_i32_0 = arith.constant 0 : i32
    return %arg0, %c0_i32 : i32, i32
  }
  func.func @transform_3(%arg0: i32) -> (i32, i32) {
    %c0_i32 = arith.constant 0 : i32
    %c0_i32_0 = arith.constant 0 : i32
    return %arg0, %c0_i32 : i32, i32
  }
  func.func @transform_4(%arg0: i32) -> (i32, i32) {
    %c0_i32 = arith.constant 0 : i32
    %c0_i32_0 = arith.constant 0 : i32
    %c0_i32_1 = arith.constant 0 : i32
    return %c0_i32, %c0_i32_0 : i32, i32
  }
  func.func @transform_5(%arg0: i32) -> (i32, i32) {
    %c0_i32 = arith.constant 0 : i32
    %c0_i32_0 = arith.constant 0 : i32
    %c0_i32_1 = arith.constant 0 : i32
    return %c0_i32, %c0_i32_0 : i32, i32
  }
  func.func @transform_6(%arg0: i32) -> (i32, i32) {
    %c0_i32 = arith.constant 0 : i32
    %c0_i32_0 = arith.constant 0 : i32
    %c0_i32_1 = arith.constant 0 : i32
    return %c0_i32, %c0_i32_0 : i32, i32
  }
  func.func @transform_7(%arg0: i32) -> (i32, i32) {
    %c0_i32 = arith.constant 0 : i32
    %c0_i32_0 = arith.constant 0 : i32
    %c0_i32_1 = arith.constant 0 : i32
    return %c0_i32, %c0_i32_0 : i32, i32
  }
  func.func @transform_8(%arg0: i32) -> (i32, i32) {
    %c0_i32 = arith.constant 0 : i32
    %c0_i32_0 = arith.constant 0 : i32
    %c0_i32_1 = arith.constant 0 : i32
    return %c0_i32, %c0_i32_0 : i32, i32
  }
  func.func @transform_9(%arg0: i32) -> (i32, i32) {
    %c0_i32 = arith.constant 0 : i32
    %c0_i32_0 = arith.constant 0 : i32
    %c0_i32_1 = arith.constant 0 : i32
    return %c0_i32, %c0_i32_0 : i32, i32
  }
  func.func @transform_10(%arg0: i32) -> (i32, i32) {
    %c0_i32 = arith.constant 0 : i32
    %c0_i32_0 = arith.constant 0 : i32
    %c0_i32_1 = arith.constant 0 : i32
    return %c0_i32, %c0_i32_0 : i32, i32
  }
  func.func @transform_11(%arg0: i32) -> (i32, i32) {
    %c0_i32 = arith.constant 0 : i32
    %c0_i32_0 = arith.constant 0 : i32
    return %c0_i32, %arg0 : i32, i32
  }
}

module attributes {stable_mosaic.version = 14 : i64} {
  func.func @_tc_transpose_body(%arg0: i32, %arg1: memref<64x8192xf32, #tpu.memory_space<vmem>>, %arg2: memref<64x8192xf32, #tpu.memory_space<vmem>>, %arg3: memref<128x128xf32, #tpu.memory_space<vmem>>, %arg4: memref<8192x128xf32, #tpu.memory_space<vmem>>) attributes {dimension_semantics = [#tpu.dimension_semantics<arbitrary>], iteration_bounds = array<i64: 13>, scalar_prefetch = 0 : i64, scratch_operands = 0 : i64, tpu.core_type = #tpu.core_type<tc>, window_params = [{transform_indices = @transform_0, window_bounds = array<i64: 64, 8192>}, {transform_indices = @transform_1, window_bounds = array<i64: 64, 8192>}, {pipeline_mode = #tpu.pipeline_mode<synchronous>, transform_indices = @transform_2, window_bounds = array<i64: 128, 128>}, {transform_indices = @transform_3, window_bounds = array<i64: 8192, 128>}]} {
    %get3A = arith.constant 0 : index
    %get3A_0 = arith.constant 0 : index
    %get3A_1 = vector.load %arg1[%get3A, %get3A_0] : memref<64x8192xf32, #tpu.memory_space<vmem>>, vector<64x8192xf32>
    %get3A_2 = arith.constant 0 : index
    %get3A_3 = arith.constant 0 : index
    %get3A_4 = vector.load %arg2[%get3A_2, %get3A_3] : memref<64x8192xf32, #tpu.memory_space<vmem>>, vector<64x8192xf32>
    %concatenate3A = tpu.concatenate %get3A_1, %get3A_4 in 0 : vector<64x8192xf32>, vector<64x8192xf32> -> vector<128x8192xf32>
    %get3A_5 = arith.constant 0 : index
    %get3A_6 = arith.constant 0 : index
    %get3A_7 = vector.load %arg3[%get3A_5, %get3A_6] : memref<128x128xf32, #tpu.memory_space<vmem>>, vector<128x128xf32>
    %dot_general3A = arith.constant dense<0.000000e+00> : vector<8192x128xf32>
    %dot_general3A_8 = tpu.matmul %concatenate3A, %get3A_7, %dot_general3A {dimension_numbers = #tpu.dot_dimension_numbers<[0], [0], [1], [1], [0, 1, 1, 1], [], []>, transpose_lhs_hint = true} : vector<128x8192xf32>, vector<128x128xf32>, vector<8192x128xf32> -> vector<8192x128xf32>
    %swap3A = arith.constant 0 : index
    %swap3A_9 = arith.constant 0 : index
    %swap3A_10 = vector.load %arg4[%swap3A, %swap3A_9] : memref<8192x128xf32, #tpu.memory_space<vmem>>, vector<8192x128xf32>
    tpu.vector_store %arg4[%swap3A, %swap3A_9], %dot_general3A_8 {strides = array<i32>} : memref<8192x128xf32, #tpu.memory_space<vmem>>, vector<8192x128xf32>,
    return
  }
  func.func @transform_0(%arg0: i32) -> (i32, i32) {
    %c0_i32 = arith.constant 0 : i32
    %c0_i32_0 = arith.constant 0 : i32
    return %c0_i32, %arg0 : i32, i32
  }
  func.func @transform_1(%arg0: i32) -> (i32, i32) {
    %c0_i32 = arith.constant 0 : i32
    %c0_i32_0 = arith.constant 0 : i32
    return %c0_i32, %arg0 : i32, i32
  }
  func.func @transform_2(%arg0: i32) -> (i32, i32) {
    %c0_i32 = arith.constant 0 : i32
    %c0_i32_0 = arith.constant 0 : i32
    %c0_i32_1 = arith.constant 0 : i32
    return %c0_i32, %c0_i32_0 : i32, i32
  }
  func.func @transform_3(%arg0: i32) -> (i32, i32) {
    %c0_i32 = arith.constant 0 : i32
    %c0_i32_0 = arith.constant 0 : i32
    return %arg0, %c0_i32 : i32, i32
  }
}

</mosaic_0001>

<sc_bundles>
// kernel: kernel.5.cloned.1.call-start
scs
__scs_entry_jumppad:
0x0: {  	(pc) =	sbr.rel $0x88, $3  }
0x1: {  	(tag) =	ssettag $0x0;
	lr =	simm.s32 $0x1  }
0x2: {  	[smem:$0x3F95] =	sst lr;
	_ =	strace $0xD0000000  }
0x3: {  	_ = 	snop  }
0x4: {  	_ = 	snop  }
0x5: {  	_ = 	snop  }
0x6: {  	_ = 	snop  }
0x7: {  	_ = 	snop  }
__scs_overlays_trampoline_lowered:
0x8: {  	[smem:$0x3FA4] =	sst s0  }
0x9: {  	[smem:$0x3FA5] =	sst s1  }
0xa: {  	[smem:$0x3FA6] =	sst s2  }
0xb: {  	[smem:$0x3FA7] =	sst s3  }
0xc: {  	[smem:$0x3FA8] =	sst s4  }
0xd: {  	[smem:$0x3FA9] =	sst s5  }
0xe: {  	[smem:$0x3FAA] =	sst s6  }
0xf: {  	[smem:$0x3FAB] =	sst s7  }
0x10: {  	[smem:$0x3FAC] =	sst s8  }
0x11: {  	[smem:$0x3FAD] =	sst s9;
	s0 =	simm.s32 @!p0 $0x0  }
0x12: {  	s1 =	sld [smem:$0x3F93];
	s0 =	simm.s32 @p0 $0x1  }
0x13: {  	[smem:$0x3FAE] =	sst s0;
	s0 =	simm.s32 @!p1 $0x0  }
0x14: {  	s2 =	sld [smem:$0x3F92];
	s0 =	simm.s32 @p1 $0x1  }
0x15: {  	[smem:$0x3FAF] =	sst s0;
	s0 =	simm.s32 @!p2 $0x0  }
0x16: {  	s3 =	sld [smem:$0x3FDB];
	s0 =	simm.s32 @p2 $0x1  }
0x17: {  	s4 =	simm.s32 $0x1BF5;
	[smem:$0x3FB1] =	sst s0  }
0x18: {  	s0 =	sld [smem:$0x3F94];
	_ =	swait.ge [sflag:s4], $0x0  }
0x19: {  	s7 =	sld [smem:$0x3F95]  }
0x1a: {  	s8 =	sadd.s32 $0xFFFFE003, lr  }
0x1b: {  	s9 =	sadd.s32 $0xFFFFFEF7, lr;
	s5 =	simm.s32 $0xFFFFFFFF;
	p2 =	slt.u32 s8, $0xFFFFF086  }
0x1c: {  	p1 =	slt.u32 s9, $0xF7A;
	s5 =	simm.s32 @!p2 $0x0  }
0x1d: {  	s5 =	simm.s32 @p1 $0x1;
	p0 =	seq.s32 s7, s2  }
0x1e: {  	s7 =	smul.u32 @!p0 $0xF7A, s2;
	p2 =	seq.s32 @!p0 s5, $0x0  }
0x1f: {  	s9 =	smul.u32 $0xF7A, s1;
	s8 =	simm.s32 @!p0 $0x1BF5;
	p2 =	por !p2, p0  }
0x20: {  	[sflag:s8] =	ssyncset.s32 @!p0 $0xFFFFF086;
	s6 =	sadd.s32 @!p0 s3, s7;
	s7 =	simm.s32 @!p0 $0x108  }
0x21: {  	s3 =	sadd.s32 s3, s9;
	s6 =	sadd.s32 @!p0 $0x88, s6;
	s7 =	simm.s32 @p2 $0x1082  }
0x22: {  	[simem:s7], [sflag:s8] =	dma.local @!p0 [hbm:s6], $0xF7A  }
0x23: {  	s9 =	sor.u32 $0xD0000000, s2;
	s6 =	simm.s32 $0x108;
	_ =	swait.ge @!p0 [sflag:s8], $0x0  }
0x24: {  	s3 =	sadd.s32 $0x88, s3;
	s6 =	simm.s32 @!p1 $0x1082;
	[sflag:s4] =	ssyncset.s32 $0xFFFFF086  }
0x25: {  	[simem:s6], [sflag:s4] =	dma.local [hbm:s3], $0xF7A  }
0x26: {  	[smem:$0x3F95] =	sst s1;
	(tag) =	ssettag s2;
	_ =	strace s9  }
0x27: {  	s1 =	sld [smem:$0x3FA5]  }
0x28: {  	s2 =	sld [smem:$0x3FA6]  }
0x29: {  	s4 =	sld [smem:$0x3FA8]  }
0x2a: {  	p0 =	seq.s32 s5, $0x0;
	s5 =	sld [smem:$0x3FA9]  }
0x2b: {  	s6 =	sld [smem:$0x3FAA]  }
0x2c: {  	s7 =	sld [smem:$0x3FAB]  }
0x2d: {  	s3 =	simm.s32 $0x108;
	s8 =	sld [smem:$0x3FAC]  }
0x2e: {  	s3 =	simm.s32 @!p0 $0x1082;
	s9 =	sld [smem:$0x3FAD]  }
0x2f: {  	lr =	sadd.s32 s0, s3;
	s0 =	sld [smem:$0x3FA4]  }
0x30: {  	s3 =	sld [smem:$0x3FA7]  }
0x31: {  	[smem:$0x3FB0] =	sst s10  }
0x32: {  	s10 =	sld [smem:$0x3FAE];
	_ =	sdelay $0x3  }
0x33: {  	p0 =	seq.s32 s10, $0x1;
	s10 =	sld [smem:$0x3FB0];
	_ =	sdelay $0x3  }
0x34: {  	[smem:$0x3FB0] =	sst s10  }
0x35: {  	s10 =	sld [smem:$0x3FAF];
	_ =	sdelay $0x3  }
0x36: {  	p1 =	seq.s32 s10, $0x1;
	s10 =	sld [smem:$0x3FB0];
	_ =	sdelay $0x3  }
0x37: {  	[smem:$0x3FB0] =	sst s10  }
0x38: {  	s10 =	sld [smem:$0x3FB1]  }
0x39: {  	_ = 	snop;
	(pc) =	sbr.ind lr, $3  }
0x3a: {  	_ = 	snop  }
0x3b: {  	_ = 	snop  }
0x3c: {  	p2 =	seq.s32 s10, $0x1;
	s10 =	sld [smem:$0x3FB0]  }
0x3d: {  	_ =	shalt  }
0x3e: {  	_ =	shalt  }
0x3f: {  	_ =	shalt  }
0x40: {  	_ =	shalt  }
0x41: {  	_ =	shalt  }
0x42: {  	_ =	shalt  }
0x43: {  	_ =	shalt  }
0x44: {  	_ =	shalt  }
0x45: {  	_ =	shalt  }
0x46: {  	_ =	shalt  }
0x47: {  	_ =	shalt  }
0x48: {  	_ =	shalt  }
0x49: {  	_ =	shalt  }
0x4a: {  	_ =	shalt  }
0x4b: {  	_ =	shalt  }
0x4c: {  	_ =	shalt  }
0x4d: {  	_ =	shalt  }
0x4e: {  	_ =	shalt  }
0x4f: {  	_ =	shalt  }
0x50: {  	_ =	shalt  }
0x51: {  	_ =	shalt  }
0x52: {  	_ =	shalt  }
0x53: {  	_ =	shalt  }
0x54: {  	_ =	shalt  }
0x55: {  	_ =	shalt  }
0x56: {  	_ =	shalt  }
0x57: {  	_ =	shalt  }
0x58: {  	_ =	shalt  }
0x59: {  	_ =	shalt  }
0x5a: {  	_ =	shalt  }
0x5b: {  	_ =	shalt  }
0x5c: {  	_ =	shalt  }
0x5d: {  	_ =	shalt  }
0x5e: {  	_ =	shalt  }
0x5f: {  	_ =	shalt  }
0x60: {  	_ =	shalt  }
0x61: {  	_ =	shalt  }
0x62: {  	_ =	shalt  }
0x63: {  	_ =	shalt  }
0x64: {  	_ =	shalt  }
0x65: {  	_ =	shalt  }
0x66: {  	_ =	shalt  }
0x67: {  	_ =	shalt  }
0x68: {  	_ =	shalt  }
0x69: {  	_ =	shalt  }
0x6a: {  	_ =	shalt  }
0x6b: {  	_ =	shalt  }
0x6c: {  	_ =	shalt  }
0x6d: {  	_ =	shalt  }
0x6e: {  	_ =	shalt  }
0x6f: {  	_ =	shalt  }
0x70: {  	_ =	shalt  }
0x71: {  	_ =	shalt  }
0x72: {  	_ =	shalt  }
0x73: {  	_ =	shalt  }
0x74: {  	_ =	shalt  }
0x75: {  	_ =	shalt  }
0x76: {  	_ =	shalt  }
0x77: {  	_ =	shalt  }
0x78: {  	_ =	shalt  }
0x79: {  	_ =	shalt  }
0x7a: {  	_ =	shalt  }
0x7b: {  	_ =	shalt  }
0x7c: {  	_ =	shalt  }
0x7d: {  	_ =	shalt  }
0x7e: {  	_ =	shalt  }
0x7f: {  	_ =	shalt  }
0x80: {  	_ =	shalt  }
0x81: {  	_ =	shalt  }
0x82: {  	_ =	shalt  }
0x83: {  	_ =	shalt  }
0x84: {  	_ =	shalt  }
0x85: {  	_ =	shalt  }
0x86: {  	_ =	shalt  }
0x87: {  	_ =	shalt  }
.Lfunc_end0:
.L_simem_size_0:
called_computation_lowered:
.L_overlay_start_0:
0x88: {  	s2 =	sld [smem:$0x3FD9]  }
0x89: {  	s3 =	sld [smem:$0x3FFE];
	_ =	sdelay $0x1  }
0x8a: {  	s1 =	srdreg.scid  }
0x8b: {  	s0 =	sand.u32 $0x1, s1  }
0x8c: {  	s17 =	sshll.u32 s0, $0xA;
	s2 =	sadd.s32 s3, s2  }
0x8d: {  	s2 =	sadd.s32 s2, s17  }
0x8e: {  	[smem:$0x3FBC] =	sst s2  }
0x8f: {  	_ = 	snop  }
0x90: {  	s2 =	sld [smem:$0x3FC9]  }
0x91: {  	s18 =	sld [smem:$0x3FC8]  }
0x92: {  	s4 =	sld [smem:$0x3FC5]  }
0x93: {  	s5 =	sld [smem:$0x3FC4];
	(tm) =	ssettm $0x1  }
0x94: {  	s6 =	sld [smem:$0x3FFB];
	_ =	sdelay $0x3  }
0x95: {  	_ =	strace s6  }
0x96: {  	s6 =	sld [smem:$0x3FFC];
	_ =	sdelay $0x3  }
0x97: {  	_ =	strace s6  }
0x98: {  	s6 =	sld [smem:$0x3FFD];
	_ =	sdelay $0x3  }
0x99: {  	_ =	strace s6  }
0x9a: {  	_ =	strace $0x8FFFFFFF  }
0x9b: {  	s19 =	sld [smem:$0x3FDB];
	_ =	sdelay $0x1  }
0x9c: {  	s7 =	simm.s32 $_scs_section_size  }
0x9d: {  	s8 =	simm.s32 $_size__tile_overlayer_lowered;
	s9 =	simm.s32 $_tile_overlayer_lowered  }
0x9e: {  	s22 =	simm.s32 $0x1BFF;
	s21 =	sshll.u32 s9, $0x1;
	s6 =	sadd.s32 s7, s19  }
0x9f: {  	s10 =	simm.s32 $0x0;
	s20 =	sshll.u32 s8, $0x1;
	s8 =	sadd.s32 s21, s6  }
0xa0: {  	[timem:s10], [sflag:s22] =	dma.local [hbm:s8], s20  }
0xa1: {  	_ =	swait.ge [sflag:s22], s20  }
0xa2: {  	s7 =	ssub.s32 $0x0, s20;
	[sflag:s22] =	ssyncset.done $0x0  }
0xa3: {  	[sflag:s22] =	ssyncadd.s32 s7;
	_ =	sdelay $0x1  }
0xa4: {  	s23 =	simm.s32 $0x1B8B  }
0xa5: {  	_ =	swait.ge [sflag:s23], $0x1  }
0xa6: {  	[sflag:s23] =	ssyncset.done $0x0  }
0xa7: {  	s25 =	simm.s32 $0x1B8E;
	s24 =	sld [smem:$0x3FFE];
	[sflag:s23] =	ssyncadd.s32 $0xFFFFFFFF  }
0xa8: {  	s26 =	simm.s32 $execute0_lowered;
	[smem:$0x3FD2] =	sst s25  }
0xa9: {  	s8 =	sshll.u32 s26, $0x1;
	_ =	strace $0x80000046;
	[dreg:$0x1] =	wrdreg $0xFFFFFFFF  }
0xaa: {  	s28 =	simm.s32 $_size_execute0_lowered;
	s6 =	sadd.s32 s6, s8;
	[dreg:$0x0] =	wrdreg $0x0  }
0xab: {  	s8 =	sshll.u32 s28, $0x1;
	[dreg:$0x2] =	wrdreg s6  }
0xac: {  	[dreg:$0x3] =	wrdreg s8  }
0xad: {  	[dreg:$0x4] =	wrdreg $0xC0  }
0xae: {  	_ =	task [dreg:s10], $0x5FFFF  }
0xaf: {  	[dreg:$0x1] =	wrdreg $0xFFFFFFFF  }
0xb0: {  	[dreg:$0x0] =	wrdreg $0x60  }
0xb1: {  	[dreg:$0x2] =	wrdreg s2  }
0xb2: {  	[dreg:$0x3] =	wrdreg s18  }
0xb3: {  	[dreg:$0x4] =	wrdreg s4  }
0xb4: {  	[dreg:$0x5] =	wrdreg s5  }
0xb5: {  	[dreg:$0x6] =	wrdreg s24  }
0xb6: {  	[dreg:$0x7] =	wrdreg $0x9  }
0xb7: {  	_ =	task.clear_ibuf [dreg:s10], $0x8FFFF;
	_ =	strace $0x90000046  }
0xb8: {  	s29 =	simm.s32 $0x9;
	_ =	strace $0x80000048  }
0xb9: {  	_ =	swait.ge [sflag:s29], $0x1  }
0xba: {  	[sflag:s29] =	ssyncadd.s32 $0xFFFFFFFF  }
0xbb: {  	_ =	strace $0x90000048  }
0xbc: {  	_ =	sfence  }
0xbd: {  	s30 =	sld [smem:$0x0];
	_ =	sdelay $0x2  }
0xbe: {  	s31 =	sshll.u32 s1, $0xD;
	s1 =	sshrl.u32 s1, $0x2  }
0xbf: {  	s3 =	sand.u32 $0x4000, s31;
	s1 =	sadd.s32 s1, s30  }
0xc0: {  	s0 =	sor.u32 s3, s0;
	s1 =	sshll.u32 s1, $0x11  }
0xc1: {  	s0 =	sor.u32 s1, s0  }
0xc2: {  	s0 =	sadd.s32 $0x8F2B, s0  }
0xc3: {  	[sflag:s0] =	ssyncadd.remote.s32 $0x1  }
0xc4: {  	_ =	sfence.sel $0xFFFF  }
0xc5: {  	[dreg:$0x0] =	wrdreg $0xFFFFFFFF;
	(pc) =	sbr.abs _section_cstart, $3  }
0xc6: {  	[dreg:$0x1] =	wrdreg $0xFFFFFFFF  }
0xc7: {  	_ =	task.clear_ibuf [dreg:s10], $0x2FFFF;
	_ =	strace $0x9FFFFFFF  }
0xc8: {  	(tm) =	ssettm $0x7FFFFFFF  }
0xc9: {  	_ =	shalt  }
tec
execute0_lowered:
.L_overlay_start_1:
0x0: {  	(tag) =	ssettag $0x1  }
0x1: {  	s6 =	rddreg [dreg:$0x0]  }
0x2: {  	s7 =	rddreg [dreg:$0x1];
	s0 =	srdreg.scid  }
0x3: {  	s3 =	rddreg [dreg:$0x2];
	s2 =	stileid.u32;
	s1 =	sand.u32 $0x1, s0  }
0x4: {  	s4 =	rddreg [dreg:$0x3];
	s5 =	sshll.u32 s2, $0xA;
	s8 =	sshll.u32 s1, $0x9  }
0x5: {  	s0 =	rddreg [dreg:$0x4];
	s2 =	simm.s32 $0x0;
	s8 =	sor.u32 s8, s5  }
0x6: {  	[smem:$0x7FF] =	sst s2;
	s9 =	sshrl.u32 s8, $0x3  }
0x7: {  	_ =	strace $0x80000047;
	s5 =	sadd.s32 $0x208200, s0;
	s6 =	sadd.s32 s6, s9  }
0x8: {  	s7 =	sadd.s32 s7, s9;
	s9 =	sshll.u32 s8, $0x4;
	[dreg:$0x6] =	wrdreg s6  }
0x9: {  	s6 =	sadd.s32 $0x248200, s0;
	[dreg:$0x7] =	wrdreg s7;
	s8 =	sadd.s32 s5, s9  }
0xa: {  	s7 =	sadd.s32 $0x188200, s0;
	[dreg:$0x8] =	wrdreg s8;
	s10 =	sadd.s32 s6, s9  }
0xb: {  	s11 =	sor.u32 $0x400, s9;
	s20 =	sadd.s32 s7, s9;
	[dreg:$0x9] =	wrdreg s10  }
0xc: {  	s22 =	sadd.s32 s5, s11;
	[dreg:$0xa] =	wrdreg s20  }
0xd: {  	s31 =	simm.s32 $0x200;
	s23 =	sadd.s32 s6, s11;
	[dreg:$0xc] =	wrdreg s22  }
0xe: {  	s26 =	sor.u32 $0x800, s9;
	s24 =	sadd.s32 s7, s11;
	[dreg:$0xd] =	wrdreg s23  }
0xf: {  	s29 =	simm.s32 $0x80;
	s12 =	sadd.s32 s5, s26;
	[dreg:$0xe] =	wrdreg s24  }
0x10: {  	s30 =	simm.s32 $0x280;
	s13 =	sadd.s32 s6, s26;
	[dreg:$0x10] =	wrdreg s12  }
0x11: {  	s16 =	sor.u32 $0xC00, s9;
	s14 =	sadd.s32 s7, s26;
	[dreg:$0x11] =	wrdreg s13  }
0x12: {  	s28 =	simm.s32 $0x2C0;
	s17 =	sadd.s32 s5, s16;
	[dreg:$0x12] =	wrdreg s14  }
0x13: {  	p0 =	por $0x0, $0x0;
	s18 =	sadd.s32 s6, s16;
	[dreg:$0x14] =	wrdreg s17  }
0x14: {  	s8 =	sadd.s32 $0x1C8200, s0;
	s19 =	sadd.s32 s7, s16;
	[dreg:$0x15] =	wrdreg s18  }
0x15: {  	s1 =	ssub.s32 $0x2, s1;
	s21 =	sadd.s32 s8, s9;
	[dreg:$0x16] =	wrdreg s19  }
0x16: {  	s25 =	sadd.s32 s8, s11;
	s15 =	sadd.s32 s8, s26;
	[dreg:$0xb] =	wrdreg s21  }
0x17: {  	s20 =	sadd.s32 s8, s16;
	s26 =	sor.u32 $0x1400, s9;
	[dreg:$0xf] =	wrdreg s25  }
0x18: {  	s16 =	sor.u32 $0x1800, s9;
	s11 =	simm.s32 $0x40;
	[dreg:$0x13] =	wrdreg s15  }
0x19: {  	s10 =	simm.s32 $0x6400;
	[dreg:$0x17] =	wrdreg s20;
	s12 =	sadd.s32 s5, s26  }
0x1a: {  	s21 =	sor.u32 $0x1000, s9;
	s13 =	sadd.s32 s6, s26;
	[dreg:$0x1c] =	wrdreg s12  }
0x1b: {  	s14 =	sadd.s32 s7, s26;
	s15 =	sadd.s32 s8, s26;
	[dreg:$0x1d] =	wrdreg s13  }
0x1c: {  	s17 =	sadd.s32 s5, s16;
	s18 =	sadd.s32 s6, s16;
	[dreg:$0x1e] =	wrdreg s14  }
0x1d: {  	s19 =	sadd.s32 s7, s16;
	s20 =	sadd.s32 s8, s16;
	[dreg:$0x1f] =	wrdreg s15  }
0x1e: {  	s9 =	sor.u32 $0x1C00, s9;
	s26 =	simm.s32 $0xC0;
	[smem:$0x7F6] =	sst s17  }
0x1f: {  	s16 =	simm.s32 $0x1C0;
	s22 =	sadd.s32 s5, s21;
	[smem:$0x7F7] =	sst s18  }
0x20: {  	s23 =	sadd.s32 s6, s21;
	s24 =	sadd.s32 s7, s21;
	[smem:$0x7F8] =	sst s19  }
0x21: {  	s25 =	sadd.s32 s8, s21;
	[smem:$0x7F9] =	sst s20;
	s5 =	sadd.s32 s5, s9  }
0x22: {  	s21 =	sadd.s32 s6, s9;
	s18 =	simm.s32 $0x400;
	s15 =	rddreg [dreg:$0x6]  }
0x23: {  	s17 =	simm.s32 $0x4400;
	s14 =	simm.s32 $0x8400;
	[dreg:$0x18] =	wrdreg s22  }
0x24: {  	s13 =	simm.s32 $0xC400;
	s6 =	simm.s32 $0x1;
	[dreg:$0x19] =	wrdreg s23  }
0x25: {  	s12 =	simm.s32 $0x2400;
	[dreg:$0x1a] =	wrdreg s24;
	s22 =	sshrl.u32 s1, $0x1  }
0x26: {  	s20 =	simm.s32 $0x180;
	[dreg:$0x1b] =	wrdreg s25;
	s1 =	ssub.s32 s1, s22  }
0x27: {  	s19 =	simm.s32 $0x3C0;
	[smem:$0x7FA] =	sst s5;
	s25 =	smax.u32 s1, $0x1  }
0x28: {  	[smem:$0x7FB] =	sst s21;
	s23 =	sadd.s32 s7, s9;
	p1 =	sne.s32 s25, $0x1  }
.Ltmp0:
0x29: {  	s24 =	sadd.s32 s8, s9;
	s9 =	sadd.s32 $0x1800, s0;
	(pc) =	sbr.rel @!p1 .LBB2_3-.Ltmp0, $4  }
0x2a: {  	s8 =	simm.s32 $0xA400;
	s7 =	simm.s32 $0xE400;
	[smem:$0x7FC] =	sst s23  }
0x2b: {  	s5 =	simm.s32 $0x2;
	s21 =	simm.s32 $0x380;
	[smem:$0x7FD] =	sst s24  }
0x2c: {  	s24 =	simm.s32 $0x100;
	s22 =	simm.s32 $0x140;
	s23 =	simm.s32 $0x340  }
0x2d: {  	s1 =	simm.s32 $0x3;
	s0 =	sadd.s32 $0xFFFFFFFF, s25;
	s25 =	simm.s32 $0x300  }
0x2e: {  	[tilespmem:s2], [sflag:$0x3] =	stream.linear.gather [hbm4b:s15+s2], $0x200, $0x38;
	[tilespmem:$0x10400] =	vst v63  }
0x2f: {  	_ =	swait.ge [sflag:s1], $0x200  }
0x30: {  	[sflag:s1] =	ssyncset.done $0x0  }
0x31: {  	s15 =	rddreg [dreg:$0x7];
	[sflag:s1] =	ssyncadd.s32 $0xFFFFFE00  }
0x32: {  	[tilespmem:s31], [sflag:$0x3] =	stream.linear.gather [hbm4b:s15+s2], $0x200, $0x38;
	[tilespmem:$0x10400] =	vst v63  }
0x33: {  	_ =	swait.ge [sflag:s1], $0x200  }
0x34: {  	[sflag:s1] =	ssyncset.done $0x0  }
0x35: {  	[sflag:s1] =	ssyncadd.s32 $0xFFFFFE00  }
0x36: {  	[tilespmem:s18], [sflag:$0x1] =	stream.indirect.gather [hbm4b:s3+s11], $0x80, s2, s11, $0xb8;
	[tilespmem:$0x10400] =	vst v63  }
0x37: {  	_ = 	snop  }
0x38: {  	[tilespmem:s17], [sflag:$0x1] =	stream.indirect.gather [hbm4b:s4+s11], $0x80, s31, s11, $0xb8;
	[tilespmem:$0x10400] =	vst v63  }
0x39: {  	_ = 	snop  }
0x3a: {  	[tilespmem:s14], [sflag:$0x1] =	stream.indirect.gather [hbm4b:s9+s11], $0x80, s2, s11, $0xb8;
	[tilespmem:$0x10400] =	vst v63  }
0x3b: {  	_ = 	snop  }
0x3c: {  	[tilespmem:s13], [sflag:$0x1] =	stream.indirect.gather [hbm4b:s9+s11], $0x80, s31, s11, $0xb8;
	[tilespmem:$0x10400] =	vst v63  }
0x3d: {  	_ =	swait.ge [sflag:s6], $0x2000  }
0x3e: {  	[sflag:s6] =	ssyncset.done $0x0  }
0x3f: {  	s15 =	rddreg [dreg:$0x8];
	[sflag:s6] =	ssyncadd.s32 $0xFFFFE000  }
0x40: {  	[hbm4b:s15+s2] =	stream.linear.scatter [tilespmem:s18], [sflag:$0x2], $0x2000, $0x38;
	[tilespmem:$0x10400] =	vst v63  }
0x41: {  	_ =	swait.ge [sflag:s6], $0x2000  }
0x42: {  	[sflag:s6] =	ssyncset.done $0x0  }
0x43: {  	s15 =	rddreg [dreg:$0x9];
	[sflag:s6] =	ssyncadd.s32 $0xFFFFE000  }
0x44: {  	[hbm4b:s15+s2] =	stream.linear.scatter [tilespmem:s17], [sflag:$0x2], $0x2000, $0x38;
	[tilespmem:$0x10400] =	vst v63  }
0x45: {  	_ =	swait.ge [sflag:s6], $0x2000  }
0x46: {  	[sflag:s6] =	ssyncset.done $0x0  }
0x47: {  	s15 =	rddreg [dreg:$0xa];
	[sflag:s6] =	ssyncadd.s32 $0xFFFFE000  }
0x48: {  	[hbm4b:s15+s2] =	stream.linear.scatter [tilespmem:s14], [sflag:$0x2], $0x2000, $0x38;
	[tilespmem:$0x10400] =	vst v63  }
0x49: {  	_ =	swait.ge [sflag:s6], $0x2000  }
0x4a: {  	[sflag:s6] =	ssyncset.done $0x0  }
0x4b: {  	s15 =	rddreg [dreg:$0xb];
	[sflag:s6] =	ssyncadd.s32 $0xFFFFE000  }
0x4c: {  	[hbm4b:s15+s2] =	stream.linear.scatter [tilespmem:s13], [sflag:$0x2], $0x2000, $0x38;
	[tilespmem:$0x10400] =	vst v63  }
0x4d: {  	_ = 	snop  }
0x4e: {  	[tilespmem:s12], [sflag:$0x1] =	stream.indirect.gather [hbm4b:s3+s11], $0x80, s11, s11, $0xb8;
	[tilespmem:$0x10400] =	vst v63  }
0x4f: {  	s15 =	simm.s32 $0x240  }
0x50: {  	[tilespmem:s10], [sflag:$0x1] =	stream.indirect.gather [hbm4b:s4+s11], $0x80, s15, s11, $0xb8;
	[tilespmem:$0x10400] =	vst v63  }
0x51: {  	_ = 	snop  }
0x52: {  	[tilespmem:s8], [sflag:$0x1] =	stream.indirect.gather [hbm4b:s9+s11], $0x80, s11, s11, $0xb8;
	[tilespmem:$0x10400] =	vst v63  }
0x53: {  	_ = 	snop  }
0x54: {  	[tilespmem:s7], [sflag:$0x1] =	stream.indirect.gather [hbm4b:s9+s11], $0x80, s15, s11, $0xb8;
	[tilespmem:$0x10400] =	vst v63  }
0x55: {  	_ =	swait.ge [sflag:s6], $0x2000  }
0x56: {  	[sflag:s6] =	ssyncset.done $0x0  }
0x57: {  	s15 =	rddreg [dreg:$0xc];
	[sflag:s6] =	ssyncadd.s32 $0xFFFFE000  }
0x58: {  	[hbm4b:s15+s2] =	stream.linear.scatter [tilespmem:s12], [sflag:$0x2], $0x2000, $0x38;
	[tilespmem:$0x10400] =	vst v63  }
0x59: {  	_ =	swait.ge [sflag:s6], $0x2000  }
0x5a: {  	[sflag:s6] =	ssyncset.done $0x0  }
0x5b: {  	s15 =	rddreg [dreg:$0xd];
	[sflag:s6] =	ssyncadd.s32 $0xFFFFE000  }
0x5c: {  	[hbm4b:s15+s2] =	stream.linear.scatter [tilespmem:s10], [sflag:$0x2], $0x2000, $0x38;
	[tilespmem:$0x10400] =	vst v63  }
0x5d: {  	_ =	swait.ge [sflag:s6], $0x2000  }
0x5e: {  	[sflag:s6] =	ssyncset.done $0x0  }
0x5f: {  	s15 =	rddreg [dreg:$0xe];
	[sflag:s6] =	ssyncadd.s32 $0xFFFFE000  }
0x60: {  	[hbm4b:s15+s2] =	stream.linear.scatter [tilespmem:s8], [sflag:$0x2], $0x2000, $0x38;
	[tilespmem:$0x10400] =	vst v63  }
0x61: {  	_ =	swait.ge [sflag:s6], $0x2000  }
0x62: {  	[sflag:s6] =	ssyncset.done $0x0  }
0x63: {  	s15 =	rddreg [dreg:$0xf];
	[sflag:s6] =	ssyncadd.s32 $0xFFFFE000  }
0x64: {  	[hbm4b:s15+s2] =	stream.linear.scatter [tilespmem:s7], [sflag:$0x2], $0x2000, $0x38;
	[tilespmem:$0x10400] =	vst v63  }
0x65: {  	_ =	swait.ge [sflag:s5], $0x2000  }
0x66: {  	[sflag:s5] =	ssyncset.done $0x0  }
0x67: {  	[sflag:s5] =	ssyncadd.s32 $0xFFFFE000  }
0x68: {  	_ =	swait.ge [sflag:s5], $0x2000  }
0x69: {  	[sflag:s5] =	ssyncset.done $0x0  }
0x6a: {  	[sflag:s5] =	ssyncadd.s32 $0xFFFFE000  }
0x6b: {  	_ =	swait.ge [sflag:s5], $0x2000  }
0x6c: {  	[sflag:s5] =	ssyncset.done $0x0  }
0x6d: {  	[sflag:s5] =	ssyncadd.s32 $0xFFFFE000  }
0x6e: {  	_ =	swait.ge [sflag:s5], $0x2000  }
0x6f: {  	[sflag:s5] =	ssyncset.done $0x0  }
0x70: {  	[sflag:s5] =	ssyncadd.s32 $0xFFFFE000  }
0x71: {  	[tilespmem:s18], [sflag:$0x1] =	stream.indirect.gather [hbm4b:s3+s11], $0x80, s29, s11, $0xb8;
	[tilespmem:$0x10400] =	vst v63  }
0x72: {  	_ = 	snop  }
0x73: {  	[tilespmem:s17], [sflag:$0x1] =	stream.indirect.gather [hbm4b:s4+s11], $0x80, s30, s11, $0xb8;
	[tilespmem:$0x10400] =	vst v63  }
0x74: {  	_ = 	snop  }
0x75: {  	[tilespmem:s14], [sflag:$0x1] =	stream.indirect.gather [hbm4b:s9+s11], $0x80, s29, s11, $0xb8;
	[tilespmem:$0x10400] =	vst v63  }
0x76: {  	_ = 	snop  }
0x77: {  	[tilespmem:s13], [sflag:$0x1] =	stream.indirect.gather [hbm4b:s9+s11], $0x80, s30, s11, $0xb8;
	[tilespmem:$0x10400] =	vst v63  }
0x78: {  	_ =	swait.ge [sflag:s6], $0x2000  }
0x79: {  	[sflag:s6] =	ssyncset.done $0x0  }
0x7a: {  	s15 =	rddreg [dreg:$0x10];
	[sflag:s6] =	ssyncadd.s32 $0xFFFFE000  }
0x7b: {  	[hbm4b:s15+s2] =	stream.linear.scatter [tilespmem:s18], [sflag:$0x2], $0x2000, $0x38;
	[tilespmem:$0x10400] =	vst v63  }
0x7c: {  	_ =	swait.ge [sflag:s6], $0x2000  }
0x7d: {  	[sflag:s6] =	ssyncset.done $0x0  }
0x7e: {  	s15 =	rddreg [dreg:$0x11];
	[sflag:s6] =	ssyncadd.s32 $0xFFFFE000  }
0x7f: {  	[hbm4b:s15+s2] =	stream.linear.scatter [tilespmem:s17], [sflag:$0x2], $0x2000, $0x38;
	[tilespmem:$0x10400] =	vst v63  }
0x80: {  	_ =	swait.ge [sflag:s6], $0x2000  }
0x81: {  	[sflag:s6] =	ssyncset.done $0x0  }
0x82: {  	s15 =	rddreg [dreg:$0x12];
	[sflag:s6] =	ssyncadd.s32 $0xFFFFE000  }
0x83: {  	[hbm4b:s15+s2] =	stream.linear.scatter [tilespmem:s14], [sflag:$0x2], $0x2000, $0x38;
	[tilespmem:$0x10400] =	vst v63  }
0x84: {  	_ =	swait.ge [sflag:s6], $0x2000  }
0x85: {  	[sflag:s6] =	ssyncset.done $0x0  }
0x86: {  	s15 =	rddreg [dreg:$0x13];
	[sflag:s6] =	ssyncadd.s32 $0xFFFFE000  }
0x87: {  	[hbm4b:s15+s2] =	stream.linear.scatter [tilespmem:s13], [sflag:$0x2], $0x2000, $0x38;
	[tilespmem:$0x10400] =	vst v63  }
0x88: {  	_ =	swait.ge [sflag:s5], $0x2000  }
0x89: {  	[sflag:s5] =	ssyncset.done $0x0  }
0x8a: {  	[sflag:s5] =	ssyncadd.s32 $0xFFFFE000  }
0x8b: {  	_ =	swait.ge [sflag:s5], $0x2000  }
0x8c: {  	[sflag:s5] =	ssyncset.done $0x0  }
0x8d: {  	[sflag:s5] =	ssyncadd.s32 $0xFFFFE000  }
0x8e: {  	_ =	swait.ge [sflag:s5], $0x2000  }
0x8f: {  	[sflag:s5] =	ssyncset.done $0x0  }
0x90: {  	[sflag:s5] =	ssyncadd.s32 $0xFFFFE000  }
0x91: {  	_ =	swait.ge [sflag:s5], $0x2000  }
0x92: {  	[sflag:s5] =	ssyncset.done $0x0  }
0x93: {  	[sflag:s5] =	ssyncadd.s32 $0xFFFFE000  }
0x94: {  	[tilespmem:s12], [sflag:$0x1] =	stream.indirect.gather [hbm4b:s3+s11], $0x80, s26, s11, $0xb8;
	[tilespmem:$0x10400] =	vst v63  }
0x95: {  	_ = 	snop  }
0x96: {  	[tilespmem:s10], [sflag:$0x1] =	stream.indirect.gather [hbm4b:s4+s11], $0x80, s28, s11, $0xb8;
	[tilespmem:$0x10400] =	vst v63  }
0x97: {  	_ = 	snop  }
0x98: {  	[tilespmem:s8], [sflag:$0x1] =	stream.indirect.gather [hbm4b:s9+s11], $0x80, s26, s11, $0xb8;
	[tilespmem:$0x10400] =	vst v63  }
0x99: {  	_ = 	snop  }
0x9a: {  	[tilespmem:s7], [sflag:$0x1] =	stream.indirect.gather [hbm4b:s9+s11], $0x80, s28, s11, $0xb8;
	[tilespmem:$0x10400] =	vst v63  }
0x9b: {  	_ =	swait.ge [sflag:s6], $0x2000  }
0x9c: {  	[sflag:s6] =	ssyncset.done $0x0  }
0x9d: {  	s15 =	rddreg [dreg:$0x14];
	[sflag:s6] =	ssyncadd.s32 $0xFFFFE000  }
0x9e: {  	[hbm4b:s15+s2] =	stream.linear.scatter [tilespmem:s12], [sflag:$0x2], $0x2000, $0x38;
	[tilespmem:$0x10400] =	vst v63  }
0x9f: {  	_ =	swait.ge [sflag:s6], $0x2000  }
0xa0: {  	[sflag:s6] =	ssyncset.done $0x0  }
0xa1: {  	s15 =	rddreg [dreg:$0x15];
	[sflag:s6] =	ssyncadd.s32 $0xFFFFE000  }
0xa2: {  	[hbm4b:s15+s2] =	stream.linear.scatter [tilespmem:s10], [sflag:$0x2], $0x2000, $0x38;
	[tilespmem:$0x10400] =	vst v63  }
0xa3: {  	_ =	swait.ge [sflag:s6], $0x2000  }
0xa4: {  	[sflag:s6] =	ssyncset.done $0x0  }
0xa5: {  	s15 =	rddreg [dreg:$0x16];
	[sflag:s6] =	ssyncadd.s32 $0xFFFFE000  }
0xa6: {  	[hbm4b:s15+s2] =	stream.linear.scatter [tilespmem:s8], [sflag:$0x2], $0x2000, $0x38;
	[tilespmem:$0x10400] =	vst v63  }
0xa7: {  	_ =	swait.ge [sflag:s6], $0x2000  }
0xa8: {  	[sflag:s6] =	ssyncset.done $0x0  }
0xa9: {  	s15 =	rddreg [dreg:$0x17];
	[sflag:s6] =	ssyncadd.s32 $0xFFFFE000  }
0xaa: {  	[hbm4b:s15+s2] =	stream.linear.scatter [tilespmem:s7], [sflag:$0x2], $0x2000, $0x38;
	[tilespmem:$0x10400] =	vst v63  }
0xab: {  	_ =	swait.ge [sflag:s5], $0x2000  }
0xac: {  	[sflag:s5] =	ssyncset.done $0x0  }
0xad: {  	[sflag:s5] =	ssyncadd.s32 $0xFFFFE000  }
0xae: {  	_ =	swait.ge [sflag:s5], $0x2000  }
0xaf: {  	[sflag:s5] =	ssyncset.done $0x0  }
0xb0: {  	[sflag:s5] =	ssyncadd.s32 $0xFFFFE000  }
0xb1: {  	_ =	swait.ge [sflag:s5], $0x2000  }
0xb2: {  	[sflag:s5] =	ssyncset.done $0x0  }
0xb3: {  	[sflag:s5] =	ssyncadd.s32 $0xFFFFE000  }
0xb4: {  	_ =	swait.ge [sflag:s5], $0x2000  }
0xb5: {  	[sflag:s5] =	ssyncset.done $0x0  }
0xb6: {  	[sflag:s5] =	ssyncadd.s32 $0xFFFFE000  }
0xb7: {  	[tilespmem:s18], [sflag:$0x1] =	stream.indirect.gather [hbm4b:s3+s11], $0x80, s24, s11, $0xb8;
	[tilespmem:$0x10400] =	vst v63  }
0xb8: {  	_ = 	snop  }
0xb9: {  	[tilespmem:s17], [sflag:$0x1] =	stream.indirect.gather [hbm4b:s4+s11], $0x80, s25, s11, $0xb8;
	[tilespmem:$0x10400] =	vst v63  }
0xba: {  	_ = 	snop  }
0xbb: {  	[tilespmem:s14], [sflag:$0x1] =	stream.indirect.gather [hbm4b:s9+s11], $0x80, s24, s11, $0xb8;
	[tilespmem:$0x10400] =	vst v63  }
0xbc: {  	_ = 	snop  }
0xbd: {  	[tilespmem:s13], [sflag:$0x1] =	stream.indirect.gather [hbm4b:s9+s11], $0x80, s25, s11, $0xb8;
	[tilespmem:$0x10400] =	vst v63  }
0xbe: {  	_ =	swait.ge [sflag:s6], $0x2000  }
0xbf: {  	[sflag:s6] =	ssyncset.done $0x0  }
0xc0: {  	s15 =	rddreg [dreg:$0x18];
	[sflag:s6] =	ssyncadd.s32 $0xFFFFE000  }
0xc1: {  	[hbm4b:s15+s2] =	stream.linear.scatter [tilespmem:s18], [sflag:$0x2], $0x2000, $0x38;
	[tilespmem:$0x10400] =	vst v63  }
0xc2: {  	_ =	swait.ge [sflag:s6], $0x2000  }
0xc3: {  	[sflag:s6] =	ssyncset.done $0x0  }
0xc4: {  	s15 =	rddreg [dreg:$0x19];
	[sflag:s6] =	ssyncadd.s32 $0xFFFFE000  }
0xc5: {  	[hbm4b:s15+s2] =	stream.linear.scatter [tilespmem:s17], [sflag:$0x2], $0x2000, $0x38;
	[tilespmem:$0x10400] =	vst v63  }
0xc6: {  	_ =	swait.ge [sflag:s6], $0x2000  }
0xc7: {  	[sflag:s6] =	ssyncset.done $0x0  }
0xc8: {  	s15 =	rddreg [dreg:$0x1a];
	[sflag:s6] =	ssyncadd.s32 $0xFFFFE000  }
0xc9: {  	[hbm4b:s15+s2] =	stream.linear.scatter [tilespmem:s14], [sflag:$0x2], $0x2000, $0x38;
	[tilespmem:$0x10400] =	vst v63  }
0xca: {  	_ =	swait.ge [sflag:s6], $0x2000  }
0xcb: {  	[sflag:s6] =	ssyncset.done $0x0  }
0xcc: {  	s15 =	rddreg [dreg:$0x1b];
	[sflag:s6] =	ssyncadd.s32 $0xFFFFE000  }
0xcd: {  	[hbm4b:s15+s2] =	stream.linear.scatter [tilespmem:s13], [sflag:$0x2], $0x2000, $0x38;
	[tilespmem:$0x10400] =	vst v63  }
0xce: {  	_ =	swait.ge [sflag:s5], $0x2000  }
0xcf: {  	[sflag:s5] =	ssyncset.done $0x0  }
0xd0: {  	[sflag:s5] =	ssyncadd.s32 $0xFFFFE000  }
0xd1: {  	_ =	swait.ge [sflag:s5], $0x2000  }
0xd2: {  	[sflag:s5] =	ssyncset.done $0x0  }
0xd3: {  	[sflag:s5] =	ssyncadd.s32 $0xFFFFE000  }
0xd4: {  	_ =	swait.ge [sflag:s5], $0x2000  }
0xd5: {  	[sflag:s5] =	ssyncset.done $0x0  }
0xd6: {  	[sflag:s5] =	ssyncadd.s32 $0xFFFFE000  }
0xd7: {  	_ =	swait.ge [sflag:s5], $0x2000  }
0xd8: {  	[sflag:s5] =	ssyncset.done $0x0  }
0xd9: {  	[sflag:s5] =	ssyncadd.s32 $0xFFFFE000  }
0xda: {  	[tilespmem:s12], [sflag:$0x1] =	stream.indirect.gather [hbm4b:s3+s11], $0x80, s22, s11, $0xb8;
	[tilespmem:$0x10400] =	vst v63  }
0xdb: {  	_ = 	snop  }
0xdc: {  	[tilespmem:s10], [sflag:$0x1] =	stream.indirect.gather [hbm4b:s4+s11], $0x80, s23, s11, $0xb8;
	[tilespmem:$0x10400] =	vst v63  }
0xdd: {  	_ = 	snop  }
0xde: {  	[tilespmem:s8], [sflag:$0x1] =	stream.indirect.gather [hbm4b:s9+s11], $0x80, s22, s11, $0xb8;
	[tilespmem:$0x10400] =	vst v63  }
0xdf: {  	_ = 	snop  }
0xe0: {  	[tilespmem:s7], [sflag:$0x1] =	stream.indirect.gather [hbm4b:s9+s11], $0x80, s23, s11, $0xb8;
	[tilespmem:$0x10400] =	vst v63  }
0xe1: {  	_ =	swait.ge [sflag:s6], $0x2000  }
0xe2: {  	[sflag:s6] =	ssyncset.done $0x0  }
0xe3: {  	s15 =	rddreg [dreg:$0x1c];
	[sflag:s6] =	ssyncadd.s32 $0xFFFFE000  }
0xe4: {  	[hbm4b:s15+s2] =	stream.linear.scatter [tilespmem:s12], [sflag:$0x2], $0x2000, $0x38;
	[tilespmem:$0x10400] =	vst v63  }
0xe5: {  	_ =	swait.ge [sflag:s6], $0x2000  }
0xe6: {  	[sflag:s6] =	ssyncset.done $0x0  }
0xe7: {  	s15 =	rddreg [dreg:$0x1d];
	[sflag:s6] =	ssyncadd.s32 $0xFFFFE000  }
0xe8: {  	[hbm4b:s15+s2] =	stream.linear.scatter [tilespmem:s10], [sflag:$0x2], $0x2000, $0x38;
	[tilespmem:$0x10400] =	vst v63  }
0xe9: {  	_ =	swait.ge [sflag:s6], $0x2000  }
0xea: {  	[sflag:s6] =	ssyncset.done $0x0  }
0xeb: {  	s15 =	rddreg [dreg:$0x1e];
	[sflag:s6] =	ssyncadd.s32 $0xFFFFE000  }
0xec: {  	[hbm4b:s15+s2] =	stream.linear.scatter [tilespmem:s8], [sflag:$0x2], $0x2000, $0x38;
	[tilespmem:$0x10400] =	vst v63  }
0xed: {  	_ =	swait.ge [sflag:s6], $0x2000  }
0xee: {  	[sflag:s6] =	ssyncset.done $0x0  }
0xef: {  	s15 =	rddreg [dreg:$0x1f];
	[sflag:s6] =	ssyncadd.s32 $0xFFFFE000  }
0xf0: {  	[hbm4b:s15+s2] =	stream.linear.scatter [tilespmem:s7], [sflag:$0x2], $0x2000, $0x38;
	[tilespmem:$0x10400] =	vst v63  }
0xf1: {  	_ =	swait.ge [sflag:s5], $0x2000  }
0xf2: {  	[sflag:s5] =	ssyncset.done $0x0  }
0xf3: {  	[sflag:s5] =	ssyncadd.s32 $0xFFFFE000  }
0xf4: {  	_ =	swait.ge [sflag:s5], $0x2000  }
0xf5: {  	[sflag:s5] =	ssyncset.done $0x0  }
0xf6: {  	[sflag:s5] =	ssyncadd.s32 $0xFFFFE000  }
0xf7: {  	_ =	swait.ge [sflag:s5], $0x2000  }
0xf8: {  	[sflag:s5] =	ssyncset.done $0x0  }
0xf9: {  	[sflag:s5] =	ssyncadd.s32 $0xFFFFE000  }
0xfa: {  	_ =	swait.ge [sflag:s5], $0x2000  }
0xfb: {  	[sflag:s5] =	ssyncset.done $0x0  }
0xfc: {  	[sflag:s5] =	ssyncadd.s32 $0xFFFFE000  }
0xfd: {  	[tilespmem:s18], [sflag:$0x1] =	stream.indirect.gather [hbm4b:s3+s11], $0x80, s20, s11, $0xb8;
	[tilespmem:$0x10400] =	vst v63  }
0xfe: {  	_ = 	snop  }
0xff: {  	[tilespmem:s17], [sflag:$0x1] =	stream.indirect.gather [hbm4b:s4+s11], $0x80, s21, s11, $0xb8;
	[tilespmem:$0x10400] =	vst v63  }
0x100: {  	_ = 	snop  }
0x101: {  	[tilespmem:s14], [sflag:$0x1] =	stream.indirect.gather [hbm4b:s9+s11], $0x80, s20, s11, $0xb8;
	[tilespmem:$0x10400] =	vst v63  }
0x102: {  	_ = 	snop  }
0x103: {  	[tilespmem:s13], [sflag:$0x1] =	stream.indirect.gather [hbm4b:s9+s11], $0x80, s21, s11, $0xb8;
	[tilespmem:$0x10400] =	vst v63  }
0x104: {  	_ =	swait.ge [sflag:s6], $0x2000  }
0x105: {  	s15 =	sld [smem:$0x7F6]  }
0x106: {  	[sflag:s6] =	ssyncset.done $0x0  }
0x107: {  	[sflag:s6] =	ssyncadd.s32 $0xFFFFE000  }
0x108: {  	[hbm4b:s15+s2] =	stream.linear.scatter [tilespmem:s18], [sflag:$0x2], $0x2000, $0x38;
	[tilespmem:$0x10400] =	vst v63  }
0x109: {  	_ =	swait.ge [sflag:s6], $0x2000  }
0x10a: {  	s15 =	sld [smem:$0x7F7]  }
0x10b: {  	[sflag:s6] =	ssyncset.done $0x0  }
0x10c: {  	[sflag:s6] =	ssyncadd.s32 $0xFFFFE000  }
0x10d: {  	[hbm4b:s15+s2] =	stream.linear.scatter [tilespmem:s17], [sflag:$0x2], $0x2000, $0x38;
	[tilespmem:$0x10400] =	vst v63  }
0x10e: {  	_ =	swait.ge [sflag:s6], $0x2000  }
0x10f: {  	s15 =	sld [smem:$0x7F8]  }
0x110: {  	[sflag:s6] =	ssyncset.done $0x0  }
0x111: {  	[sflag:s6] =	ssyncadd.s32 $0xFFFFE000  }
0x112: {  	[hbm4b:s15+s2] =	stream.linear.scatter [tilespmem:s14], [sflag:$0x2], $0x2000, $0x38;
	[tilespmem:$0x10400] =	vst v63  }
0x113: {  	_ =	swait.ge [sflag:s6], $0x2000  }
0x114: {  	s15 =	sld [smem:$0x7F9]  }
0x115: {  	[sflag:s6] =	ssyncset.done $0x0  }
0x116: {  	[sflag:s6] =	ssyncadd.s32 $0xFFFFE000  }
0x117: {  	[hbm4b:s15+s2] =	stream.linear.scatter [tilespmem:s13], [sflag:$0x2], $0x2000, $0x38;
	[tilespmem:$0x10400] =	vst v63  }
0x118: {  	_ =	swait.ge [sflag:s5], $0x2000  }
0x119: {  	[sflag:s5] =	ssyncset.done $0x0  }
0x11a: {  	[sflag:s5] =	ssyncadd.s32 $0xFFFFE000  }
0x11b: {  	_ =	swait.ge [sflag:s5], $0x2000  }
0x11c: {  	[sflag:s5] =	ssyncset.done $0x0  }
0x11d: {  	[sflag:s5] =	ssyncadd.s32 $0xFFFFE000  }
0x11e: {  	_ =	swait.ge [sflag:s5], $0x2000  }
0x11f: {  	[sflag:s5] =	ssyncset.done $0x0  }
0x120: {  	[sflag:s5] =	ssyncadd.s32 $0xFFFFE000  }
0x121: {  	_ =	swait.ge [sflag:s5], $0x2000  }
0x122: {  	[sflag:s5] =	ssyncset.done $0x0  }
0x123: {  	[sflag:s5] =	ssyncadd.s32 $0xFFFFE000  }
0x124: {  	[tilespmem:s12], [sflag:$0x1] =	stream.indirect.gather [hbm4b:s3+s11], $0x80, s16, s11, $0xb8;
	[tilespmem:$0x10400] =	vst v63  }
0x125: {  	_ = 	snop  }
0x126: {  	[tilespmem:s10], [sflag:$0x1] =	stream.indirect.gather [hbm4b:s4+s11], $0x80, s19, s11, $0xb8;
	[tilespmem:$0x10400] =	vst v63  }
0x127: {  	_ = 	snop  }
0x128: {  	[tilespmem:s8], [sflag:$0x1] =	stream.indirect.gather [hbm4b:s9+s11], $0x80, s16, s11, $0xb8;
	[tilespmem:$0x10400] =	vst v63  }
0x129: {  	_ = 	snop  }
0x12a: {  	[tilespmem:s7], [sflag:$0x1] =	stream.indirect.gather [hbm4b:s9+s11], $0x80, s19, s11, $0xb8;
	[tilespmem:$0x10400] =	vst v63  }
0x12b: {  	_ =	swait.ge [sflag:s6], $0x2000  }
0x12c: {  	s15 =	sld [smem:$0x7FA]  }
0x12d: {  	[sflag:s6] =	ssyncset.done $0x0  }
0x12e: {  	[sflag:s6] =	ssyncadd.s32 $0xFFFFE000  }
0x12f: {  	[hbm4b:s15+s2] =	stream.linear.scatter [tilespmem:s12], [sflag:$0x2], $0x2000, $0x38;
	[tilespmem:$0x10400] =	vst v63  }
0x130: {  	_ =	swait.ge [sflag:s6], $0x2000  }
0x131: {  	s15 =	sld [smem:$0x7FB]  }
0x132: {  	[sflag:s6] =	ssyncset.done $0x0  }
0x133: {  	[sflag:s6] =	ssyncadd.s32 $0xFFFFE000  }
0x134: {  	[hbm4b:s15+s2] =	stream.linear.scatter [tilespmem:s10], [sflag:$0x2], $0x2000, $0x38;
	[tilespmem:$0x10400] =	vst v63  }
0x135: {  	_ =	swait.ge [sflag:s6], $0x2000  }
0x136: {  	s15 =	sld [smem:$0x7FC]  }
0x137: {  	[sflag:s6] =	ssyncset.done $0x0  }
0x138: {  	[sflag:s6] =	ssyncadd.s32 $0xFFFFE000  }
0x139: {  	[hbm4b:s15+s2] =	stream.linear.scatter [tilespmem:s8], [sflag:$0x2], $0x2000, $0x38;
	[tilespmem:$0x10400] =	vst v63  }
0x13a: {  	_ =	swait.ge [sflag:s6], $0x2000  }
0x13b: {  	s15 =	sld [smem:$0x7FD]  }
0x13c: {  	[sflag:s6] =	ssyncset.done $0x0  }
0x13d: {  	[sflag:s6] =	ssyncadd.s32 $0xFFFFE000  }
0x13e: {  	[hbm4b:s15+s2] =	stream.linear.scatter [tilespmem:s7], [sflag:$0x2], $0x2000, $0x38;
	[tilespmem:$0x10400] =	vst v63  }
0x13f: {  	_ =	swait.ge [sflag:s5], $0x2000  }
0x140: {  	[sflag:s5] =	ssyncset.done $0x0  }
0x141: {  	[sflag:s5] =	ssyncadd.s32 $0xFFFFE000  }
0x142: {  	_ =	swait.ge [sflag:s5], $0x2000  }
0x143: {  	[sflag:s5] =	ssyncset.done $0x0  }
0x144: {  	[sflag:s5] =	ssyncadd.s32 $0xFFFFE000  }
0x145: {  	_ =	swait.ge [sflag:s5], $0x2000  }
0x146: {  	[sflag:s5] =	ssyncset.done $0x0  }
0x147: {  	[sflag:s5] =	ssyncadd.s32 $0xFFFFE000  }
0x148: {  	_ =	swait.ge [sflag:s5], $0x2000  }
0x149: {  	[sflag:s5] =	ssyncset.done $0x0  }
0x14a: {  	[sflag:s5] =	ssyncadd.s32 $0xFFFFE000  }
0x14b: {  	_ =	swait.ge [sflag:s5], $0x2000  }
0x14c: {  	[sflag:s5] =	ssyncset.done $0x0  }
0x14d: {  	[sflag:s5] =	ssyncadd.s32 $0xFFFFE000  }
0x14e: {  	_ =	swait.ge [sflag:s5], $0x2000  }
0x14f: {  	[sflag:s5] =	ssyncset.done $0x0  }
0x150: {  	p1 =	sne.s32 s0, $0x1;
	[sflag:s5] =	ssyncadd.s32 $0xFFFFE000  }
.Ltmp1:
0x151: {  	_ =	swait.ge [sflag:s5], $0x2000;
	(pc) =	sbr.rel @!p1 .LBB2_3-.Ltmp1, $4  }
0x152: {  	[sflag:s5] =	ssyncset.done $0x0  }
0x153: {  	[sflag:s5] =	ssyncadd.s32 $0xFFFFE000  }
0x154: {  	s0 =	sadd.s32 $0xFFFFFFFF, s0;
	_ =	swait.ge [sflag:s5], $0x2000  }
0x155: {  	p0 =	por $0x1, $0x1;
	s15 =	rddreg [dreg:$0x6];
	[sflag:s5] =	ssyncset.done $0x0  }
.LBB2_2:
0x156: {  	[sflag:s5] =	ssyncadd.s32 $0xFFFFE000  }
0x157: {  	[tilespmem:s2], [sflag:$0x3] =	stream.linear.gather [hbm4b:s15+s2], $0x200, $0x38;
	[tilespmem:$0x10400] =	vst v63  }
0x158: {  	_ =	swait.ge [sflag:s1], $0x200  }
0x159: {  	[sflag:s1] =	ssyncset.done $0x0  }
0x15a: {  	s15 =	rddreg [dreg:$0x7];
	[sflag:s1] =	ssyncadd.s32 $0xFFFFFE00  }
0x15b: {  	[tilespmem:s31], [sflag:$0x3] =	stream.linear.gather [hbm4b:s15+s2], $0x200, $0x38;
	[tilespmem:$0x10400] =	vst v63  }
0x15c: {  	_ =	swait.ge [sflag:s1], $0x200  }
0x15d: {  	[sflag:s1] =	ssyncset.done $0x0  }
0x15e: {  	[sflag:s1] =	ssyncadd.s32 $0xFFFFFE00  }
0x15f: {  	[tilespmem:s18], [sflag:$0x1] =	stream.indirect.gather [hbm4b:s3+s11], $0x80, s2, s11, $0xb8;
	[tilespmem:$0x10400] =	vst v63  }
0x160: {  	_ = 	snop  }
0x161: {  	[tilespmem:s17], [sflag:$0x1] =	stream.indirect.gather [hbm4b:s4+s11], $0x80, s31, s11, $0xb8;
	[tilespmem:$0x10400] =	vst v63  }
0x162: {  	_ = 	snop  }
0x163: {  	[tilespmem:s14], [sflag:$0x1] =	stream.indirect.gather [hbm4b:s9+s11], $0x80, s2, s11, $0xb8;
	[tilespmem:$0x10400] =	vst v63  }
0x164: {  	_ = 	snop  }
0x165: {  	[tilespmem:s13], [sflag:$0x1] =	stream.indirect.gather [hbm4b:s9+s11], $0x80, s31, s11, $0xb8;
	[tilespmem:$0x10400] =	vst v63  }
0x166: {  	_ =	swait.ge [sflag:s6], $0x2000  }
0x167: {  	[sflag:s6] =	ssyncset.done $0x0  }
0x168: {  	s15 =	rddreg [dreg:$0x8];
	[sflag:s6] =	ssyncadd.s32 $0xFFFFE000  }
0x169: {  	[hbm4b:s15+s2] =	stream.linear.scatter [tilespmem:s18], [sflag:$0x2], $0x2000, $0x38;
	[tilespmem:$0x10400] =	vst v63  }
0x16a: {  	_ =	swait.ge [sflag:s6], $0x2000  }
0x16b: {  	[sflag:s6] =	ssyncset.done $0x0  }
0x16c: {  	s15 =	rddreg [dreg:$0x9];
	[sflag:s6] =	ssyncadd.s32 $0xFFFFE000  }
0x16d: {  	[hbm4b:s15+s2] =	stream.linear.scatter [tilespmem:s17], [sflag:$0x2], $0x2000, $0x38;
	[tilespmem:$0x10400] =	vst v63  }
0x16e: {  	_ =	swait.ge [sflag:s6], $0x2000  }
0x16f: {  	[sflag:s6] =	ssyncset.done $0x0  }
0x170: {  	s15 =	rddreg [dreg:$0xa];
	[sflag:s6] =	ssyncadd.s32 $0xFFFFE000  }
0x171: {  	[hbm4b:s15+s2] =	stream.linear.scatter [tilespmem:s14], [sflag:$0x2], $0x2000, $0x38;
	[tilespmem:$0x10400] =	vst v63  }
0x172: {  	_ =	swait.ge [sflag:s6], $0x2000  }
0x173: {  	[sflag:s6] =	ssyncset.done $0x0  }
0x174: {  	s15 =	rddreg [dreg:$0xb];
	[sflag:s6] =	ssyncadd.s32 $0xFFFFE000  }
0x175: {  	[hbm4b:s15+s2] =	stream.linear.scatter [tilespmem:s13], [sflag:$0x2], $0x2000, $0x38;
	[tilespmem:$0x10400] =	vst v63  }
0x176: {  	_ = 	snop  }
0x177: {  	[tilespmem:s12], [sflag:$0x1] =	stream.indirect.gather [hbm4b:s3+s11], $0x80, s11, s11, $0xb8;
	[tilespmem:$0x10400] =	vst v63  }
0x178: {  	s15 =	simm.s32 $0x240  }
0x179: {  	[tilespmem:s10], [sflag:$0x1] =	stream.indirect.gather [hbm4b:s4+s11], $0x80, s15, s11, $0xb8;
	[tilespmem:$0x10400] =	vst v63  }
0x17a: {  	_ = 	snop  }
0x17b: {  	[tilespmem:s8], [sflag:$0x1] =	stream.indirect.gather [hbm4b:s9+s11], $0x80, s11, s11, $0xb8;
	[tilespmem:$0x10400] =	vst v63  }
0x17c: {  	_ = 	snop  }
0x17d: {  	[tilespmem:s7], [sflag:$0x1] =	stream.indirect.gather [hbm4b:s9+s11], $0x80, s15, s11, $0xb8;
	[tilespmem:$0x10400] =	vst v63  }
0x17e: {  	_ =	swait.ge [sflag:s6], $0x2000  }
0x17f: {  	[sflag:s6] =	ssyncset.done $0x0  }
0x180: {  	s15 =	rddreg [dreg:$0xc];
	[sflag:s6] =	ssyncadd.s32 $0xFFFFE000  }
0x181: {  	[hbm4b:s15+s2] =	stream.linear.scatter [tilespmem:s12], [sflag:$0x2], $0x2000, $0x38;
	[tilespmem:$0x10400] =	vst v63  }
0x182: {  	_ =	swait.ge [sflag:s6], $0x2000  }
0x183: {  	[sflag:s6] =	ssyncset.done $0x0  }
0x184: {  	s15 =	rddreg [dreg:$0xd];
	[sflag:s6] =	ssyncadd.s32 $0xFFFFE000  }
0x185: {  	[hbm4b:s15+s2] =	stream.linear.scatter [tilespmem:s10], [sflag:$0x2], $0x2000, $0x38;
	[tilespmem:$0x10400] =	vst v63  }
0x186: {  	_ =	swait.ge [sflag:s6], $0x2000  }
0x187: {  	[sflag:s6] =	ssyncset.done $0x0  }
0x188: {  	s15 =	rddreg [dreg:$0xe];
	[sflag:s6] =	ssyncadd.s32 $0xFFFFE000  }
0x189: {  	[hbm4b:s15+s2] =	stream.linear.scatter [tilespmem:s8], [sflag:$0x2], $0x2000, $0x38;
	[tilespmem:$0x10400] =	vst v63  }
0x18a: {  	_ =	swait.ge [sflag:s6], $0x2000  }
0x18b: {  	[sflag:s6] =	ssyncset.done $0x0  }
0x18c: {  	s15 =	rddreg [dreg:$0xf];
	[sflag:s6] =	ssyncadd.s32 $0xFFFFE000  }
0x18d: {  	[hbm4b:s15+s2] =	stream.linear.scatter [tilespmem:s7], [sflag:$0x2], $0x2000, $0x38;
	[tilespmem:$0x10400] =	vst v63  }
0x18e: {  	_ =	swait.ge [sflag:s5], $0x2000  }
0x18f: {  	[sflag:s5] =	ssyncset.done $0x0  }
0x190: {  	[sflag:s5] =	ssyncadd.s32 $0xFFFFE000  }
0x191: {  	_ =	swait.ge [sflag:s5], $0x2000  }
0x192: {  	[sflag:s5] =	ssyncset.done $0x0  }
0x193: {  	[sflag:s5] =	ssyncadd.s32 $0xFFFFE000  }
0x194: {  	_ =	swait.ge [sflag:s5], $0x2000  }
0x195: {  	[sflag:s5] =	ssyncset.done $0x0  }
0x196: {  	[sflag:s5] =	ssyncadd.s32 $0xFFFFE000  }
0x197: {  	_ =	swait.ge [sflag:s5], $0x2000  }
0x198: {  	[sflag:s5] =	ssyncset.done $0x0  }
0x199: {  	[sflag:s5] =	ssyncadd.s32 $0xFFFFE000  }
0x19a: {  	[tilespmem:s18], [sflag:$0x1] =	stream.indirect.gather [hbm4b:s3+s11], $0x80, s29, s11, $0xb8;
	[tilespmem:$0x10400] =	vst v63  }
0x19b: {  	_ = 	snop  }
0x19c: {  	[tilespmem:s17], [sflag:$0x1] =	stream.indirect.gather [hbm4b:s4+s11], $0x80, s30, s11, $0xb8;
	[tilespmem:$0x10400] =	vst v63  }
0x19d: {  	_ = 	snop  }
0x19e: {  	[tilespmem:s14], [sflag:$0x1] =	stream.indirect.gather [hbm4b:s9+s11], $0x80, s29, s11, $0xb8;
	[tilespmem:$0x10400] =	vst v63  }
0x19f: {  	_ = 	snop  }
0x1a0: {  	[tilespmem:s13], [sflag:$0x1] =	stream.indirect.gather [hbm4b:s9+s11], $0x80, s30, s11, $0xb8;
	[tilespmem:$0x10400] =	vst v63  }
0x1a1: {  	_ =	swait.ge [sflag:s6], $0x2000  }
0x1a2: {  	[sflag:s6] =	ssyncset.done $0x0  }
0x1a3: {  	s15 =	rddreg [dreg:$0x10];
	[sflag:s6] =	ssyncadd.s32 $0xFFFFE000  }
0x1a4: {  	[hbm4b:s15+s2] =	stream.linear.scatter [tilespmem:s18], [sflag:$0x2], $0x2000, $0x38;
	[tilespmem:$0x10400] =	vst v63  }
0x1a5: {  	_ =	swait.ge [sflag:s6], $0x2000  }
0x1a6: {  	[sflag:s6] =	ssyncset.done $0x0  }
0x1a7: {  	s15 =	rddreg [dreg:$0x11];
	[sflag:s6] =	ssyncadd.s32 $0xFFFFE000  }
0x1a8: {  	[hbm4b:s15+s2] =	stream.linear.scatter [tilespmem:s17], [sflag:$0x2], $0x2000, $0x38;
	[tilespmem:$0x10400] =	vst v63  }
0x1a9: {  	_ =	swait.ge [sflag:s6], $0x2000  }
0x1aa: {  	[sflag:s6] =	ssyncset.done $0x0  }
0x1ab: {  	s15 =	rddreg [dreg:$0x12];
	[sflag:s6] =	ssyncadd.s32 $0xFFFFE000  }
0x1ac: {  	[hbm4b:s15+s2] =	stream.linear.scatter [tilespmem:s14], [sflag:$0x2], $0x2000, $0x38;
	[tilespmem:$0x10400] =	vst v63  }
0x1ad: {  	_ =	swait.ge [sflag:s6], $0x2000  }
0x1ae: {  	[sflag:s6] =	ssyncset.done $0x0  }
0x1af: {  	s15 =	rddreg [dreg:$0x13];
	[sflag:s6] =	ssyncadd.s32 $0xFFFFE000  }
0x1b0: {  	[hbm4b:s15+s2] =	stream.linear.scatter [tilespmem:s13], [sflag:$0x2], $0x2000, $0x38;
	[tilespmem:$0x10400] =	vst v63  }
0x1b1: {  	_ =	swait.ge [sflag:s5], $0x2000  }
0x1b2: {  	[sflag:s5] =	ssyncset.done $0x0  }
0x1b3: {  	[sflag:s5] =	ssyncadd.s32 $0xFFFFE000  }
0x1b4: {  	_ =	swait.ge [sflag:s5], $0x2000  }
0x1b5: {  	[sflag:s5] =	ssyncset.done $0x0  }
0x1b6: {  	[sflag:s5] =	ssyncadd.s32 $0xFFFFE000  }
0x1b7: {  	_ =	swait.ge [sflag:s5], $0x2000  }
0x1b8: {  	[sflag:s5] =	ssyncset.done $0x0  }
0x1b9: {  	[sflag:s5] =	ssyncadd.s32 $0xFFFFE000  }
0x1ba: {  	_ =	swait.ge [sflag:s5], $0x2000  }
0x1bb: {  	[sflag:s5] =	ssyncset.done $0x0  }
0x1bc: {  	[sflag:s5] =	ssyncadd.s32 $0xFFFFE000  }
0x1bd: {  	[tilespmem:s12], [sflag:$0x1] =	stream.indirect.gather [hbm4b:s3+s11], $0x80, s26, s11, $0xb8;
	[tilespmem:$0x10400] =	vst v63  }
0x1be: {  	_ = 	snop  }
0x1bf: {  	[tilespmem:s10], [sflag:$0x1] =	stream.indirect.gather [hbm4b:s4+s11], $0x80, s28, s11, $0xb8;
	[tilespmem:$0x10400] =	vst v63  }
0x1c0: {  	_ = 	snop  }
0x1c1: {  	[tilespmem:s8], [sflag:$0x1] =	stream.indirect.gather [hbm4b:s9+s11], $0x80, s26, s11, $0xb8;
	[tilespmem:$0x10400] =	vst v63  }
0x1c2: {  	_ = 	snop  }
0x1c3: {  	[tilespmem:s7], [sflag:$0x1] =	stream.indirect.gather [hbm4b:s9+s11], $0x80, s28, s11, $0xb8;
	[tilespmem:$0x10400] =	vst v63  }
0x1c4: {  	_ =	swait.ge [sflag:s6], $0x2000  }
0x1c5: {  	[sflag:s6] =	ssyncset.done $0x0  }
0x1c6: {  	s15 =	rddreg [dreg:$0x14];
	[sflag:s6] =	ssyncadd.s32 $0xFFFFE000  }
0x1c7: {  	[hbm4b:s15+s2] =	stream.linear.scatter [tilespmem:s12], [sflag:$0x2], $0x2000, $0x38;
	[tilespmem:$0x10400] =	vst v63  }
0x1c8: {  	_ =	swait.ge [sflag:s6], $0x2000  }
0x1c9: {  	[sflag:s6] =	ssyncset.done $0x0  }
0x1ca: {  	s15 =	rddreg [dreg:$0x15];
	[sflag:s6] =	ssyncadd.s32 $0xFFFFE000  }
0x1cb: {  	[hbm4b:s15+s2] =	stream.linear.scatter [tilespmem:s10], [sflag:$0x2], $0x2000, $0x38;
	[tilespmem:$0x10400] =	vst v63  }
0x1cc: {  	_ =	swait.ge [sflag:s6], $0x2000  }
0x1cd: {  	[sflag:s6] =	ssyncset.done $0x0  }
0x1ce: {  	s15 =	rddreg [dreg:$0x16];
	[sflag:s6] =	ssyncadd.s32 $0xFFFFE000  }
0x1cf: {  	[hbm4b:s15+s2] =	stream.linear.scatter [tilespmem:s8], [sflag:$0x2], $0x2000, $0x38;
	[tilespmem:$0x10400] =	vst v63  }
0x1d0: {  	_ =	swait.ge [sflag:s6], $0x2000  }
0x1d1: {  	[sflag:s6] =	ssyncset.done $0x0  }
0x1d2: {  	s15 =	rddreg [dreg:$0x17];
	[sflag:s6] =	ssyncadd.s32 $0xFFFFE000  }
0x1d3: {  	[hbm4b:s15+s2] =	stream.linear.scatter [tilespmem:s7], [sflag:$0x2], $0x2000, $0x38;
	[tilespmem:$0x10400] =	vst v63  }
0x1d4: {  	_ =	swait.ge [sflag:s5], $0x2000  }
0x1d5: {  	[sflag:s5] =	ssyncset.done $0x0  }
0x1d6: {  	[sflag:s5] =	ssyncadd.s32 $0xFFFFE000  }
0x1d7: {  	_ =	swait.ge [sflag:s5], $0x2000  }
0x1d8: {  	[sflag:s5] =	ssyncset.done $0x0  }
0x1d9: {  	[sflag:s5] =	ssyncadd.s32 $0xFFFFE000  }
0x1da: {  	_ =	swait.ge [sflag:s5], $0x2000  }
0x1db: {  	[sflag:s5] =	ssyncset.done $0x0  }
0x1dc: {  	[sflag:s5] =	ssyncadd.s32 $0xFFFFE000  }
0x1dd: {  	_ =	swait.ge [sflag:s5], $0x2000  }
0x1de: {  	[sflag:s5] =	ssyncset.done $0x0  }
0x1df: {  	[sflag:s5] =	ssyncadd.s32 $0xFFFFE000  }
0x1e0: {  	[tilespmem:s18], [sflag:$0x1] =	stream.indirect.gather [hbm4b:s3+s11], $0x80, s24, s11, $0xb8;
	[tilespmem:$0x10400] =	vst v63  }
0x1e1: {  	_ = 	snop  }
0x1e2: {  	[tilespmem:s17], [sflag:$0x1] =	stream.indirect.gather [hbm4b:s4+s11], $0x80, s25, s11, $0xb8;
	[tilespmem:$0x10400] =	vst v63  }
0x1e3: {  	_ = 	snop  }
0x1e4: {  	[tilespmem:s14], [sflag:$0x1] =	stream.indirect.gather [hbm4b:s9+s11], $0x80, s24, s11, $0xb8;
	[tilespmem:$0x10400] =	vst v63  }
0x1e5: {  	_ = 	snop  }
0x1e6: {  	[tilespmem:s13], [sflag:$0x1] =	stream.indirect.gather [hbm4b:s9+s11], $0x80, s25, s11, $0xb8;
	[tilespmem:$0x10400] =	vst v63  }
0x1e7: {  	_ =	swait.ge [sflag:s6], $0x2000  }
0x1e8: {  	[sflag:s6] =	ssyncset.done $0x0  }
0x1e9: {  	s15 =	rddreg [dreg:$0x18];
	[sflag:s6] =	ssyncadd.s32 $0xFFFFE000  }
0x1ea: {  	[hbm4b:s15+s2] =	stream.linear.scatter [tilespmem:s18], [sflag:$0x2], $0x2000, $0x38;
	[tilespmem:$0x10400] =	vst v63  }
0x1eb: {  	_ =	swait.ge [sflag:s6], $0x2000  }
0x1ec: {  	[sflag:s6] =	ssyncset.done $0x0  }
0x1ed: {  	s15 =	rddreg [dreg:$0x19];
	[sflag:s6] =	ssyncadd.s32 $0xFFFFE000  }
0x1ee: {  	[hbm4b:s15+s2] =	stream.linear.scatter [tilespmem:s17], [sflag:$0x2], $0x2000, $0x38;
	[tilespmem:$0x10400] =	vst v63  }
0x1ef: {  	_ =	swait.ge [sflag:s6], $0x2000  }
0x1f0: {  	[sflag:s6] =	ssyncset.done $0x0  }
0x1f1: {  	s15 =	rddreg [dreg:$0x1a];
	[sflag:s6] =	ssyncadd.s32 $0xFFFFE000  }
0x1f2: {  	[hbm4b:s15+s2] =	stream.linear.scatter [tilespmem:s14], [sflag:$0x2], $0x2000, $0x38;
	[tilespmem:$0x10400] =	vst v63  }
0x1f3: {  	_ =	swait.ge [sflag:s6], $0x2000  }
0x1f4: {  	[sflag:s6] =	ssyncset.done $0x0  }
0x1f5: {  	s15 =	rddreg [dreg:$0x1b];
	[sflag:s6] =	ssyncadd.s32 $0xFFFFE000  }
0x1f6: {  	[hbm4b:s15+s2] =	stream.linear.scatter [tilespmem:s13], [sflag:$0x2], $0x2000, $0x38;
	[tilespmem:$0x10400] =	vst v63  }
0x1f7: {  	_ =	swait.ge [sflag:s5], $0x2000  }
0x1f8: {  	[sflag:s5] =	ssyncset.done $0x0  }
0x1f9: {  	[sflag:s5] =	ssyncadd.s32 $0xFFFFE000  }
0x1fa: {  	_ =	swait.ge [sflag:s5], $0x2000  }
0x1fb: {  	[sflag:s5] =	ssyncset.done $0x0  }
0x1fc: {  	[sflag:s5] =	ssyncadd.s32 $0xFFFFE000  }
0x1fd: {  	_ =	swait.ge [sflag:s5], $0x2000  }
0x1fe: {  	[sflag:s5] =	ssyncset.done $0x0  }
0x1ff: {  	[sflag:s5] =	ssyncadd.s32 $0xFFFFE000  }
0x200: {  	_ =	swait.ge [sflag:s5], $0x2000  }
0x201: {  	[sflag:s5] =	ssyncset.done $0x0  }
0x202: {  	[sflag:s5] =	ssyncadd.s32 $0xFFFFE000  }
0x203: {  	[tilespmem:s12], [sflag:$0x1] =	stream.indirect.gather [hbm4b:s3+s11], $0x80, s22, s11, $0xb8;
	[tilespmem:$0x10400] =	vst v63  }
0x204: {  	_ = 	snop  }
0x205: {  	[tilespmem:s10], [sflag:$0x1] =	stream.indirect.gather [hbm4b:s4+s11], $0x80, s23, s11, $0xb8;
	[tilespmem:$0x10400] =	vst v63  }
0x206: {  	_ = 	snop  }
0x207: {  	[tilespmem:s8], [sflag:$0x1] =	stream.indirect.gather [hbm4b:s9+s11], $0x80, s22, s11, $0xb8;
	[tilespmem:$0x10400] =	vst v63  }
0x208: {  	_ = 	snop  }
0x209: {  	[tilespmem:s7], [sflag:$0x1] =	stream.indirect.gather [hbm4b:s9+s11], $0x80, s23, s11, $0xb8;
	[tilespmem:$0x10400] =	vst v63  }
0x20a: {  	_ =	swait.ge [sflag:s6], $0x2000  }
0x20b: {  	[sflag:s6] =	ssyncset.done $0x0  }
0x20c: {  	s15 =	rddreg [dreg:$0x1c];
	[sflag:s6] =	ssyncadd.s32 $0xFFFFE000  }
0x20d: {  	[hbm4b:s15+s2] =	stream.linear.scatter [tilespmem:s12], [sflag:$0x2], $0x2000, $0x38;
	[tilespmem:$0x10400] =	vst v63  }
0x20e: {  	_ =	swait.ge [sflag:s6], $0x2000  }
0x20f: {  	[sflag:s6] =	ssyncset.done $0x0  }
0x210: {  	s15 =	rddreg [dreg:$0x1d];
	[sflag:s6] =	ssyncadd.s32 $0xFFFFE000  }
0x211: {  	[hbm4b:s15+s2] =	stream.linear.scatter [tilespmem:s10], [sflag:$0x2], $0x2000, $0x38;
	[tilespmem:$0x10400] =	vst v63  }
0x212: {  	_ =	swait.ge [sflag:s6], $0x2000  }
0x213: {  	[sflag:s6] =	ssyncset.done $0x0  }
0x214: {  	s15 =	rddreg [dreg:$0x1e];
	[sflag:s6] =	ssyncadd.s32 $0xFFFFE000  }
0x215: {  	[hbm4b:s15+s2] =	stream.linear.scatter [tilespmem:s8], [sflag:$0x2], $0x2000, $0x38;
	[tilespmem:$0x10400] =	vst v63  }
0x216: {  	_ =	swait.ge [sflag:s6], $0x2000  }
0x217: {  	[sflag:s6] =	ssyncset.done $0x0  }
0x218: {  	s15 =	rddreg [dreg:$0x1f];
	[sflag:s6] =	ssyncadd.s32 $0xFFFFE000  }
0x219: {  	[hbm4b:s15+s2] =	stream.linear.scatter [tilespmem:s7], [sflag:$0x2], $0x2000, $0x38;
	[tilespmem:$0x10400] =	vst v63  }
0x21a: {  	_ =	swait.ge [sflag:s5], $0x2000  }
0x21b: {  	[sflag:s5] =	ssyncset.done $0x0  }
0x21c: {  	[sflag:s5] =	ssyncadd.s32 $0xFFFFE000  }
0x21d: {  	_ =	swait.ge [sflag:s5], $0x2000  }
0x21e: {  	[sflag:s5] =	ssyncset.done $0x0  }
0x21f: {  	[sflag:s5] =	ssyncadd.s32 $0xFFFFE000  }
0x220: {  	_ =	swait.ge [sflag:s5], $0x2000  }
0x221: {  	[sflag:s5] =	ssyncset.done $0x0  }
0x222: {  	[sflag:s5] =	ssyncadd.s32 $0xFFFFE000  }
0x223: {  	_ =	swait.ge [sflag:s5], $0x2000  }
0x224: {  	[sflag:s5] =	ssyncset.done $0x0  }
0x225: {  	[sflag:s5] =	ssyncadd.s32 $0xFFFFE000  }
0x226: {  	[tilespmem:s18], [sflag:$0x1] =	stream.indirect.gather [hbm4b:s3+s11], $0x80, s20, s11, $0xb8;
	[tilespmem:$0x10400] =	vst v63  }
0x227: {  	_ = 	snop  }
0x228: {  	[tilespmem:s17], [sflag:$0x1] =	stream.indirect.gather [hbm4b:s4+s11], $0x80, s21, s11, $0xb8;
	[tilespmem:$0x10400] =	vst v63  }
0x229: {  	_ = 	snop  }
0x22a: {  	[tilespmem:s14], [sflag:$0x1] =	stream.indirect.gather [hbm4b:s9+s11], $0x80, s20, s11, $0xb8;
	[tilespmem:$0x10400] =	vst v63  }
0x22b: {  	_ = 	snop  }
0x22c: {  	[tilespmem:s13], [sflag:$0x1] =	stream.indirect.gather [hbm4b:s9+s11], $0x80, s21, s11, $0xb8;
	[tilespmem:$0x10400] =	vst v63  }
0x22d: {  	_ =	swait.ge [sflag:s6], $0x2000  }
0x22e: {  	s15 =	sld [smem:$0x7F6]  }
0x22f: {  	[sflag:s6] =	ssyncset.done $0x0  }
0x230: {  	[sflag:s6] =	ssyncadd.s32 $0xFFFFE000  }
0x231: {  	[hbm4b:s15+s2] =	stream.linear.scatter [tilespmem:s18], [sflag:$0x2], $0x2000, $0x38;
	[tilespmem:$0x10400] =	vst v63  }
0x232: {  	_ =	swait.ge [sflag:s6], $0x2000  }
0x233: {  	s15 =	sld [smem:$0x7F7]  }
0x234: {  	[sflag:s6] =	ssyncset.done $0x0  }
0x235: {  	[sflag:s6] =	ssyncadd.s32 $0xFFFFE000  }
0x236: {  	[hbm4b:s15+s2] =	stream.linear.scatter [tilespmem:s17], [sflag:$0x2], $0x2000, $0x38;
	[tilespmem:$0x10400] =	vst v63  }
0x237: {  	_ =	swait.ge [sflag:s6], $0x2000  }
0x238: {  	s15 =	sld [smem:$0x7F8]  }
0x239: {  	[sflag:s6] =	ssyncset.done $0x0  }
0x23a: {  	[sflag:s6] =	ssyncadd.s32 $0xFFFFE000  }
0x23b: {  	[hbm4b:s15+s2] =	stream.linear.scatter [tilespmem:s14], [sflag:$0x2], $0x2000, $0x38;
	[tilespmem:$0x10400] =	vst v63  }
0x23c: {  	_ =	swait.ge [sflag:s6], $0x2000  }
0x23d: {  	s15 =	sld [smem:$0x7F9]  }
0x23e: {  	[sflag:s6] =	ssyncset.done $0x0  }
0x23f: {  	[sflag:s6] =	ssyncadd.s32 $0xFFFFE000  }
0x240: {  	[hbm4b:s15+s2] =	stream.linear.scatter [tilespmem:s13], [sflag:$0x2], $0x2000, $0x38;
	[tilespmem:$0x10400] =	vst v63  }
0x241: {  	_ =	swait.ge [sflag:s5], $0x2000  }
0x242: {  	[sflag:s5] =	ssyncset.done $0x0  }
0x243: {  	[sflag:s5] =	ssyncadd.s32 $0xFFFFE000  }
0x244: {  	_ =	swait.ge [sflag:s5], $0x2000  }
0x245: {  	[sflag:s5] =	ssyncset.done $0x0  }
0x246: {  	[sflag:s5] =	ssyncadd.s32 $0xFFFFE000  }
0x247: {  	_ =	swait.ge [sflag:s5], $0x2000  }
0x248: {  	[sflag:s5] =	ssyncset.done $0x0  }
0x249: {  	[sflag:s5] =	ssyncadd.s32 $0xFFFFE000  }
0x24a: {  	_ =	swait.ge [sflag:s5], $0x2000  }
0x24b: {  	[sflag:s5] =	ssyncset.done $0x0  }
0x24c: {  	[sflag:s5] =	ssyncadd.s32 $0xFFFFE000  }
0x24d: {  	[tilespmem:s12], [sflag:$0x1] =	stream.indirect.gather [hbm4b:s3+s11], $0x80, s16, s11, $0xb8;
	[tilespmem:$0x10400] =	vst v63  }
0x24e: {  	_ = 	snop  }
0x24f: {  	[tilespmem:s10], [sflag:$0x1] =	stream.indirect.gather [hbm4b:s4+s11], $0x80, s19, s11, $0xb8;
	[tilespmem:$0x10400] =	vst v63  }
0x250: {  	_ = 	snop  }
0x251: {  	[tilespmem:s8], [sflag:$0x1] =	stream.indirect.gather [hbm4b:s9+s11], $0x80, s16, s11, $0xb8;
	[tilespmem:$0x10400] =	vst v63  }
0x252: {  	_ = 	snop  }
0x253: {  	[tilespmem:s7], [sflag:$0x1] =	stream.indirect.gather [hbm4b:s9+s11], $0x80, s19, s11, $0xb8;
	[tilespmem:$0x10400] =	vst v63  }
0x254: {  	_ =	swait.ge [sflag:s6], $0x2000  }
0x255: {  	s15 =	sld [smem:$0x7FA]  }
0x256: {  	[sflag:s6] =	ssyncset.done $0x0  }
0x257: {  	[sflag:s6] =	ssyncadd.s32 $0xFFFFE000  }
0x258: {  	[hbm4b:s15+s2] =	stream.linear.scatter [tilespmem:s12], [sflag:$0x2], $0x2000, $0x38;
	[tilespmem:$0x10400] =	vst v63  }
0x259: {  	_ =	swait.ge [sflag:s6], $0x2000  }
0x25a: {  	s15 =	sld [smem:$0x7FB]  }
0x25b: {  	[sflag:s6] =	ssyncset.done $0x0  }
0x25c: {  	[sflag:s6] =	ssyncadd.s32 $0xFFFFE000  }
0x25d: {  	[hbm4b:s15+s2] =	stream.linear.scatter [tilespmem:s10], [sflag:$0x2], $0x2000, $0x38;
	[tilespmem:$0x10400] =	vst v63  }
0x25e: {  	_ =	swait.ge [sflag:s6], $0x2000  }
0x25f: {  	s15 =	sld [smem:$0x7FC]  }
0x260: {  	[sflag:s6] =	ssyncset.done $0x0  }
0x261: {  	[sflag:s6] =	ssyncadd.s32 $0xFFFFE000  }
0x262: {  	[hbm4b:s15+s2] =	stream.linear.scatter [tilespmem:s8], [sflag:$0x2], $0x2000, $0x38;
	[tilespmem:$0x10400] =	vst v63  }
0x263: {  	_ =	swait.ge [sflag:s6], $0x2000  }
0x264: {  	s15 =	sld [smem:$0x7FD]  }
0x265: {  	[sflag:s6] =	ssyncset.done $0x0  }
0x266: {  	[sflag:s6] =	ssyncadd.s32 $0xFFFFE000  }
0x267: {  	[hbm4b:s15+s2] =	stream.linear.scatter [tilespmem:s7], [sflag:$0x2], $0x2000, $0x38;
	[tilespmem:$0x10400] =	vst v63  }
0x268: {  	_ =	swait.ge [sflag:s5], $0x2000  }
0x269: {  	[sflag:s5] =	ssyncset.done $0x0  }
0x26a: {  	[sflag:s5] =	ssyncadd.s32 $0xFFFFE000  }
0x26b: {  	_ =	swait.ge [sflag:s5], $0x2000  }
0x26c: {  	[sflag:s5] =	ssyncset.done $0x0  }
0x26d: {  	[sflag:s5] =	ssyncadd.s32 $0xFFFFE000  }
0x26e: {  	_ =	swait.ge [sflag:s5], $0x2000  }
0x26f: {  	[sflag:s5] =	ssyncset.done $0x0  }
0x270: {  	[sflag:s5] =	ssyncadd.s32 $0xFFFFE000  }
0x271: {  	_ =	swait.ge [sflag:s5], $0x2000  }
0x272: {  	[sflag:s5] =	ssyncset.done $0x0  }
0x273: {  	[sflag:s5] =	ssyncadd.s32 $0xFFFFE000  }
0x274: {  	_ =	swait.ge [sflag:s5], $0x2000  }
0x275: {  	[sflag:s5] =	ssyncset.done $0x0  }
0x276: {  	[sflag:s5] =	ssyncadd.s32 $0xFFFFE000  }
0x277: {  	_ =	swait.ge [sflag:s5], $0x2000  }
0x278: {  	[sflag:s5] =	ssyncset.done $0x0  }
0x279: {  	p1 =	sne.s32 s0, $0x1;
	[sflag:s5] =	ssyncadd.s32 $0xFFFFE000  }
.Ltmp2:
0x27a: {  	_ =	swait.ge [sflag:s5], $0x2000;
	(pc) =	sbr.rel @p1 .LBB2_2-.Ltmp2, $4  }
0x27b: {  	[sflag:s5] =	ssyncset.done $0x0  }
0x27c: {  	[sflag:s5] =	ssyncadd.s32 $0xFFFFE000  }
0x27d: {  	_ =	swait.ge [sflag:s5], $0x2000  }
0x27e: {  	s0 =	sadd.s32 $0xFFFFFFFF, s0;
	s15 =	rddreg [dreg:$0x6];
	[sflag:s5] =	ssyncset.done $0x0  }
.LBB2_3:
0x27f: {  	[sflag:s5] =	ssyncadd.s32 @p0 $0xFFFFE000  }
0x280: {  	[tilespmem:s2], [sflag:$0x3] =	stream.linear.gather [hbm4b:s15+s2], $0x200, $0x38;
	[tilespmem:$0x10400] =	vst v63  }
0x281: {  	_ =	swait.ge [sflag:s1], $0x200  }
0x282: {  	[sflag:s1] =	ssyncset.done $0x0  }
0x283: {  	s0 =	rddreg [dreg:$0x7];
	[sflag:s1] =	ssyncadd.s32 $0xFFFFFE00  }
0x284: {  	[tilespmem:s31], [sflag:$0x3] =	stream.linear.gather [hbm4b:s0+s2], $0x200, $0x38;
	[tilespmem:$0x10400] =	vst v63  }
0x285: {  	_ =	swait.ge [sflag:s1], $0x200  }
0x286: {  	[sflag:s1] =	ssyncset.done $0x0  }
0x287: {  	[sflag:s1] =	ssyncadd.s32 $0xFFFFFE00  }
0x288: {  	[tilespmem:s18], [sflag:$0x1] =	stream.indirect.gather [hbm4b:s3+s11], $0x80, s2, s11, $0xb8;
	[tilespmem:$0x10400] =	vst v63  }
0x289: {  	_ = 	snop  }
0x28a: {  	[tilespmem:s17], [sflag:$0x1] =	stream.indirect.gather [hbm4b:s4+s11], $0x80, s31, s11, $0xb8;
	[tilespmem:$0x10400] =	vst v63  }
0x28b: {  	_ = 	snop  }
0x28c: {  	[tilespmem:s14], [sflag:$0x1] =	stream.indirect.gather [hbm4b:s9+s11], $0x80, s2, s11, $0xb8;
	[tilespmem:$0x10400] =	vst v63  }
0x28d: {  	_ = 	snop  }
0x28e: {  	[tilespmem:s13], [sflag:$0x1] =	stream.indirect.gather [hbm4b:s9+s11], $0x80, s31, s11, $0xb8;
	[tilespmem:$0x10400] =	vst v63  }
0x28f: {  	_ =	swait.ge [sflag:s6], $0x2000  }
0x290: {  	[sflag:s6] =	ssyncset.done $0x0  }
0x291: {  	s30 =	rddreg [dreg:$0x8];
	[sflag:s6] =	ssyncadd.s32 $0xFFFFE000  }
0x292: {  	[hbm4b:s30+s2] =	stream.linear.scatter [tilespmem:s18], [sflag:$0x2], $0x2000, $0x38;
	[tilespmem:$0x10400] =	vst v63  }
0x293: {  	_ =	swait.ge [sflag:s6], $0x2000  }
0x294: {  	[sflag:s6] =	ssyncset.done $0x0  }
0x295: {  	s31 =	rddreg [dreg:$0x9];
	[sflag:s6] =	ssyncadd.s32 $0xFFFFE000  }
0x296: {  	[hbm4b:s31+s2] =	stream.linear.scatter [tilespmem:s17], [sflag:$0x2], $0x2000, $0x38;
	[tilespmem:$0x10400] =	vst v63  }
0x297: {  	_ =	swait.ge [sflag:s6], $0x2000  }
0x298: {  	[sflag:s6] =	ssyncset.done $0x0  }
0x299: {  	s1 =	rddreg [dreg:$0xa];
	[sflag:s6] =	ssyncadd.s32 $0xFFFFE000  }
0x29a: {  	[hbm4b:s1+s2] =	stream.linear.scatter [tilespmem:s14], [sflag:$0x2], $0x2000, $0x38;
	[tilespmem:$0x10400] =	vst v63  }
0x29b: {  	_ =	swait.ge [sflag:s6], $0x2000  }
0x29c: {  	[sflag:s6] =	ssyncset.done $0x0  }
0x29d: {  	s15 =	rddreg [dreg:$0xb];
	[sflag:s6] =	ssyncadd.s32 $0xFFFFE000  }
0x29e: {  	[hbm4b:s15+s2] =	stream.linear.scatter [tilespmem:s13], [sflag:$0x2], $0x2000, $0x38;
	[tilespmem:$0x10400] =	vst v63  }
0x29f: {  	_ = 	snop  }
0x2a0: {  	[tilespmem:s12], [sflag:$0x1] =	stream.indirect.gather [hbm4b:s3+s11], $0x80, s11, s11, $0xb8;
	[tilespmem:$0x10400] =	vst v63  }
0x2a1: {  	s16 =	simm.s32 $0x240  }
0x2a2: {  	[tilespmem:s10], [sflag:$0x1] =	stream.indirect.gather [hbm4b:s4+s11], $0x80, s16, s11, $0xb8;
	[tilespmem:$0x10400] =	vst v63  }
0x2a3: {  	_ = 	snop  }
0x2a4: {  	[tilespmem:s8], [sflag:$0x1] =	stream.indirect.gather [hbm4b:s9+s11], $0x80, s11, s11, $0xb8;
	[tilespmem:$0x10400] =	vst v63  }
0x2a5: {  	_ = 	snop  }
0x2a6: {  	[tilespmem:s7], [sflag:$0x1] =	stream.indirect.gather [hbm4b:s9+s11], $0x80, s16, s11, $0xb8;
	[tilespmem:$0x10400] =	vst v63  }
0x2a7: {  	_ =	swait.ge [sflag:s6], $0x2000  }
0x2a8: {  	[sflag:s6] =	ssyncset.done $0x0  }
0x2a9: {  	s19 =	rddreg [dreg:$0xc];
	[sflag:s6] =	ssyncadd.s32 $0xFFFFE000  }
0x2aa: {  	[hbm4b:s19+s2] =	stream.linear.scatter [tilespmem:s12], [sflag:$0x2], $0x2000, $0x38;
	[tilespmem:$0x10400] =	vst v63  }
0x2ab: {  	_ =	swait.ge [sflag:s6], $0x2000  }
0x2ac: {  	[sflag:s6] =	ssyncset.done $0x0  }
0x2ad: {  	s20 =	rddreg [dreg:$0xd];
	[sflag:s6] =	ssyncadd.s32 $0xFFFFE000  }
0x2ae: {  	[hbm4b:s20+s2] =	stream.linear.scatter [tilespmem:s10], [sflag:$0x2], $0x2000, $0x38;
	[tilespmem:$0x10400] =	vst v63  }
0x2af: {  	_ =	swait.ge [sflag:s6], $0x2000  }
0x2b0: {  	[sflag:s6] =	ssyncset.done $0x0  }
0x2b1: {  	s21 =	rddreg [dreg:$0xe];
	[sflag:s6] =	ssyncadd.s32 $0xFFFFE000  }
0x2b2: {  	[hbm4b:s21+s2] =	stream.linear.scatter [tilespmem:s8], [sflag:$0x2], $0x2000, $0x38;
	[tilespmem:$0x10400] =	vst v63  }
0x2b3: {  	_ =	swait.ge [sflag:s6], $0x2000  }
0x2b4: {  	[sflag:s6] =	ssyncset.done $0x0  }
0x2b5: {  	s22 =	rddreg [dreg:$0xf];
	[sflag:s6] =	ssyncadd.s32 $0xFFFFE000  }
0x2b6: {  	[hbm4b:s22+s2] =	stream.linear.scatter [tilespmem:s7], [sflag:$0x2], $0x2000, $0x38;
	[tilespmem:$0x10400] =	vst v63  }
0x2b7: {  	_ =	swait.ge [sflag:s5], $0x2000  }
0x2b8: {  	[sflag:s5] =	ssyncset.done $0x0  }
0x2b9: {  	[sflag:s5] =	ssyncadd.s32 $0xFFFFE000  }
0x2ba: {  	_ =	swait.ge [sflag:s5], $0x2000  }
0x2bb: {  	[sflag:s5] =	ssyncset.done $0x0  }
0x2bc: {  	[sflag:s5] =	ssyncadd.s32 $0xFFFFE000  }
0x2bd: {  	_ =	swait.ge [sflag:s5], $0x2000  }
0x2be: {  	[sflag:s5] =	ssyncset.done $0x0  }
0x2bf: {  	[sflag:s5] =	ssyncadd.s32 $0xFFFFE000  }
0x2c0: {  	_ =	swait.ge [sflag:s5], $0x2000  }
0x2c1: {  	[sflag:s5] =	ssyncset.done $0x0  }
0x2c2: {  	s23 =	simm.s32 $0x80;
	[sflag:s5] =	ssyncadd.s32 $0xFFFFE000  }
0x2c3: {  	[tilespmem:s18], [sflag:$0x1] =	stream.indirect.gather [hbm4b:s3+s11], $0x80, s23, s11, $0xb8;
	[tilespmem:$0x10400] =	vst v63  }
0x2c4: {  	s24 =	simm.s32 $0x280  }
0x2c5: {  	[tilespmem:s17], [sflag:$0x1] =	stream.indirect.gather [hbm4b:s4+s11], $0x80, s24, s11, $0xb8;
	[tilespmem:$0x10400] =	vst v63  }
0x2c6: {  	_ = 	snop  }
0x2c7: {  	[tilespmem:s14], [sflag:$0x1] =	stream.indirect.gather [hbm4b:s9+s11], $0x80, s23, s11, $0xb8;
	[tilespmem:$0x10400] =	vst v63  }
0x2c8: {  	_ = 	snop  }
0x2c9: {  	[tilespmem:s13], [sflag:$0x1] =	stream.indirect.gather [hbm4b:s9+s11], $0x80, s24, s11, $0xb8;
	[tilespmem:$0x10400] =	vst v63  }
0x2ca: {  	_ =	swait.ge [sflag:s6], $0x2000  }
0x2cb: {  	[sflag:s6] =	ssyncset.done $0x0  }
0x2cc: {  	s25 =	rddreg [dreg:$0x10];
	[sflag:s6] =	ssyncadd.s32 $0xFFFFE000  }
0x2cd: {  	[hbm4b:s25+s2] =	stream.linear.scatter [tilespmem:s18], [sflag:$0x2], $0x2000, $0x38;
	[tilespmem:$0x10400] =	vst v63  }
0x2ce: {  	_ =	swait.ge [sflag:s6], $0x2000  }
0x2cf: {  	[sflag:s6] =	ssyncset.done $0x0  }
0x2d0: {  	s26 =	rddreg [dreg:$0x11];
	[sflag:s6] =	ssyncadd.s32 $0xFFFFE000  }
0x2d1: {  	[hbm4b:s26+s2] =	stream.linear.scatter [tilespmem:s17], [sflag:$0x2], $0x2000, $0x38;
	[tilespmem:$0x10400] =	vst v63  }
0x2d2: {  	_ =	swait.ge [sflag:s6], $0x2000  }
0x2d3: {  	[sflag:s6] =	ssyncset.done $0x0  }
0x2d4: {  	s28 =	rddreg [dreg:$0x12];
	[sflag:s6] =	ssyncadd.s32 $0xFFFFE000  }
0x2d5: {  	[hbm4b:s28+s2] =	stream.linear.scatter [tilespmem:s14], [sflag:$0x2], $0x2000, $0x38;
	[tilespmem:$0x10400] =	vst v63  }
0x2d6: {  	_ =	swait.ge [sflag:s6], $0x2000  }
0x2d7: {  	[sflag:s6] =	ssyncset.done $0x0  }
0x2d8: {  	s29 =	rddreg [dreg:$0x13];
	[sflag:s6] =	ssyncadd.s32 $0xFFFFE000  }
0x2d9: {  	[hbm4b:s29+s2] =	stream.linear.scatter [tilespmem:s13], [sflag:$0x2], $0x2000, $0x38;
	[tilespmem:$0x10400] =	vst v63  }
0x2da: {  	_ =	swait.ge [sflag:s5], $0x2000  }
0x2db: {  	[sflag:s5] =	ssyncset.done $0x0  }
0x2dc: {  	[sflag:s5] =	ssyncadd.s32 $0xFFFFE000  }
0x2dd: {  	_ =	swait.ge [sflag:s5], $0x2000  }
0x2de: {  	[sflag:s5] =	ssyncset.done $0x0  }
0x2df: {  	[sflag:s5] =	ssyncadd.s32 $0xFFFFE000  }
0x2e0: {  	_ =	swait.ge [sflag:s5], $0x2000  }
0x2e1: {  	[sflag:s5] =	ssyncset.done $0x0  }
0x2e2: {  	[sflag:s5] =	ssyncadd.s32 $0xFFFFE000  }
0x2e3: {  	_ =	swait.ge [sflag:s5], $0x2000  }
0x2e4: {  	[sflag:s5] =	ssyncset.done $0x0  }
0x2e5: {  	s30 =	simm.s32 $0xC0;
	[sflag:s5] =	ssyncadd.s32 $0xFFFFE000  }
0x2e6: {  	[tilespmem:s12], [sflag:$0x1] =	stream.indirect.gather [hbm4b:s3+s11], $0x80, s30, s11, $0xb8;
	[tilespmem:$0x10400] =	vst v63  }
0x2e7: {  	s31 =	simm.s32 $0x2C0  }
0x2e8: {  	[tilespmem:s10], [sflag:$0x1] =	stream.indirect.gather [hbm4b:s4+s11], $0x80, s31, s11, $0xb8;
	[tilespmem:$0x10400] =	vst v63  }
0x2e9: {  	_ = 	snop  }
0x2ea: {  	[tilespmem:s8], [sflag:$0x1] =	stream.indirect.gather [hbm4b:s9+s11], $0x80, s30, s11, $0xb8;
	[tilespmem:$0x10400] =	vst v63  }
0x2eb: {  	_ = 	snop  }
0x2ec: {  	[tilespmem:s7], [sflag:$0x1] =	stream.indirect.gather [hbm4b:s9+s11], $0x80, s31, s11, $0xb8;
	[tilespmem:$0x10400] =	vst v63  }
0x2ed: {  	_ =	swait.ge [sflag:s6], $0x2000  }
0x2ee: {  	[sflag:s6] =	ssyncset.done $0x0  }
0x2ef: {  	s15 =	rddreg [dreg:$0x14];
	[sflag:s6] =	ssyncadd.s32 $0xFFFFE000  }
0x2f0: {  	[hbm4b:s15+s2] =	stream.linear.scatter [tilespmem:s12], [sflag:$0x2], $0x2000, $0x38;
	[tilespmem:$0x10400] =	vst v63  }
0x2f1: {  	_ =	swait.ge [sflag:s6], $0x2000  }
0x2f2: {  	[sflag:s6] =	ssyncset.done $0x0  }
0x2f3: {  	s16 =	rddreg [dreg:$0x15];
	[sflag:s6] =	ssyncadd.s32 $0xFFFFE000  }
0x2f4: {  	[hbm4b:s16+s2] =	stream.linear.scatter [tilespmem:s10], [sflag:$0x2], $0x2000, $0x38;
	[tilespmem:$0x10400] =	vst v63  }
0x2f5: {  	_ =	swait.ge [sflag:s6], $0x2000  }
0x2f6: {  	[sflag:s6] =	ssyncset.done $0x0  }
0x2f7: {  	s19 =	rddreg [dreg:$0x16];
	[sflag:s6] =	ssyncadd.s32 $0xFFFFE000  }
0x2f8: {  	[hbm4b:s19+s2] =	stream.linear.scatter [tilespmem:s8], [sflag:$0x2], $0x2000, $0x38;
	[tilespmem:$0x10400] =	vst v63  }
0x2f9: {  	_ =	swait.ge [sflag:s6], $0x2000  }
0x2fa: {  	[sflag:s6] =	ssyncset.done $0x0  }
0x2fb: {  	s20 =	rddreg [dreg:$0x17];
	[sflag:s6] =	ssyncadd.s32 $0xFFFFE000  }
0x2fc: {  	[hbm4b:s20+s2] =	stream.linear.scatter [tilespmem:s7], [sflag:$0x2], $0x2000, $0x38;
	[tilespmem:$0x10400] =	vst v63  }
0x2fd: {  	_ =	swait.ge [sflag:s5], $0x2000  }
0x2fe: {  	[sflag:s5] =	ssyncset.done $0x0  }
0x2ff: {  	[sflag:s5] =	ssyncadd.s32 $0xFFFFE000  }
0x300: {  	_ =	swait.ge [sflag:s5], $0x2000  }
0x301: {  	[sflag:s5] =	ssyncset.done $0x0  }
0x302: {  	[sflag:s5] =	ssyncadd.s32 $0xFFFFE000  }
0x303: {  	_ =	swait.ge [sflag:s5], $0x2000  }
0x304: {  	[sflag:s5] =	ssyncset.done $0x0  }
0x305: {  	[sflag:s5] =	ssyncadd.s32 $0xFFFFE000  }
0x306: {  	_ =	swait.ge [sflag:s5], $0x2000  }
0x307: {  	[sflag:s5] =	ssyncset.done $0x0  }
0x308: {  	s21 =	simm.s32 $0x100;
	[sflag:s5] =	ssyncadd.s32 $0xFFFFE000  }
0x309: {  	[tilespmem:s18], [sflag:$0x1] =	stream.indirect.gather [hbm4b:s3+s11], $0x80, s21, s11, $0xb8;
	[tilespmem:$0x10400] =	vst v63  }
0x30a: {  	s22 =	simm.s32 $0x300  }
0x30b: {  	[tilespmem:s17], [sflag:$0x1] =	stream.indirect.gather [hbm4b:s4+s11], $0x80, s22, s11, $0xb8;
	[tilespmem:$0x10400] =	vst v63  }
0x30c: {  	_ = 	snop  }
0x30d: {  	[tilespmem:s14], [sflag:$0x1] =	stream.indirect.gather [hbm4b:s9+s11], $0x80, s21, s11, $0xb8;
	[tilespmem:$0x10400] =	vst v63  }
0x30e: {  	_ = 	snop  }
0x30f: {  	[tilespmem:s13], [sflag:$0x1] =	stream.indirect.gather [hbm4b:s9+s11], $0x80, s22, s11, $0xb8;
	[tilespmem:$0x10400] =	vst v63  }
0x310: {  	_ =	swait.ge [sflag:s6], $0x2000  }
0x311: {  	[sflag:s6] =	ssyncset.done $0x0  }
0x312: {  	s23 =	rddreg [dreg:$0x18];
	[sflag:s6] =	ssyncadd.s32 $0xFFFFE000  }
0x313: {  	[hbm4b:s23+s2] =	stream.linear.scatter [tilespmem:s18], [sflag:$0x2], $0x2000, $0x38;
	[tilespmem:$0x10400] =	vst v63  }
0x314: {  	_ =	swait.ge [sflag:s6], $0x2000  }
0x315: {  	[sflag:s6] =	ssyncset.done $0x0  }
0x316: {  	s24 =	rddreg [dreg:$0x19];
	[sflag:s6] =	ssyncadd.s32 $0xFFFFE000  }
0x317: {  	[hbm4b:s24+s2] =	stream.linear.scatter [tilespmem:s17], [sflag:$0x2], $0x2000, $0x38;
	[tilespmem:$0x10400] =	vst v63  }
0x318: {  	_ =	swait.ge [sflag:s6], $0x2000  }
0x319: {  	[sflag:s6] =	ssyncset.done $0x0  }
0x31a: {  	s25 =	rddreg [dreg:$0x1a];
	[sflag:s6] =	ssyncadd.s32 $0xFFFFE000  }
0x31b: {  	[hbm4b:s25+s2] =	stream.linear.scatter [tilespmem:s14], [sflag:$0x2], $0x2000, $0x38;
	[tilespmem:$0x10400] =	vst v63  }
0x31c: {  	_ =	swait.ge [sflag:s6], $0x2000  }
0x31d: {  	[sflag:s6] =	ssyncset.done $0x0  }
0x31e: {  	s26 =	rddreg [dreg:$0x1b];
	[sflag:s6] =	ssyncadd.s32 $0xFFFFE000  }
0x31f: {  	[hbm4b:s26+s2] =	stream.linear.scatter [tilespmem:s13], [sflag:$0x2], $0x2000, $0x38;
	[tilespmem:$0x10400] =	vst v63  }
0x320: {  	_ =	swait.ge [sflag:s5], $0x2000  }
0x321: {  	[sflag:s5] =	ssyncset.done $0x0  }
0x322: {  	[sflag:s5] =	ssyncadd.s32 $0xFFFFE000  }
0x323: {  	_ =	swait.ge [sflag:s5], $0x2000  }
0x324: {  	[sflag:s5] =	ssyncset.done $0x0  }
0x325: {  	[sflag:s5] =	ssyncadd.s32 $0xFFFFE000  }
0x326: {  	_ =	swait.ge [sflag:s5], $0x2000  }
0x327: {  	[sflag:s5] =	ssyncset.done $0x0  }
0x328: {  	[sflag:s5] =	ssyncadd.s32 $0xFFFFE000  }
0x329: {  	_ =	swait.ge [sflag:s5], $0x2000  }
0x32a: {  	[sflag:s5] =	ssyncset.done $0x0  }
0x32b: {  	s28 =	simm.s32 $0x140;
	[sflag:s5] =	ssyncadd.s32 $0xFFFFE000  }
0x32c: {  	[tilespmem:s12], [sflag:$0x1] =	stream.indirect.gather [hbm4b:s3+s11], $0x80, s28, s11, $0xb8;
	[tilespmem:$0x10400] =	vst v63  }
0x32d: {  	s29 =	simm.s32 $0x340  }
0x32e: {  	[tilespmem:s10], [sflag:$0x1] =	stream.indirect.gather [hbm4b:s4+s11], $0x80, s29, s11, $0xb8;
	[tilespmem:$0x10400] =	vst v63  }
0x32f: {  	_ = 	snop  }
0x330: {  	[tilespmem:s8], [sflag:$0x1] =	stream.indirect.gather [hbm4b:s9+s11], $0x80, s28, s11, $0xb8;
	[tilespmem:$0x10400] =	vst v63  }
0x331: {  	_ = 	snop  }
0x332: {  	[tilespmem:s7], [sflag:$0x1] =	stream.indirect.gather [hbm4b:s9+s11], $0x80, s29, s11, $0xb8;
	[tilespmem:$0x10400] =	vst v63  }
0x333: {  	_ =	swait.ge [sflag:s6], $0x2000  }
0x334: {  	[sflag:s6] =	ssyncset.done $0x0  }
0x335: {  	s30 =	rddreg [dreg:$0x1c];
	[sflag:s6] =	ssyncadd.s32 $0xFFFFE000  }
0x336: {  	[hbm4b:s30+s2] =	stream.linear.scatter [tilespmem:s12], [sflag:$0x2], $0x2000, $0x38;
	[tilespmem:$0x10400] =	vst v63  }
0x337: {  	_ =	swait.ge [sflag:s6], $0x2000  }
0x338: {  	[sflag:s6] =	ssyncset.done $0x0  }
0x339: {  	s31 =	rddreg [dreg:$0x1d];
	[sflag:s6] =	ssyncadd.s32 $0xFFFFE000  }
0x33a: {  	[hbm4b:s31+s2] =	stream.linear.scatter [tilespmem:s10], [sflag:$0x2], $0x2000, $0x38;
	[tilespmem:$0x10400] =	vst v63  }
0x33b: {  	_ =	swait.ge [sflag:s6], $0x2000  }
0x33c: {  	[sflag:s6] =	ssyncset.done $0x0  }
0x33d: {  	s1 =	rddreg [dreg:$0x1e];
	[sflag:s6] =	ssyncadd.s32 $0xFFFFE000  }
0x33e: {  	[hbm4b:s1+s2] =	stream.linear.scatter [tilespmem:s8], [sflag:$0x2], $0x2000, $0x38;
	[tilespmem:$0x10400] =	vst v63  }
0x33f: {  	_ =	swait.ge [sflag:s6], $0x2000  }
0x340: {  	[sflag:s6] =	ssyncset.done $0x0  }
0x341: {  	s15 =	rddreg [dreg:$0x1f];
	[sflag:s6] =	ssyncadd.s32 $0xFFFFE000  }
0x342: {  	[hbm4b:s15+s2] =	stream.linear.scatter [tilespmem:s7], [sflag:$0x2], $0x2000, $0x38;
	[tilespmem:$0x10400] =	vst v63  }
0x343: {  	_ =	swait.ge [sflag:s5], $0x2000  }
0x344: {  	[sflag:s5] =	ssyncset.done $0x0  }
0x345: {  	[sflag:s5] =	ssyncadd.s32 $0xFFFFE000  }
0x346: {  	_ =	swait.ge [sflag:s5], $0x2000  }
0x347: {  	[sflag:s5] =	ssyncset.done $0x0  }
0x348: {  	[sflag:s5] =	ssyncadd.s32 $0xFFFFE000  }
0x349: {  	_ =	swait.ge [sflag:s5], $0x2000  }
0x34a: {  	[sflag:s5] =	ssyncset.done $0x0  }
0x34b: {  	[sflag:s5] =	ssyncadd.s32 $0xFFFFE000  }
0x34c: {  	_ =	swait.ge [sflag:s5], $0x2000  }
0x34d: {  	[sflag:s5] =	ssyncset.done $0x0  }
0x34e: {  	s16 =	simm.s32 $0x180;
	[sflag:s5] =	ssyncadd.s32 $0xFFFFE000  }
0x34f: {  	[tilespmem:s18], [sflag:$0x1] =	stream.indirect.gather [hbm4b:s3+s11], $0x80, s16, s11, $0xb8;
	[tilespmem:$0x10400] =	vst v63  }
0x350: {  	s19 =	simm.s32 $0x380  }
0x351: {  	[tilespmem:s17], [sflag:$0x1] =	stream.indirect.gather [hbm4b:s4+s11], $0x80, s19, s11, $0xb8;
	[tilespmem:$0x10400] =	vst v63  }
0x352: {  	_ = 	snop  }
0x353: {  	[tilespmem:s14], [sflag:$0x1] =	stream.indirect.gather [hbm4b:s9+s11], $0x80, s16, s11, $0xb8;
	[tilespmem:$0x10400] =	vst v63  }
0x354: {  	_ = 	snop  }
0x355: {  	[tilespmem:s13], [sflag:$0x1] =	stream.indirect.gather [hbm4b:s9+s11], $0x80, s19, s11, $0xb8;
	[tilespmem:$0x10400] =	vst v63  }
0x356: {  	_ =	swait.ge [sflag:s6], $0x2000  }
0x357: {  	s20 =	sld [smem:$0x7F6]  }
0x358: {  	[sflag:s6] =	ssyncset.done $0x0  }
0x359: {  	[sflag:s6] =	ssyncadd.s32 $0xFFFFE000  }
0x35a: {  	[hbm4b:s20+s2] =	stream.linear.scatter [tilespmem:s18], [sflag:$0x2], $0x2000, $0x38;
	[tilespmem:$0x10400] =	vst v63  }
0x35b: {  	_ =	swait.ge [sflag:s6], $0x2000  }
0x35c: {  	s21 =	sld [smem:$0x7F7]  }
0x35d: {  	[sflag:s6] =	ssyncset.done $0x0  }
0x35e: {  	[sflag:s6] =	ssyncadd.s32 $0xFFFFE000  }
0x35f: {  	[hbm4b:s21+s2] =	stream.linear.scatter [tilespmem:s17], [sflag:$0x2], $0x2000, $0x38;
	[tilespmem:$0x10400] =	vst v63  }
0x360: {  	_ =	swait.ge [sflag:s6], $0x2000  }
0x361: {  	s22 =	sld [smem:$0x7F8]  }
0x362: {  	[sflag:s6] =	ssyncset.done $0x0  }
0x363: {  	[sflag:s6] =	ssyncadd.s32 $0xFFFFE000  }
0x364: {  	[hbm4b:s22+s2] =	stream.linear.scatter [tilespmem:s14], [sflag:$0x2], $0x2000, $0x38;
	[tilespmem:$0x10400] =	vst v63  }
0x365: {  	_ =	swait.ge [sflag:s6], $0x2000  }
0x366: {  	s23 =	sld [smem:$0x7F9]  }
0x367: {  	[sflag:s6] =	ssyncset.done $0x0  }
0x368: {  	[sflag:s6] =	ssyncadd.s32 $0xFFFFE000  }
0x369: {  	[hbm4b:s23+s2] =	stream.linear.scatter [tilespmem:s13], [sflag:$0x2], $0x2000, $0x38;
	[tilespmem:$0x10400] =	vst v63  }
0x36a: {  	_ =	swait.ge [sflag:s5], $0x2000  }
0x36b: {  	[sflag:s5] =	ssyncset.done $0x0  }
0x36c: {  	[sflag:s5] =	ssyncadd.s32 $0xFFFFE000  }
0x36d: {  	_ =	swait.ge [sflag:s5], $0x2000  }
0x36e: {  	[sflag:s5] =	ssyncset.done $0x0  }
0x36f: {  	[sflag:s5] =	ssyncadd.s32 $0xFFFFE000  }
0x370: {  	_ =	swait.ge [sflag:s5], $0x2000  }
0x371: {  	[sflag:s5] =	ssyncset.done $0x0  }
0x372: {  	[sflag:s5] =	ssyncadd.s32 $0xFFFFE000  }
0x373: {  	_ =	swait.ge [sflag:s5], $0x2000  }
0x374: {  	[sflag:s5] =	ssyncset.done $0x0  }
0x375: {  	s24 =	simm.s32 $0x1C0;
	[sflag:s5] =	ssyncadd.s32 $0xFFFFE000  }
0x376: {  	[tilespmem:s12], [sflag:$0x1] =	stream.indirect.gather [hbm4b:s3+s11], $0x80, s24, s11, $0xb8;
	[tilespmem:$0x10400] =	vst v63  }
0x377: {  	s25 =	simm.s32 $0x3C0  }
0x378: {  	[tilespmem:s10], [sflag:$0x1] =	stream.indirect.gather [hbm4b:s4+s11], $0x80, s25, s11, $0xb8;
	[tilespmem:$0x10400] =	vst v63  }
0x379: {  	_ = 	snop  }
0x37a: {  	[tilespmem:s8], [sflag:$0x1] =	stream.indirect.gather [hbm4b:s9+s11], $0x80, s24, s11, $0xb8;
	[tilespmem:$0x10400] =	vst v63  }
0x37b: {  	_ = 	snop  }
0x37c: {  	[tilespmem:s7], [sflag:$0x1] =	stream.indirect.gather [hbm4b:s9+s11], $0x80, s25, s11, $0xb8;
	[tilespmem:$0x10400] =	vst v63  }
0x37d: {  	_ =	swait.ge [sflag:s6], $0x2000  }
0x37e: {  	s26 =	sld [smem:$0x7FA]  }
0x37f: {  	[sflag:s6] =	ssyncset.done $0x0  }
0x380: {  	[sflag:s6] =	ssyncadd.s32 $0xFFFFE000  }
0x381: {  	[hbm4b:s26+s2] =	stream.linear.scatter [tilespmem:s12], [sflag:$0x2], $0x2000, $0x38;
	[tilespmem:$0x10400] =	vst v63  }
0x382: {  	_ =	swait.ge [sflag:s6], $0x2000  }
0x383: {  	s28 =	sld [smem:$0x7FB]  }
0x384: {  	[sflag:s6] =	ssyncset.done $0x0  }
0x385: {  	[sflag:s6] =	ssyncadd.s32 $0xFFFFE000  }
0x386: {  	[hbm4b:s28+s2] =	stream.linear.scatter [tilespmem:s10], [sflag:$0x2], $0x2000, $0x38;
	[tilespmem:$0x10400] =	vst v63  }
0x387: {  	_ =	swait.ge [sflag:s6], $0x2000  }
0x388: {  	s29 =	sld [smem:$0x7FC]  }
0x389: {  	[sflag:s6] =	ssyncset.done $0x0  }
0x38a: {  	[sflag:s6] =	ssyncadd.s32 $0xFFFFE000  }
0x38b: {  	[hbm4b:s29+s2] =	stream.linear.scatter [tilespmem:s8], [sflag:$0x2], $0x2000, $0x38;
	[tilespmem:$0x10400] =	vst v63  }
0x38c: {  	_ =	swait.ge [sflag:s6], $0x2000  }
0x38d: {  	s30 =	sld [smem:$0x7FD]  }
0x38e: {  	[sflag:s6] =	ssyncset.done $0x0  }
0x38f: {  	[sflag:s6] =	ssyncadd.s32 $0xFFFFE000  }
0x390: {  	[hbm4b:s30+s2] =	stream.linear.scatter [tilespmem:s7], [sflag:$0x2], $0x2000, $0x38;
	[tilespmem:$0x10400] =	vst v63  }
0x391: {  	_ =	swait.ge [sflag:s5], $0x2000  }
0x392: {  	[sflag:s5] =	ssyncset.done $0x0  }
0x393: {  	[sflag:s5] =	ssyncadd.s32 $0xFFFFE000  }
0x394: {  	_ =	swait.ge [sflag:s5], $0x2000  }
0x395: {  	[sflag:s5] =	ssyncset.done $0x0  }
0x396: {  	[sflag:s5] =	ssyncadd.s32 $0xFFFFE000  }
0x397: {  	_ =	swait.ge [sflag:s5], $0x2000  }
0x398: {  	[sflag:s5] =	ssyncset.done $0x0  }
0x399: {  	[sflag:s5] =	ssyncadd.s32 $0xFFFFE000  }
0x39a: {  	_ =	swait.ge [sflag:s5], $0x2000  }
0x39b: {  	[sflag:s5] =	ssyncset.done $0x0  }
0x39c: {  	[sflag:s5] =	ssyncadd.s32 $0xFFFFE000  }
0x39d: {  	_ =	swait.ge [sflag:s5], $0x2000  }
0x39e: {  	[sflag:s5] =	ssyncset.done $0x0  }
0x39f: {  	[sflag:s5] =	ssyncadd.s32 $0xFFFFE000  }
0x3a0: {  	_ =	swait.ge [sflag:s5], $0x2000  }
0x3a1: {  	[sflag:s5] =	ssyncset.done $0x0  }
0x3a2: {  	[sflag:s5] =	ssyncadd.s32 $0xFFFFE000  }
0x3a3: {  	_ =	swait.ge [sflag:s5], $0x2000  }
0x3a4: {  	[sflag:s5] =	ssyncset.done $0x0  }
0x3a5: {  	[sflag:s5] =	ssyncadd.s32 $0xFFFFE000  }
0x3a6: {  	_ =	swait.ge [sflag:s5], $0x2000  }
0x3a7: {  	[sflag:s5] =	ssyncset.done $0x0  }
0x3a8: {  	[sflag:s5] =	ssyncadd.s32 $0xFFFFE000  }
0x3a9: {  	_ =	sfence.sel $0x180000  }
0x3aa: {  	[bflag:$0x0] =	sbarrier.arrive $0xFFFF  }
0x3ab: {  	_ =	strace $0x90000047  }
0x3ac: {  	s31 =	stileid.u32;
	[bflag:$0x2] =	sbarrier.arrive $0xFFFF  }
0x3ad: {  	p0 =	sne.s32 s31, $0x0;
	s0 =	rddreg [dreg:$0x5]  }
0x3ae: {  	s0 =	sadd.s32 @!p0 $0x100000, s0  }
0x3af: {  	[sflag:s0] =	ssyncadd.tile.s32 @!p0 $0x1;
	_ =	shalt  }
.Lfunc_end2:
_tile_overlayer_lowered:
.L_overlay_start_2:
0x3b0: {  	(tag) =	ssettag $0x2  }
0x3b1: {  	s0 =	rddreg [dreg:$0x0];
	s2 =	stileid.u32  }
0x3b2: {  	s1 =	rddreg [dreg:$0x1];
	p0 =	sne.s32 s2, $0x0  }
0x3b3: {  	s3 =	rddreg [dreg:$0x2];
	[bflag:$0x3] =	sbarrier.arrive $0xFFFF;
	s2 =	simm.s32 @!p0 $0x1C03  }
0x3b4: {  	[timem:s3], [sflag:s2] =	dma.local @!p0 [hbm:s0], s1  }
0x3b5: {  	s0 =	simm.s32 @!p0 $0x3  }
0x3b6: {  	_ =	swait.ge @!p0 [sflag:s0], s1  }
0x3b7: {  	s1 =	ssub.s32 @!p0 $0x0, s1;
	[sflag:s0] =	ssyncset.done @!p0 $0x0  }
0x3b8: {  	[sflag:s0] =	ssyncadd.s32 @!p0 s1  }
0x3b9: {  	[bflag:$0x3] =	sbarrier.arrive $0xFFFF  }
0x3ba: {  	_ =	shalt  }

</sc_bundles>
